<compile_context>
chip_gen: v7x
topology: tpu7x:2x2x1
jax: 0.10.2.dev20260603
libtpu: 0.0.44.dev20260713+nightly
codegen_flags: <defaults>
</compile_context>

<pallas_src>
import functools

import jax
import jax.numpy as jnp
from jax import lax
from jax.experimental import pallas as pl
from jax.experimental.pallas import tpu as pltpu
from jax.experimental.pallas import tpu_sc as plsc

_N = 8192
_B = 1024
_K8 = 8
_K4 = 4
_TILE = 128
_NTILES = _N // _TILE
_NC = 2
_NS = 16
_NW = _NC * _NS
_RPW = _N // _NW
_BPW = _B // _NW


def _topk_body(starts_ref, rows_ref, cols_ref, a_ref, rel_ref, n8_ref, r8_ref,
               w_ref, p_ref, vals_ref, inds_ref, relv_ref):
    i = pl.program_id(0)
    r0 = i * _TILE
    w_ref[...] = jnp.abs(a_ref[...])
    colio = lax.broadcasted_iota(jnp.int32, (_TILE, _N), 1)
    p_ref[...] = (colio << 6) | rel_ref[...]

    def scatter_body(t, carry):
        r = rows_ref[t]
        c = cols_ref[t]
        rr = r - r0
        row = w_ref[pl.ds(rr, 1), :]
        col = lax.broadcasted_iota(jnp.int32, (1, _N), 1)
        w_ref[pl.ds(rr, 1), :] = jnp.where(col == c, 0.0, row)
        return carry

    lax.fori_loop(starts_ref[i], starts_ref[i + 1], scatter_body, 0)

    big = jnp.int32(1 << 30)
    for k in range(_K8):
        w = w_ref[...]
        m = jnp.max(w, axis=1, keepdims=True)
        key = jnp.min(
            jnp.where(w == m, p_ref[...], big),
            axis=1, keepdims=True)
        idx = key >> 6
        vals_ref[k, :] = m[:, 0]
        inds_ref[k, :] = idx[:, 0]
        relv_ref[k, :] = (key & 63)[:, 0]
        if k + 1 < _K8:
            w_ref[...] = jnp.where(colio == idx, -1.0, w)

    valid = vals_ref[...] > 0.0
    inds = inds_ref[...]
    relv = relv_ref[...]
    n8_ref[...] = jnp.where(valid, inds, inds[0:1, :])
    r8_ref[...] = jnp.maximum(
        jnp.where(valid, relv, relv[0:1, :]) - 1, 0)


def _run_topk(node_adj, rel_adj, starts, rows, cols):
    return pl.pallas_call(
        _topk_body,
        grid=(_NTILES,),
        in_specs=[
            pl.BlockSpec(memory_space=pltpu.SMEM),
            pl.BlockSpec(memory_space=pltpu.SMEM),
            pl.BlockSpec(memory_space=pltpu.SMEM),
            pl.BlockSpec((_TILE, _N), lambda i: (i, 0)),
            pl.BlockSpec((_TILE, _N), lambda i: (i, 0)),
        ],
        out_specs=[
            pl.BlockSpec((_K8, _TILE), lambda i: (0, i)),
            pl.BlockSpec((_K8, _TILE), lambda i: (0, i)),
        ],
        out_shape=[
            jax.ShapeDtypeStruct((_K8, _N), jnp.int32),
            jax.ShapeDtypeStruct((_K8, _N), jnp.int32),
        ],
        scratch_shapes=[
            pltpu.VMEM((_TILE, _N), jnp.float32),
            pltpu.VMEM((_TILE, _N), jnp.int32),
            pltpu.VMEM((_K8, _TILE), jnp.float32),
            pltpu.VMEM((_K8, _TILE), jnp.int32),
            pltpu.VMEM((_K8, _TILE), jnp.int32),
        ],
    )(starts, rows, cols, node_adj, rel_adj)


def _chunked_gather(table_hbm, idx_v, dst_v, n, sem):
    copies = []
    for c in range(0, n, 128):
        w = min(128, n - c)
        copies.append(
            pltpu.async_copy(table_hbm.at[idx_v.at[pl.ds(c, w)]],
                             dst_v.at[pl.ds(c, w)], sem))
    for cp in copies:
        cp.wait()


def _hop_gathers(idx_hbm, n8_hbm, r8_hbm, o1_hbm, or1_hbm,
                 o2_hbm, or2_hbm, bi_v, f1_v, h1n_v, h1r_v, f2_v, h2n_v,
                 h2r_v, sem, b0, wid):
    pltpu.sync_copy(idx_hbm.at[pl.ds(b0, _BPW)], bi_v)

    for k in range(_K8):
        def f1_body(j, carry):
            sl = pl.ds(j * 16, 16)
            f1_v[pl.ds(k * _BPW + j * 16, 16)] = k * _N + bi_v[sl]
            return carry

        lax.fori_loop(0, _BPW // 16, f1_body, 0)
    _chunked_gather(n8_hbm, f1_v, h1n_v, _BPW * _K8, sem)
    _chunked_gather(r8_hbm, f1_v, h1r_v, _BPW * _K8, sem)
    pltpu.sync_copy(h1n_v, o1_hbm.at[pl.ds(wid * _BPW * _K8, _BPW * _K8)])
    pltpu.sync_copy(h1r_v, or1_hbm.at[pl.ds(wid * _BPW * _K8, _BPW * _K8)])

    n1 = _BPW * _K8
    for k4 in range(_K4):
        def f2_body(j, carry):
            f2_v[pl.ds(k4 * n1 + j * 16, 16)] = k4 * _N + h1n_v[pl.ds(j * 16,
                                                                      16)]
            return carry

        lax.fori_loop(0, n1 // 16, f2_body, 0)
    _chunked_gather(n8_hbm, f2_v, h2n_v, n1 * _K4, sem)
    _chunked_gather(r8_hbm, f2_v, h2r_v, n1 * _K4, sem)
    pltpu.sync_copy(h2n_v, o2_hbm.at[pl.ds(wid * n1 * _K4, n1 * _K4)])
    pltpu.sync_copy(h2r_v, or2_hbm.at[pl.ds(wid * n1 * _K4, n1 * _K4)])


def _stagec_body(m_hbm, d_hbm, n8_hbm, r8_hbm, m1_hbm,
                 mr1_hbm, m2_hbm, mr2_hbm, d1_hbm, dr1_hbm, d2_hbm, dr2_hbm,
                 bi_v, f1_v, h1n_v, h1r_v, f2_v, h2n_v, h2r_v, sem):
    wid = lax.axis_index("s") * _NC + lax.axis_index("c")
    b0 = wid * _BPW
    _hop_gathers(m_hbm, n8_hbm, r8_hbm, m1_hbm, mr1_hbm,
                 m2_hbm, mr2_hbm, bi_v, f1_v, h1n_v, h1r_v, f2_v, h2n_v,
                 h2r_v, sem, b0, wid)
    _hop_gathers(d_hbm, n8_hbm, r8_hbm, d1_hbm, dr1_hbm,
                 d2_hbm, dr2_hbm, bi_v, f1_v, h1n_v, h1r_v, f2_v, h2n_v,
                 h2r_v, sem, b0, wid)


def _run_stagec(m_node, d_node, n8, r8):
    mesh = plsc.VectorSubcoreMesh(core_axis_name="c", subcore_axis_name="s")
    fn = functools.partial(
        pl.kernel,
        out_type=[jax.ShapeDtypeStruct((_B * _K8,), jnp.int32),
                  jax.ShapeDtypeStruct((_B * _K8,), jnp.int32),
                  jax.ShapeDtypeStruct((_B * _K8 * _K4,), jnp.int32),
                  jax.ShapeDtypeStruct((_B * _K8 * _K4,), jnp.int32)] * 2,
        mesh=mesh,
        scratch_types=[
            pltpu.VMEM((_BPW,), jnp.int32),
            pltpu.VMEM((_BPW * _K8,), jnp.int32),
            pltpu.VMEM((_BPW * _K8,), jnp.int32),
            pltpu.VMEM((_BPW * _K8,), jnp.int32),
            pltpu.VMEM((_BPW * _K8 * _K4,), jnp.int32),
            pltpu.VMEM((_BPW * _K8 * _K4,), jnp.int32),
            pltpu.VMEM((_BPW * _K8 * _K4,), jnp.int32),
            pltpu.SemaphoreType.DMA,
        ],
    )(_stagec_body)
    return fn(m_node, d_node, n8, r8)


def kernel(m_node, d_node, node_adj, rel_adj):
    m_node = m_node.astype(jnp.int32)
    d_node = d_node.astype(jnp.int32)

    md = jnp.concatenate([m_node, d_node])
    dm = jnp.concatenate([d_node, m_node])
    order = jnp.argsort(md)
    rows = md[order]
    cols = dm[order]
    starts = jnp.searchsorted(
        rows, jnp.arange(_NTILES + 1, dtype=jnp.int32) * _TILE
    ).astype(jnp.int32)

    n8_t, r8_t = _run_topk(node_adj, rel_adj, starts, rows, cols)

    m1, mr1, m2, mr2, d1, dr1, d2, dr2 = _run_stagec(
        m_node, d_node, n8_t.reshape(-1), r8_t.reshape(-1))

    def _h1(x):
        return x.reshape(_NW, _K8, _BPW).transpose(0, 2, 1).reshape(_B, _K8)

    def _h2(x):
        return x.reshape(_NW, _K4, _K8, _BPW).transpose(0, 3, 2, 1).reshape(
            _B, _K8 * _K4)

    mnei = (m_node[:, None], _h1(m1), _h2(m2))
    mrel = (_h1(mr1), _h2(mr2))
    dnei = (d_node[:, None], _h1(d1), _h2(d2))
    drel = (_h1(dr1), _h2(dr2))
    return (mnei, mrel, dnei, drel)

# --- scband reference (transcript-rebuilt; emitter-appended) ---
"""Pipeline reference for scband-get-subgraph-85409719648986 (READ-ONLY COPY).

The authoritative reference and input builder live on the scoring server;
editing this copy changes nothing except your own understanding.
"""

import jax, jax.numpy as jnp
import numpy as np

NEI_SIZE = [8, 4]
HOP = 2
N = 8192
B = 1024


def setup_inputs(seed: int = 0) -> dict:
    key = jax.random.key(seed)
    k1, k2, k3, k4 = jax.random.split(key, 4)
    m_node = jax.random.randint(k1, (B,), 0, N)
    d_node = jax.random.randint(k2, (B,), 0, N)
    node_adj = jax.random.normal(k3, (N, N), dtype=jnp.float32)
    rel_adj = jax.random.randint(k4, (N, N), 0, 64)
    return {"m_node": m_node, "d_node": d_node, "node_adj": node_adj, "rel_adj": rel_adj}


def _get_nei_rel(nodes_index, nei_node, nei_rel):
    node_index = nodes_index.reshape(-1)
    node_neigh = jnp.take(nei_node, node_index, axis=0)
    rel_neigh = jnp.take(nei_rel, node_index, axis=0)
    node_subnei = node_neigh.reshape(nodes_index.shape[0], -1)
    rel_subnei = rel_neigh.reshape(nodes_index.shape[0], -1)
    return node_subnei, rel_subnei


def _select_neighbors(node_weight, rel_adj, neigh_size):
    sample_size = max(1, min(neigh_size, node_weight.shape[1]))
    weights, node_sample = jax.lax.top_k(node_weight, sample_size)
    rel_sample = jnp.take_along_axis(rel_adj, node_sample, axis=1).astype(jnp.int32) - 1
    valid_mask = weights > 0
    fallback_nodes = jnp.broadcast_to(node_sample[:, :1], node_sample.shape)
    fallback_rels = jnp.broadcast_to(rel_sample[:, :1], rel_sample.shape)
    node_sample = jnp.where(valid_mask, node_sample, fallback_nodes)
    rel_sample = jnp.where(valid_mask, rel_sample, fallback_rels)
    rel_sample = jnp.maximum(rel_sample, 0)
    return node_sample, rel_sample


def reference(m_node, d_node, node_adj, rel_adj):
    md_node = jnp.concatenate([m_node, d_node], axis=0)
    dm_node = jnp.concatenate([d_node, m_node], axis=0)
    node_mask = (node_adj != 0).astype(jnp.float32)
    node_mask = node_mask.at[md_node, dm_node].set(0.0)
    node_weight = jnp.abs(node_adj) * node_mask
    mnei_emb_list = [m_node[:, None]]
    dnei_emb_list = [d_node[:, None]]
    mrel_emb_list, drel_emb_list = [], []
    for hop_index in range(HOP):
        now_nei_size = NEI_SIZE[hop_index]
        nei_node_adj, rel_node_adj = _select_neighbors(node_weight, rel_adj, now_nei_size)
        m_subnode, m_subrel = _get_nei_rel(mnei_emb_list[-1], nei_node_adj, rel_node_adj)
        d_subnode, d_subrel = _get_nei_rel(dnei_emb_list[-1], nei_node_adj, rel_node_adj)
        mnei_emb_list.append(m_subnode)
        dnei_emb_list.append(d_subnode)
        mrel_emb_list.append(m_subrel)
        drel_emb_list.append(d_subrel)
    return (tuple(mnei_emb_list), tuple(mrel_emb_list), tuple(dnei_emb_list), tuple(drel_emb_list))

if __name__ == "__main__":
    import jax
    _d = setup_inputs()
    print(jax.jit(kernel)(*tuple(_d.values())))

</pallas_src>

<mosaic_0001>
#map = affine_map<(d0, d1) -> (0)>
module attributes {stable_mosaic.version = 14 : i64} {
  func.func @_stagec_body(%arg0: i32, %arg1: i32, %arg2: memref<1024xi32, #tpu.memory_space<hbm>>, %arg3: memref<1024xi32, #tpu.memory_space<hbm>>, %arg4: memref<65536xi32, #tpu.memory_space<hbm>>, %arg5: memref<65536xi32, #tpu.memory_space<hbm>>, %arg6: memref<8192xi32, #tpu.memory_space<hbm>>, %arg7: memref<8192xi32, #tpu.memory_space<hbm>>, %arg8: memref<32768xi32, #tpu.memory_space<hbm>>, %arg9: memref<32768xi32, #tpu.memory_space<hbm>>, %arg10: memref<8192xi32, #tpu.memory_space<hbm>>, %arg11: memref<8192xi32, #tpu.memory_space<hbm>>, %arg12: memref<32768xi32, #tpu.memory_space<hbm>>, %arg13: memref<32768xi32, #tpu.memory_space<hbm>>, %arg14: memref<32xi32, #tpu.memory_space<vmem>>, %arg15: memref<256xi32, #tpu.memory_space<vmem>>, %arg16: memref<256xi32, #tpu.memory_space<vmem>>, %arg17: memref<256xi32, #tpu.memory_space<vmem>>, %arg18: memref<1024xi32, #tpu.memory_space<vmem>>, %arg19: memref<1024xi32, #tpu.memory_space<vmem>>, %arg20: memref<1024xi32, #tpu.memory_space<vmem>>, %arg21: memref<!tpu.dma_semaphore, #tpu.memory_space<semaphore_mem>>) attributes {dimension_semantics = [#tpu.dimension_semantics<core_parallel>, #tpu.dimension_semantics<subcore_parallel>], iteration_bounds = array<i64: 2, 16>, scalar_prefetch = 0 : i64, scratch_operands = 8 : i64, tpu.core_type = #tpu.core_type<sc_vector_subcore>, window_params = [{transform_indices = #map}, {transform_indices = #map}, {transform_indices = #map}, {transform_indices = #map}, {transform_indices = #map}, {transform_indices = #map}, {transform_indices = #map}, {transform_indices = #map}, {transform_indices = #map}, {transform_indices = #map}, {transform_indices = #map}, {transform_indices = #map}]} {
    %mul3A = arith.constant 2 : i32
    %mul3A_0 = arith.muli %arg1, %mul3A : i32
    %add3A = arith.addi %mul3A_0, %arg0 : i32
    %mul3A_1 = arith.constant 32 : i32
    %mul3A_2 = arith.muli %add3A, %mul3A_1 : i32
    "tpu.region"() ({
      %run_scoped3A = tpu.sem_alloc : memref<!tpu.dma_semaphore, #tpu.memory_space<semaphore_mem>>
      %dma_start3A_656 = tpu.memref_slice %arg2[%mul3A_2] : memref<1024xi32, #tpu.memory_space<hbm>> -> memref<32xi32, #tpu.memory_space<hbm>>
      %dma_start3A_657 = tpu.memref_slice %arg2[%mul3A_2] : memref<1024xi32, #tpu.memory_space<hbm>> -> memref<32xi32, #tpu.memory_space<hbm>>
      tpu.enqueue_dma source(%dma_start3A_657 : memref<32xi32, #tpu.memory_space<hbm>>) target(%arg14 : memref<32xi32, #tpu.memory_space<vmem>>) target_semaphore(%run_scoped3A : memref<!tpu.dma_semaphore, #tpu.memory_space<semaphore_mem>>)
      %dma_wait3A_658 = tpu.memref_slice %arg2[%mul3A_2] : memref<1024xi32, #tpu.memory_space<hbm>> -> memref<32xi32, #tpu.memory_space<hbm>>
      %dma_wait3A_659 = tpu.memref_slice %arg2[%mul3A_2] : memref<1024xi32, #tpu.memory_space<hbm>> -> memref<32xi32, #tpu.memory_space<hbm>>
      tpu.wait_dma2 semaphore(%run_scoped3A : memref<!tpu.dma_semaphore, #tpu.memory_space<semaphore_mem>>) src(%dma_wait3A_659 : memref<32xi32, #tpu.memory_space<hbm>>) dst(%arg14 : memref<32xi32, #tpu.memory_space<vmem>>)
      tpu.yield
    }) : () -> ()
    %scan3A = arith.constant 0 : i32
    %scan3A_3 = arith.constant 0 : i32
    %scan3A_4 = arith.constant 2 : i32
    %scan3A_5 = arith.addi %scan3A_3, %scan3A_4 : i32
    %scan3A_6 = arith.constant 1 : i32
    scf.for %scan3A_656 = %scan3A_3 to %scan3A_5 step %scan3A_6  : i32 {
      %mul3A_657 = arith.constant 16 : i32
      %mul3A_658 = arith.muli %scan3A_656, %mul3A_657 : i32
      %get3A = arith.index_cast %mul3A_658 : i32 to index
      %get3A_659 = tpu.vector_load %arg14[%get3A] {strides = array<i32>} : memref<32xi32, #tpu.memory_space<vmem>>, vector<16xi32>,
      %get3A_660 = vector.shape_cast %get3A_659 : vector<16xi32> to vector<16xi32>
      %add3A_661 = arith.constant 0 : i32
      %add3A_662 = vector.broadcast %add3A_661 : i32 to vector<16xi32>
      %add3A_663 = arith.addi %add3A_662, %get3A_660 : vector<16xi32>
      %mul3A_664 = arith.constant 16 : i32
      %mul3A_665 = arith.muli %scan3A_656, %mul3A_664 : i32
      %add3A_666 = arith.constant 0 : i32
      %add3A_667 = arith.addi %add3A_666, %mul3A_665 : i32
      %swap3A = arith.index_cast %add3A_667 : i32 to index
      %swap3A_668 = tpu.vector_load %arg15[%swap3A] {strides = array<i32>} : memref<256xi32, #tpu.memory_space<vmem>>, vector<16xi32>,
      %swap3A_669 = vector.shape_cast %swap3A_668 : vector<16xi32> to vector<16xi32>
      %swap3A_670 = vector.shape_cast %add3A_663 : vector<16xi32> to vector<16xi32>
      tpu.vector_store %arg15[%swap3A], %swap3A_670 {strides = array<i32>} : memref<256xi32, #tpu.memory_space<vmem>>, vector<16xi32>,
    }
    %scan3A_7 = arith.constant 2 : i32
    %scan3A_8 = arith.constant 0 : i32
    %scan3A_9 = arith.constant 0 : i32
    %scan3A_10 = arith.constant 2 : i32
    %scan3A_11 = arith.addi %scan3A_9, %scan3A_10 : i32
    %scan3A_12 = arith.constant 1 : i32
    scf.for %scan3A_656 = %scan3A_9 to %scan3A_11 step %scan3A_12  : i32 {
      %mul3A_657 = arith.constant 16 : i32
      %mul3A_658 = arith.muli %scan3A_656, %mul3A_657 : i32
      %get3A = arith.index_cast %mul3A_658 : i32 to index
      %get3A_659 = tpu.vector_load %arg14[%get3A] {strides = array<i32>} : memref<32xi32, #tpu.memory_space<vmem>>, vector<16xi32>,
      %get3A_660 = vector.shape_cast %get3A_659 : vector<16xi32> to vector<16xi32>
      %add3A_661 = arith.constant 8192 : i32
      %add3A_662 = vector.broadcast %add3A_661 : i32 to vector<16xi32>
      %add3A_663 = arith.addi %add3A_662, %get3A_660 : vector<16xi32>
      %mul3A_664 = arith.constant 16 : i32
      %mul3A_665 = arith.muli %scan3A_656, %mul3A_664 : i32
      %add3A_666 = arith.constant 32 : i32
      %add3A_667 = arith.addi %add3A_666, %mul3A_665 : i32
      %swap3A = arith.index_cast %add3A_667 : i32 to index
      %swap3A_668 = tpu.vector_load %arg15[%swap3A] {strides = array<i32>} : memref<256xi32, #tpu.memory_space<vmem>>, vector<16xi32>,
      %swap3A_669 = vector.shape_cast %swap3A_668 : vector<16xi32> to vector<16xi32>
      %swap3A_670 = vector.shape_cast %add3A_663 : vector<16xi32> to vector<16xi32>
      tpu.vector_store %arg15[%swap3A], %swap3A_670 {strides = array<i32>} : memref<256xi32, #tpu.memory_space<vmem>>, vector<16xi32>,
    }
    %scan3A_13 = arith.constant 2 : i32
    %scan3A_14 = arith.constant 0 : i32
    %scan3A_15 = arith.constant 0 : i32
    %scan3A_16 = arith.constant 2 : i32
    %scan3A_17 = arith.addi %scan3A_15, %scan3A_16 : i32
    %scan3A_18 = arith.constant 1 : i32
    scf.for %scan3A_656 = %scan3A_15 to %scan3A_17 step %scan3A_18  : i32 {
      %mul3A_657 = arith.constant 16 : i32
      %mul3A_658 = arith.muli %scan3A_656, %mul3A_657 : i32
      %get3A = arith.index_cast %mul3A_658 : i32 to index
      %get3A_659 = tpu.vector_load %arg14[%get3A] {strides = array<i32>} : memref<32xi32, #tpu.memory_space<vmem>>, vector<16xi32>,
      %get3A_660 = vector.shape_cast %get3A_659 : vector<16xi32> to vector<16xi32>
      %add3A_661 = arith.constant 16384 : i32
      %add3A_662 = vector.broadcast %add3A_661 : i32 to vector<16xi32>
      %add3A_663 = arith.addi %add3A_662, %get3A_660 : vector<16xi32>
      %mul3A_664 = arith.constant 16 : i32
      %mul3A_665 = arith.muli %scan3A_656, %mul3A_664 : i32
      %add3A_666 = arith.constant 64 : i32
      %add3A_667 = arith.addi %add3A_666, %mul3A_665 : i32
      %swap3A = arith.index_cast %add3A_667 : i32 to index
      %swap3A_668 = tpu.vector_load %arg15[%swap3A] {strides = array<i32>} : memref<256xi32, #tpu.memory_space<vmem>>, vector<16xi32>,
      %swap3A_669 = vector.shape_cast %swap3A_668 : vector<16xi32> to vector<16xi32>
      %swap3A_670 = vector.shape_cast %add3A_663 : vector<16xi32> to vector<16xi32>
      tpu.vector_store %arg15[%swap3A], %swap3A_670 {strides = array<i32>} : memref<256xi32, #tpu.memory_space<vmem>>, vector<16xi32>,
    }
    %scan3A_19 = arith.constant 2 : i32
    %scan3A_20 = arith.constant 0 : i32
    %scan3A_21 = arith.constant 0 : i32
    %scan3A_22 = arith.constant 2 : i32
    %scan3A_23 = arith.addi %scan3A_21, %scan3A_22 : i32
    %scan3A_24 = arith.constant 1 : i32
    scf.for %scan3A_656 = %scan3A_21 to %scan3A_23 step %scan3A_24  : i32 {
      %mul3A_657 = arith.constant 16 : i32
      %mul3A_658 = arith.muli %scan3A_656, %mul3A_657 : i32
      %get3A = arith.index_cast %mul3A_658 : i32 to index
      %get3A_659 = tpu.vector_load %arg14[%get3A] {strides = array<i32>} : memref<32xi32, #tpu.memory_space<vmem>>, vector<16xi32>,
      %get3A_660 = vector.shape_cast %get3A_659 : vector<16xi32> to vector<16xi32>
      %add3A_661 = arith.constant 24576 : i32
      %add3A_662 = vector.broadcast %add3A_661 : i32 to vector<16xi32>
      %add3A_663 = arith.addi %add3A_662, %get3A_660 : vector<16xi32>
      %mul3A_664 = arith.constant 16 : i32
      %mul3A_665 = arith.muli %scan3A_656, %mul3A_664 : i32
      %add3A_666 = arith.constant 96 : i32
      %add3A_667 = arith.addi %add3A_666, %mul3A_665 : i32
      %swap3A = arith.index_cast %add3A_667 : i32 to index
      %swap3A_668 = tpu.vector_load %arg15[%swap3A] {strides = array<i32>} : memref<256xi32, #tpu.memory_space<vmem>>, vector<16xi32>,
      %swap3A_669 = vector.shape_cast %swap3A_668 : vector<16xi32> to vector<16xi32>
      %swap3A_670 = vector.shape_cast %add3A_663 : vector<16xi32> to vector<16xi32>
      tpu.vector_store %arg15[%swap3A], %swap3A_670 {strides = array<i32>} : memref<256xi32, #tpu.memory_space<vmem>>, vector<16xi32>,
    }
    %scan3A_25 = arith.constant 2 : i32
    %scan3A_26 = arith.constant 0 : i32
    %scan3A_27 = arith.constant 0 : i32
    %scan3A_28 = arith.constant 2 : i32
    %scan3A_29 = arith.addi %scan3A_27, %scan3A_28 : i32
    %scan3A_30 = arith.constant 1 : i32
    scf.for %scan3A_656 = %scan3A_27 to %scan3A_29 step %scan3A_30  : i32 {
      %mul3A_657 = arith.constant 16 : i32
      %mul3A_658 = arith.muli %scan3A_656, %mul3A_657 : i32
      %get3A = arith.index_cast %mul3A_658 : i32 to index
      %get3A_659 = tpu.vector_load %arg14[%get3A] {strides = array<i32>} : memref<32xi32, #tpu.memory_space<vmem>>, vector<16xi32>,
      %get3A_660 = vector.shape_cast %get3A_659 : vector<16xi32> to vector<16xi32>
      %add3A_661 = arith.constant 32768 : i32
      %add3A_662 = vector.broadcast %add3A_661 : i32 to vector<16xi32>
      %add3A_663 = arith.addi %add3A_662, %get3A_660 : vector<16xi32>
      %mul3A_664 = arith.constant 16 : i32
      %mul3A_665 = arith.muli %scan3A_656, %mul3A_664 : i32
      %add3A_666 = arith.constant 128 : i32
      %add3A_667 = arith.addi %add3A_666, %mul3A_665 : i32
      %swap3A = arith.index_cast %add3A_667 : i32 to index
      %swap3A_668 = tpu.vector_load %arg15[%swap3A] {strides = array<i32>} : memref<256xi32, #tpu.memory_space<vmem>>, vector<16xi32>,
      %swap3A_669 = vector.shape_cast %swap3A_668 : vector<16xi32> to vector<16xi32>
      %swap3A_670 = vector.shape_cast %add3A_663 : vector<16xi32> to vector<16xi32>
      tpu.vector_store %arg15[%swap3A], %swap3A_670 {strides = array<i32>} : memref<256xi32, #tpu.memory_space<vmem>>, vector<16xi32>,
    }
    %scan3A_31 = arith.constant 2 : i32
    %scan3A_32 = arith.constant 0 : i32
    %scan3A_33 = arith.constant 0 : i32
    %scan3A_34 = arith.constant 2 : i32
    %scan3A_35 = arith.addi %scan3A_33, %scan3A_34 : i32
    %scan3A_36 = arith.constant 1 : i32
    scf.for %scan3A_656 = %scan3A_33 to %scan3A_35 step %scan3A_36  : i32 {
      %mul3A_657 = arith.constant 16 : i32
      %mul3A_658 = arith.muli %scan3A_656, %mul3A_657 : i32
      %get3A = arith.index_cast %mul3A_658 : i32 to index
      %get3A_659 = tpu.vector_load %arg14[%get3A] {strides = array<i32>} : memref<32xi32, #tpu.memory_space<vmem>>, vector<16xi32>,
      %get3A_660 = vector.shape_cast %get3A_659 : vector<16xi32> to vector<16xi32>
      %add3A_661 = arith.constant 40960 : i32
      %add3A_662 = vector.broadcast %add3A_661 : i32 to vector<16xi32>
      %add3A_663 = arith.addi %add3A_662, %get3A_660 : vector<16xi32>
      %mul3A_664 = arith.constant 16 : i32
      %mul3A_665 = arith.muli %scan3A_656, %mul3A_664 : i32
      %add3A_666 = arith.constant 160 : i32
      %add3A_667 = arith.addi %add3A_666, %mul3A_665 : i32
      %swap3A = arith.index_cast %add3A_667 : i32 to index
      %swap3A_668 = tpu.vector_load %arg15[%swap3A] {strides = array<i32>} : memref<256xi32, #tpu.memory_space<vmem>>, vector<16xi32>,
      %swap3A_669 = vector.shape_cast %swap3A_668 : vector<16xi32> to vector<16xi32>
      %swap3A_670 = vector.shape_cast %add3A_663 : vector<16xi32> to vector<16xi32>
      tpu.vector_store %arg15[%swap3A], %swap3A_670 {strides = array<i32>} : memref<256xi32, #tpu.memory_space<vmem>>, vector<16xi32>,
    }
    %scan3A_37 = arith.constant 2 : i32
    %scan3A_38 = arith.constant 0 : i32
    %scan3A_39 = arith.constant 0 : i32
    %scan3A_40 = arith.constant 2 : i32
    %scan3A_41 = arith.addi %scan3A_39, %scan3A_40 : i32
    %scan3A_42 = arith.constant 1 : i32
    scf.for %scan3A_656 = %scan3A_39 to %scan3A_41 step %scan3A_42  : i32 {
      %mul3A_657 = arith.constant 16 : i32
      %mul3A_658 = arith.muli %scan3A_656, %mul3A_657 : i32
      %get3A = arith.index_cast %mul3A_658 : i32 to index
      %get3A_659 = tpu.vector_load %arg14[%get3A] {strides = array<i32>} : memref<32xi32, #tpu.memory_space<vmem>>, vector<16xi32>,
      %get3A_660 = vector.shape_cast %get3A_659 : vector<16xi32> to vector<16xi32>
      %add3A_661 = arith.constant 49152 : i32
      %add3A_662 = vector.broadcast %add3A_661 : i32 to vector<16xi32>
      %add3A_663 = arith.addi %add3A_662, %get3A_660 : vector<16xi32>
      %mul3A_664 = arith.constant 16 : i32
      %mul3A_665 = arith.muli %scan3A_656, %mul3A_664 : i32
      %add3A_666 = arith.constant 192 : i32
      %add3A_667 = arith.addi %add3A_666, %mul3A_665 : i32
      %swap3A = arith.index_cast %add3A_667 : i32 to index
      %swap3A_668 = tpu.vector_load %arg15[%swap3A] {strides = array<i32>} : memref<256xi32, #tpu.memory_space<vmem>>, vector<16xi32>,
      %swap3A_669 = vector.shape_cast %swap3A_668 : vector<16xi32> to vector<16xi32>
      %swap3A_670 = vector.shape_cast %add3A_663 : vector<16xi32> to vector<16xi32>
      tpu.vector_store %arg15[%swap3A], %swap3A_670 {strides = array<i32>} : memref<256xi32, #tpu.memory_space<vmem>>, vector<16xi32>,
    }
    %scan3A_43 = arith.constant 2 : i32
    %scan3A_44 = arith.constant 0 : i32
    %scan3A_45 = arith.constant 0 : i32
    %scan3A_46 = arith.constant 2 : i32
    %scan3A_47 = arith.addi %scan3A_45, %scan3A_46 : i32
    %scan3A_48 = arith.constant 1 : i32
    scf.for %scan3A_656 = %scan3A_45 to %scan3A_47 step %scan3A_48  : i32 {
      %mul3A_657 = arith.constant 16 : i32
      %mul3A_658 = arith.muli %scan3A_656, %mul3A_657 : i32
      %get3A = arith.index_cast %mul3A_658 : i32 to index
      %get3A_659 = tpu.vector_load %arg14[%get3A] {strides = array<i32>} : memref<32xi32, #tpu.memory_space<vmem>>, vector<16xi32>,
      %get3A_660 = vector.shape_cast %get3A_659 : vector<16xi32> to vector<16xi32>
      %add3A_661 = arith.constant 57344 : i32
      %add3A_662 = vector.broadcast %add3A_661 : i32 to vector<16xi32>
      %add3A_663 = arith.addi %add3A_662, %get3A_660 : vector<16xi32>
      %mul3A_664 = arith.constant 16 : i32
      %mul3A_665 = arith.muli %scan3A_656, %mul3A_664 : i32
      %add3A_666 = arith.constant 224 : i32
      %add3A_667 = arith.addi %add3A_666, %mul3A_665 : i32
      %swap3A = arith.index_cast %add3A_667 : i32 to index
      %swap3A_668 = tpu.vector_load %arg15[%swap3A] {strides = array<i32>} : memref<256xi32, #tpu.memory_space<vmem>>, vector<16xi32>,
      %swap3A_669 = vector.shape_cast %swap3A_668 : vector<16xi32> to vector<16xi32>
      %swap3A_670 = vector.shape_cast %add3A_663 : vector<16xi32> to vector<16xi32>
      tpu.vector_store %arg15[%swap3A], %swap3A_670 {strides = array<i32>} : memref<256xi32, #tpu.memory_space<vmem>>, vector<16xi32>,
    }
    %scan3A_49 = arith.constant 2 : i32
    %dma_start3A = arith.constant 0 : i32
    %dma_start3A_50 = tpu.memref_slice %arg16[%dma_start3A] : memref<256xi32, #tpu.memory_space<vmem>> -> memref<128xi32, #tpu.memory_space<vmem>>
    %dma_start3A_51 = arith.constant 0 : i32
    %dma_start3A_52 = tpu.memref_slice %arg15[%dma_start3A_51] : memref<256xi32, #tpu.memory_space<vmem>> -> memref<128xi32, #tpu.memory_space<vmem>>
    %dma_start3A_53 = arith.constant 0 : i32
    %dma_start3A_54 = tpu.memref_slice %arg4[%dma_start3A_53] : memref<65536xi32, #tpu.memory_space<hbm>> -> memref<65536xi32, #tpu.memory_space<hbm>>
    tpu.enqueue_indirect_dma source(%dma_start3A_54 : memref<65536xi32, #tpu.memory_space<hbm>>) target(%dma_start3A_50 : memref<128xi32, #tpu.memory_space<vmem>>) offsets(%dma_start3A_52 : memref<128xi32, #tpu.memory_space<vmem>>) semaphore(%arg21 : memref<!tpu.dma_semaphore, #tpu.memory_space<semaphore_mem>>)
    %dma_start3A_55 = arith.constant 128 : i32
    %dma_start3A_56 = tpu.memref_slice %arg16[%dma_start3A_55] : memref<256xi32, #tpu.memory_space<vmem>> -> memref<128xi32, #tpu.memory_space<vmem>>
    %dma_start3A_57 = arith.constant 128 : i32
    %dma_start3A_58 = tpu.memref_slice %arg15[%dma_start3A_57] : memref<256xi32, #tpu.memory_space<vmem>> -> memref<128xi32, #tpu.memory_space<vmem>>
    %dma_start3A_59 = arith.constant 0 : i32
    %dma_start3A_60 = tpu.memref_slice %arg4[%dma_start3A_59] : memref<65536xi32, #tpu.memory_space<hbm>> -> memref<65536xi32, #tpu.memory_space<hbm>>
    tpu.enqueue_indirect_dma source(%dma_start3A_60 : memref<65536xi32, #tpu.memory_space<hbm>>) target(%dma_start3A_56 : memref<128xi32, #tpu.memory_space<vmem>>) offsets(%dma_start3A_58 : memref<128xi32, #tpu.memory_space<vmem>>) semaphore(%arg21 : memref<!tpu.dma_semaphore, #tpu.memory_space<semaphore_mem>>)
    %dma_wait3A = arith.constant 0 : i32
    %dma_wait3A_61 = tpu.memref_slice %arg16[%dma_wait3A] : memref<256xi32, #tpu.memory_space<vmem>> -> memref<128xi32, #tpu.memory_space<vmem>>
    %dma_wait3A_62 = arith.constant 0 : i32
    %dma_wait3A_63 = tpu.memref_slice %arg15[%dma_wait3A_62] : memref<256xi32, #tpu.memory_space<vmem>> -> memref<128xi32, #tpu.memory_space<vmem>>
    %dma_wait3A_64 = arith.constant 0 : i32
    %dma_wait3A_65 = tpu.memref_slice %arg4[%dma_wait3A_64] : memref<65536xi32, #tpu.memory_space<hbm>> -> memref<65536xi32, #tpu.memory_space<hbm>>
    tpu.wait_indirect_dma semaphore(%arg21 : memref<!tpu.dma_semaphore, #tpu.memory_space<semaphore_mem>>) src(%dma_wait3A_65 : memref<65536xi32, #tpu.memory_space<hbm>>) dst(%dma_wait3A_61 : memref<128xi32, #tpu.memory_space<vmem>>)
    %dma_wait3A_66 = arith.constant 128 : i32
    %dma_wait3A_67 = tpu.memref_slice %arg16[%dma_wait3A_66] : memref<256xi32, #tpu.memory_space<vmem>> -> memref<128xi32, #tpu.memory_space<vmem>>
    %dma_wait3A_68 = arith.constant 128 : i32
    %dma_wait3A_69 = tpu.memref_slice %arg15[%dma_wait3A_68] : memref<256xi32, #tpu.memory_space<vmem>> -> memref<128xi32, #tpu.memory_space<vmem>>
    %dma_wait3A_70 = arith.constant 0 : i32
    %dma_wait3A_71 = tpu.memref_slice %arg4[%dma_wait3A_70] : memref<65536xi32, #tpu.memory_space<hbm>> -> memref<65536xi32, #tpu.memory_space<hbm>>
    tpu.wait_indirect_dma semaphore(%arg21 : memref<!tpu.dma_semaphore, #tpu.memory_space<semaphore_mem>>) src(%dma_wait3A_71 : memref<65536xi32, #tpu.memory_space<hbm>>) dst(%dma_wait3A_67 : memref<128xi32, #tpu.memory_space<vmem>>)
    %dma_start3A_72 = arith.constant 0 : i32
    %dma_start3A_73 = tpu.memref_slice %arg17[%dma_start3A_72] : memref<256xi32, #tpu.memory_space<vmem>> -> memref<128xi32, #tpu.memory_space<vmem>>
    %dma_start3A_74 = arith.constant 0 : i32
    %dma_start3A_75 = tpu.memref_slice %arg15[%dma_start3A_74] : memref<256xi32, #tpu.memory_space<vmem>> -> memref<128xi32, #tpu.memory_space<vmem>>
    %dma_start3A_76 = arith.constant 0 : i32
    %dma_start3A_77 = tpu.memref_slice %arg5[%dma_start3A_76] : memref<65536xi32, #tpu.memory_space<hbm>> -> memref<65536xi32, #tpu.memory_space<hbm>>
    tpu.enqueue_indirect_dma source(%dma_start3A_77 : memref<65536xi32, #tpu.memory_space<hbm>>) target(%dma_start3A_73 : memref<128xi32, #tpu.memory_space<vmem>>) offsets(%dma_start3A_75 : memref<128xi32, #tpu.memory_space<vmem>>) semaphore(%arg21 : memref<!tpu.dma_semaphore, #tpu.memory_space<semaphore_mem>>)
    %dma_start3A_78 = arith.constant 128 : i32
    %dma_start3A_79 = tpu.memref_slice %arg17[%dma_start3A_78] : memref<256xi32, #tpu.memory_space<vmem>> -> memref<128xi32, #tpu.memory_space<vmem>>
    %dma_start3A_80 = arith.constant 128 : i32
    %dma_start3A_81 = tpu.memref_slice %arg15[%dma_start3A_80] : memref<256xi32, #tpu.memory_space<vmem>> -> memref<128xi32, #tpu.memory_space<vmem>>
    %dma_start3A_82 = arith.constant 0 : i32
    %dma_start3A_83 = tpu.memref_slice %arg5[%dma_start3A_82] : memref<65536xi32, #tpu.memory_space<hbm>> -> memref<65536xi32, #tpu.memory_space<hbm>>
    tpu.enqueue_indirect_dma source(%dma_start3A_83 : memref<65536xi32, #tpu.memory_space<hbm>>) target(%dma_start3A_79 : memref<128xi32, #tpu.memory_space<vmem>>) offsets(%dma_start3A_81 : memref<128xi32, #tpu.memory_space<vmem>>) semaphore(%arg21 : memref<!tpu.dma_semaphore, #tpu.memory_space<semaphore_mem>>)
    %dma_wait3A_84 = arith.constant 0 : i32
    %dma_wait3A_85 = tpu.memref_slice %arg17[%dma_wait3A_84] : memref<256xi32, #tpu.memory_space<vmem>> -> memref<128xi32, #tpu.memory_space<vmem>>
    %dma_wait3A_86 = arith.constant 0 : i32
    %dma_wait3A_87 = tpu.memref_slice %arg15[%dma_wait3A_86] : memref<256xi32, #tpu.memory_space<vmem>> -> memref<128xi32, #tpu.memory_space<vmem>>
    %dma_wait3A_88 = arith.constant 0 : i32
    %dma_wait3A_89 = tpu.memref_slice %arg5[%dma_wait3A_88] : memref<65536xi32, #tpu.memory_space<hbm>> -> memref<65536xi32, #tpu.memory_space<hbm>>
    tpu.wait_indirect_dma semaphore(%arg21 : memref<!tpu.dma_semaphore, #tpu.memory_space<semaphore_mem>>) src(%dma_wait3A_89 : memref<65536xi32, #tpu.memory_space<hbm>>) dst(%dma_wait3A_85 : memref<128xi32, #tpu.memory_space<vmem>>)
    %dma_wait3A_90 = arith.constant 128 : i32
    %dma_wait3A_91 = tpu.memref_slice %arg17[%dma_wait3A_90] : memref<256xi32, #tpu.memory_space<vmem>> -> memref<128xi32, #tpu.memory_space<vmem>>
    %dma_wait3A_92 = arith.constant 128 : i32
    %dma_wait3A_93 = tpu.memref_slice %arg15[%dma_wait3A_92] : memref<256xi32, #tpu.memory_space<vmem>> -> memref<128xi32, #tpu.memory_space<vmem>>
    %dma_wait3A_94 = arith.constant 0 : i32
    %dma_wait3A_95 = tpu.memref_slice %arg5[%dma_wait3A_94] : memref<65536xi32, #tpu.memory_space<hbm>> -> memref<65536xi32, #tpu.memory_space<hbm>>
    tpu.wait_indirect_dma semaphore(%arg21 : memref<!tpu.dma_semaphore, #tpu.memory_space<semaphore_mem>>) src(%dma_wait3A_95 : memref<65536xi32, #tpu.memory_space<hbm>>) dst(%dma_wait3A_91 : memref<128xi32, #tpu.memory_space<vmem>>)
    %mul3A_96 = arith.constant 32 : i32
    %mul3A_97 = arith.muli %add3A, %mul3A_96 : i32
    %mul3A_98 = arith.constant 8 : i32
    %mul3A_99 = arith.muli %mul3A_97, %mul3A_98 : i32
    "tpu.region"() ({
      %run_scoped3A = tpu.sem_alloc : memref<!tpu.dma_semaphore, #tpu.memory_space<semaphore_mem>>
      %dma_start3A_656 = tpu.memref_slice %arg6[%mul3A_99] : memref<8192xi32, #tpu.memory_space<hbm>> -> memref<256xi32, #tpu.memory_space<hbm>>
      %dma_start3A_657 = tpu.memref_slice %arg6[%mul3A_99] : memref<8192xi32, #tpu.memory_space<hbm>> -> memref<256xi32, #tpu.memory_space<hbm>>
      tpu.enqueue_dma source(%arg16 : memref<256xi32, #tpu.memory_space<vmem>>) target(%dma_start3A_657 : memref<256xi32, #tpu.memory_space<hbm>>) target_semaphore(%run_scoped3A : memref<!tpu.dma_semaphore, #tpu.memory_space<semaphore_mem>>)
      %dma_wait3A_658 = tpu.memref_slice %arg6[%mul3A_99] : memref<8192xi32, #tpu.memory_space<hbm>> -> memref<256xi32, #tpu.memory_space<hbm>>
      %dma_wait3A_659 = tpu.memref_slice %arg6[%mul3A_99] : memref<8192xi32, #tpu.memory_space<hbm>> -> memref<256xi32, #tpu.memory_space<hbm>>
      tpu.wait_dma2 semaphore(%run_scoped3A : memref<!tpu.dma_semaphore, #tpu.memory_space<semaphore_mem>>) src(%arg16 : memref<256xi32, #tpu.memory_space<vmem>>) dst(%dma_wait3A_659 : memref<256xi32, #tpu.memory_space<hbm>>)
      tpu.yield
    }) : () -> ()
    %mul3A_100 = arith.constant 32 : i32
    %mul3A_101 = arith.muli %add3A, %mul3A_100 : i32
    %mul3A_102 = arith.constant 8 : i32
    %mul3A_103 = arith.muli %mul3A_101, %mul3A_102 : i32
    "tpu.region"() ({
      %run_scoped3A = tpu.sem_alloc : memref<!tpu.dma_semaphore, #tpu.memory_space<semaphore_mem>>
      %dma_start3A_656 = tpu.memref_slice %arg7[%mul3A_103] : memref<8192xi32, #tpu.memory_space<hbm>> -> memref<256xi32, #tpu.memory_space<hbm>>
      %dma_start3A_657 = tpu.memref_slice %arg7[%mul3A_103] : memref<8192xi32, #tpu.memory_space<hbm>> -> memref<256xi32, #tpu.memory_space<hbm>>
      tpu.enqueue_dma source(%arg17 : memref<256xi32, #tpu.memory_space<vmem>>) target(%dma_start3A_657 : memref<256xi32, #tpu.memory_space<hbm>>) target_semaphore(%run_scoped3A : memref<!tpu.dma_semaphore, #tpu.memory_space<semaphore_mem>>)
      %dma_wait3A_658 = tpu.memref_slice %arg7[%mul3A_103] : memref<8192xi32, #tpu.memory_space<hbm>> -> memref<256xi32, #tpu.memory_space<hbm>>
      %dma_wait3A_659 = tpu.memref_slice %arg7[%mul3A_103] : memref<8192xi32, #tpu.memory_space<hbm>> -> memref<256xi32, #tpu.memory_space<hbm>>
      tpu.wait_dma2 semaphore(%run_scoped3A : memref<!tpu.dma_semaphore, #tpu.memory_space<semaphore_mem>>) src(%arg17 : memref<256xi32, #tpu.memory_space<vmem>>) dst(%dma_wait3A_659 : memref<256xi32, #tpu.memory_space<hbm>>)
      tpu.yield
    }) : () -> ()
    %scan3A_104 = arith.constant 0 : i32
    %scan3A_105 = arith.constant 0 : i32
    %scan3A_106 = arith.constant 16 : i32
    %scan3A_107 = arith.addi %scan3A_105, %scan3A_106 : i32
    %scan3A_108 = arith.constant 1 : i32
    scf.for %scan3A_656 = %scan3A_105 to %scan3A_107 step %scan3A_108  : i32 {
      %mul3A_657 = arith.constant 16 : i32
      %mul3A_658 = arith.muli %scan3A_656, %mul3A_657 : i32
      %get3A = arith.index_cast %mul3A_658 : i32 to index
      %get3A_659 = tpu.vector_load %arg16[%get3A] {strides = array<i32>} : memref<256xi32, #tpu.memory_space<vmem>>, vector<16xi32>,
      %get3A_660 = vector.shape_cast %get3A_659 : vector<16xi32> to vector<16xi32>
      %add3A_661 = arith.constant 0 : i32
      %add3A_662 = vector.broadcast %add3A_661 : i32 to vector<16xi32>
      %add3A_663 = arith.addi %add3A_662, %get3A_660 : vector<16xi32>
      %mul3A_664 = arith.constant 16 : i32
      %mul3A_665 = arith.muli %scan3A_656, %mul3A_664 : i32
      %add3A_666 = arith.constant 0 : i32
      %add3A_667 = arith.addi %add3A_666, %mul3A_665 : i32
      %swap3A = arith.index_cast %add3A_667 : i32 to index
      %swap3A_668 = tpu.vector_load %arg18[%swap3A] {strides = array<i32>} : memref<1024xi32, #tpu.memory_space<vmem>>, vector<16xi32>,
      %swap3A_669 = vector.shape_cast %swap3A_668 : vector<16xi32> to vector<16xi32>
      %swap3A_670 = vector.shape_cast %add3A_663 : vector<16xi32> to vector<16xi32>
      tpu.vector_store %arg18[%swap3A], %swap3A_670 {strides = array<i32>} : memref<1024xi32, #tpu.memory_space<vmem>>, vector<16xi32>,
    }
    %scan3A_109 = arith.constant 16 : i32
    %scan3A_110 = arith.constant 0 : i32
    %scan3A_111 = arith.constant 0 : i32
    %scan3A_112 = arith.constant 16 : i32
    %scan3A_113 = arith.addi %scan3A_111, %scan3A_112 : i32
    %scan3A_114 = arith.constant 1 : i32
    scf.for %scan3A_656 = %scan3A_111 to %scan3A_113 step %scan3A_114  : i32 {
      %mul3A_657 = arith.constant 16 : i32
      %mul3A_658 = arith.muli %scan3A_656, %mul3A_657 : i32
      %get3A = arith.index_cast %mul3A_658 : i32 to index
      %get3A_659 = tpu.vector_load %arg16[%get3A] {strides = array<i32>} : memref<256xi32, #tpu.memory_space<vmem>>, vector<16xi32>,
      %get3A_660 = vector.shape_cast %get3A_659 : vector<16xi32> to vector<16xi32>
      %add3A_661 = arith.constant 8192 : i32
      %add3A_662 = vector.broadcast %add3A_661 : i32 to vector<16xi32>
      %add3A_663 = arith.addi %add3A_662, %get3A_660 : vector<16xi32>
      %mul3A_664 = arith.constant 16 : i32
      %mul3A_665 = arith.muli %scan3A_656, %mul3A_664 : i32
      %add3A_666 = arith.constant 256 : i32
      %add3A_667 = arith.addi %add3A_666, %mul3A_665 : i32
      %swap3A = arith.index_cast %add3A_667 : i32 to index
      %swap3A_668 = tpu.vector_load %arg18[%swap3A] {strides = array<i32>} : memref<1024xi32, #tpu.memory_space<vmem>>, vector<16xi32>,
      %swap3A_669 = vector.shape_cast %swap3A_668 : vector<16xi32> to vector<16xi32>
      %swap3A_670 = vector.shape_cast %add3A_663 : vector<16xi32> to vector<16xi32>
      tpu.vector_store %arg18[%swap3A], %swap3A_670 {strides = array<i32>} : memref<1024xi32, #tpu.memory_space<vmem>>, vector<16xi32>,
    }
    %scan3A_115 = arith.constant 16 : i32
    %scan3A_116 = arith.constant 0 : i32
    %scan3A_117 = arith.constant 0 : i32
    %scan3A_118 = arith.constant 16 : i32
    %scan3A_119 = arith.addi %scan3A_117, %scan3A_118 : i32
    %scan3A_120 = arith.constant 1 : i32
    scf.for %scan3A_656 = %scan3A_117 to %scan3A_119 step %scan3A_120  : i32 {
      %mul3A_657 = arith.constant 16 : i32
      %mul3A_658 = arith.muli %scan3A_656, %mul3A_657 : i32
      %get3A = arith.index_cast %mul3A_658 : i32 to index
      %get3A_659 = tpu.vector_load %arg16[%get3A] {strides = array<i32>} : memref<256xi32, #tpu.memory_space<vmem>>, vector<16xi32>,
      %get3A_660 = vector.shape_cast %get3A_659 : vector<16xi32> to vector<16xi32>
      %add3A_661 = arith.constant 16384 : i32
      %add3A_662 = vector.broadcast %add3A_661 : i32 to vector<16xi32>
      %add3A_663 = arith.addi %add3A_662, %get3A_660 : vector<16xi32>
      %mul3A_664 = arith.constant 16 : i32
      %mul3A_665 = arith.muli %scan3A_656, %mul3A_664 : i32
      %add3A_666 = arith.constant 512 : i32
      %add3A_667 = arith.addi %add3A_666, %mul3A_665 : i32
      %swap3A = arith.index_cast %add3A_667 : i32 to index
      %swap3A_668 = tpu.vector_load %arg18[%swap3A] {strides = array<i32>} : memref<1024xi32, #tpu.memory_space<vmem>>, vector<16xi32>,
      %swap3A_669 = vector.shape_cast %swap3A_668 : vector<16xi32> to vector<16xi32>
      %swap3A_670 = vector.shape_cast %add3A_663 : vector<16xi32> to vector<16xi32>
      tpu.vector_store %arg18[%swap3A], %swap3A_670 {strides = array<i32>} : memref<1024xi32, #tpu.memory_space<vmem>>, vector<16xi32>,
    }
    %scan3A_121 = arith.constant 16 : i32
    %scan3A_122 = arith.constant 0 : i32
    %scan3A_123 = arith.constant 0 : i32
    %scan3A_124 = arith.constant 16 : i32
    %scan3A_125 = arith.addi %scan3A_123, %scan3A_124 : i32
    %scan3A_126 = arith.constant 1 : i32
    scf.for %scan3A_656 = %scan3A_123 to %scan3A_125 step %scan3A_126  : i32 {
      %mul3A_657 = arith.constant 16 : i32
      %mul3A_658 = arith.muli %scan3A_656, %mul3A_657 : i32
      %get3A = arith.index_cast %mul3A_658 : i32 to index
      %get3A_659 = tpu.vector_load %arg16[%get3A] {strides = array<i32>} : memref<256xi32, #tpu.memory_space<vmem>>, vector<16xi32>,
      %get3A_660 = vector.shape_cast %get3A_659 : vector<16xi32> to vector<16xi32>
      %add3A_661 = arith.constant 24576 : i32
      %add3A_662 = vector.broadcast %add3A_661 : i32 to vector<16xi32>
      %add3A_663 = arith.addi %add3A_662, %get3A_660 : vector<16xi32>
      %mul3A_664 = arith.constant 16 : i32
      %mul3A_665 = arith.muli %scan3A_656, %mul3A_664 : i32
      %add3A_666 = arith.constant 768 : i32
      %add3A_667 = arith.addi %add3A_666, %mul3A_665 : i32
      %swap3A = arith.index_cast %add3A_667 : i32 to index
      %swap3A_668 = tpu.vector_load %arg18[%swap3A] {strides = array<i32>} : memref<1024xi32, #tpu.memory_space<vmem>>, vector<16xi32>,
      %swap3A_669 = vector.shape_cast %swap3A_668 : vector<16xi32> to vector<16xi32>
      %swap3A_670 = vector.shape_cast %add3A_663 : vector<16xi32> to vector<16xi32>
      tpu.vector_store %arg18[%swap3A], %swap3A_670 {strides = array<i32>} : memref<1024xi32, #tpu.memory_space<vmem>>, vector<16xi32>,
    }
    %scan3A_127 = arith.constant 16 : i32
    %dma_start3A_128 = arith.constant 0 : i32
    %dma_start3A_129 = tpu.memref_slice %arg19[%dma_start3A_128] : memref<1024xi32, #tpu.memory_space<vmem>> -> memref<128xi32, #tpu.memory_space<vmem>>
    %dma_start3A_130 = arith.constant 0 : i32
    %dma_start3A_131 = tpu.memref_slice %arg18[%dma_start3A_130] : memref<1024xi32, #tpu.memory_space<vmem>> -> memref<128xi32, #tpu.memory_space<vmem>>
    %dma_start3A_132 = arith.constant 0 : i32
    %dma_start3A_133 = tpu.memref_slice %arg4[%dma_start3A_132] : memref<65536xi32, #tpu.memory_space<hbm>> -> memref<65536xi32, #tpu.memory_space<hbm>>
    tpu.enqueue_indirect_dma source(%dma_start3A_133 : memref<65536xi32, #tpu.memory_space<hbm>>) target(%dma_start3A_129 : memref<128xi32, #tpu.memory_space<vmem>>) offsets(%dma_start3A_131 : memref<128xi32, #tpu.memory_space<vmem>>) semaphore(%arg21 : memref<!tpu.dma_semaphore, #tpu.memory_space<semaphore_mem>>)
    %dma_start3A_134 = arith.constant 128 : i32
    %dma_start3A_135 = tpu.memref_slice %arg19[%dma_start3A_134] : memref<1024xi32, #tpu.memory_space<vmem>> -> memref<128xi32, #tpu.memory_space<vmem>>
    %dma_start3A_136 = arith.constant 128 : i32
    %dma_start3A_137 = tpu.memref_slice %arg18[%dma_start3A_136] : memref<1024xi32, #tpu.memory_space<vmem>> -> memref<128xi32, #tpu.memory_space<vmem>>
    %dma_start3A_138 = arith.constant 0 : i32
    %dma_start3A_139 = tpu.memref_slice %arg4[%dma_start3A_138] : memref<65536xi32, #tpu.memory_space<hbm>> -> memref<65536xi32, #tpu.memory_space<hbm>>
    tpu.enqueue_indirect_dma source(%dma_start3A_139 : memref<65536xi32, #tpu.memory_space<hbm>>) target(%dma_start3A_135 : memref<128xi32, #tpu.memory_space<vmem>>) offsets(%dma_start3A_137 : memref<128xi32, #tpu.memory_space<vmem>>) semaphore(%arg21 : memref<!tpu.dma_semaphore, #tpu.memory_space<semaphore_mem>>)
    %dma_start3A_140 = arith.constant 256 : i32
    %dma_start3A_141 = tpu.memref_slice %arg19[%dma_start3A_140] : memref<1024xi32, #tpu.memory_space<vmem>> -> memref<128xi32, #tpu.memory_space<vmem>>
    %dma_start3A_142 = arith.constant 256 : i32
    %dma_start3A_143 = tpu.memref_slice %arg18[%dma_start3A_142] : memref<1024xi32, #tpu.memory_space<vmem>> -> memref<128xi32, #tpu.memory_space<vmem>>
    %dma_start3A_144 = arith.constant 0 : i32
    %dma_start3A_145 = tpu.memref_slice %arg4[%dma_start3A_144] : memref<65536xi32, #tpu.memory_space<hbm>> -> memref<65536xi32, #tpu.memory_space<hbm>>
    tpu.enqueue_indirect_dma source(%dma_start3A_145 : memref<65536xi32, #tpu.memory_space<hbm>>) target(%dma_start3A_141 : memref<128xi32, #tpu.memory_space<vmem>>) offsets(%dma_start3A_143 : memref<128xi32, #tpu.memory_space<vmem>>) semaphore(%arg21 : memref<!tpu.dma_semaphore, #tpu.memory_space<semaphore_mem>>)
    %dma_start3A_146 = arith.constant 384 : i32
    %dma_start3A_147 = tpu.memref_slice %arg19[%dma_start3A_146] : memref<1024xi32, #tpu.memory_space<vmem>> -> memref<128xi32, #tpu.memory_space<vmem>>
    %dma_start3A_148 = arith.constant 384 : i32
    %dma_start3A_149 = tpu.memref_slice %arg18[%dma_start3A_148] : memref<1024xi32, #tpu.memory_space<vmem>> -> memref<128xi32, #tpu.memory_space<vmem>>
    %dma_start3A_150 = arith.constant 0 : i32
    %dma_start3A_151 = tpu.memref_slice %arg4[%dma_start3A_150] : memref<65536xi32, #tpu.memory_space<hbm>> -> memref<65536xi32, #tpu.memory_space<hbm>>
    tpu.enqueue_indirect_dma source(%dma_start3A_151 : memref<65536xi32, #tpu.memory_space<hbm>>) target(%dma_start3A_147 : memref<128xi32, #tpu.memory_space<vmem>>) offsets(%dma_start3A_149 : memref<128xi32, #tpu.memory_space<vmem>>) semaphore(%arg21 : memref<!tpu.dma_semaphore, #tpu.memory_space<semaphore_mem>>)
    %dma_start3A_152 = arith.constant 512 : i32
    %dma_start3A_153 = tpu.memref_slice %arg19[%dma_start3A_152] : memref<1024xi32, #tpu.memory_space<vmem>> -> memref<128xi32, #tpu.memory_space<vmem>>
    %dma_start3A_154 = arith.constant 512 : i32
    %dma_start3A_155 = tpu.memref_slice %arg18[%dma_start3A_154] : memref<1024xi32, #tpu.memory_space<vmem>> -> memref<128xi32, #tpu.memory_space<vmem>>
    %dma_start3A_156 = arith.constant 0 : i32
    %dma_start3A_157 = tpu.memref_slice %arg4[%dma_start3A_156] : memref<65536xi32, #tpu.memory_space<hbm>> -> memref<65536xi32, #tpu.memory_space<hbm>>
    tpu.enqueue_indirect_dma source(%dma_start3A_157 : memref<65536xi32, #tpu.memory_space<hbm>>) target(%dma_start3A_153 : memref<128xi32, #tpu.memory_space<vmem>>) offsets(%dma_start3A_155 : memref<128xi32, #tpu.memory_space<vmem>>) semaphore(%arg21 : memref<!tpu.dma_semaphore, #tpu.memory_space<semaphore_mem>>)
    %dma_start3A_158 = arith.constant 640 : i32
    %dma_start3A_159 = tpu.memref_slice %arg19[%dma_start3A_158] : memref<1024xi32, #tpu.memory_space<vmem>> -> memref<128xi32, #tpu.memory_space<vmem>>
    %dma_start3A_160 = arith.constant 640 : i32
    %dma_start3A_161 = tpu.memref_slice %arg18[%dma_start3A_160] : memref<1024xi32, #tpu.memory_space<vmem>> -> memref<128xi32, #tpu.memory_space<vmem>>
    %dma_start3A_162 = arith.constant 0 : i32
    %dma_start3A_163 = tpu.memref_slice %arg4[%dma_start3A_162] : memref<65536xi32, #tpu.memory_space<hbm>> -> memref<65536xi32, #tpu.memory_space<hbm>>
    tpu.enqueue_indirect_dma source(%dma_start3A_163 : memref<65536xi32, #tpu.memory_space<hbm>>) target(%dma_start3A_159 : memref<128xi32, #tpu.memory_space<vmem>>) offsets(%dma_start3A_161 : memref<128xi32, #tpu.memory_space<vmem>>) semaphore(%arg21 : memref<!tpu.dma_semaphore, #tpu.memory_space<semaphore_mem>>)
    %dma_start3A_164 = arith.constant 768 : i32
    %dma_start3A_165 = tpu.memref_slice %arg19[%dma_start3A_164] : memref<1024xi32, #tpu.memory_space<vmem>> -> memref<128xi32, #tpu.memory_space<vmem>>
    %dma_start3A_166 = arith.constant 768 : i32
    %dma_start3A_167 = tpu.memref_slice %arg18[%dma_start3A_166] : memref<1024xi32, #tpu.memory_space<vmem>> -> memref<128xi32, #tpu.memory_space<vmem>>
    %dma_start3A_168 = arith.constant 0 : i32
    %dma_start3A_169 = tpu.memref_slice %arg4[%dma_start3A_168] : memref<65536xi32, #tpu.memory_space<hbm>> -> memref<65536xi32, #tpu.memory_space<hbm>>
    tpu.enqueue_indirect_dma source(%dma_start3A_169 : memref<65536xi32, #tpu.memory_space<hbm>>) target(%dma_start3A_165 : memref<128xi32, #tpu.memory_space<vmem>>) offsets(%dma_start3A_167 : memref<128xi32, #tpu.memory_space<vmem>>) semaphore(%arg21 : memref<!tpu.dma_semaphore, #tpu.memory_space<semaphore_mem>>)
    %dma_start3A_170 = arith.constant 896 : i32
    %dma_start3A_171 = tpu.memref_slice %arg19[%dma_start3A_170] : memref<1024xi32, #tpu.memory_space<vmem>> -> memref<128xi32, #tpu.memory_space<vmem>>
    %dma_start3A_172 = arith.constant 896 : i32
    %dma_start3A_173 = tpu.memref_slice %arg18[%dma_start3A_172] : memref<1024xi32, #tpu.memory_space<vmem>> -> memref<128xi32, #tpu.memory_space<vmem>>
    %dma_start3A_174 = arith.constant 0 : i32
    %dma_start3A_175 = tpu.memref_slice %arg4[%dma_start3A_174] : memref<65536xi32, #tpu.memory_space<hbm>> -> memref<65536xi32, #tpu.memory_space<hbm>>
    tpu.enqueue_indirect_dma source(%dma_start3A_175 : memref<65536xi32, #tpu.memory_space<hbm>>) target(%dma_start3A_171 : memref<128xi32, #tpu.memory_space<vmem>>) offsets(%dma_start3A_173 : memref<128xi32, #tpu.memory_space<vmem>>) semaphore(%arg21 : memref<!tpu.dma_semaphore, #tpu.memory_space<semaphore_mem>>)
    %dma_wait3A_176 = arith.constant 0 : i32
    %dma_wait3A_177 = tpu.memref_slice %arg19[%dma_wait3A_176] : memref<1024xi32, #tpu.memory_space<vmem>> -> memref<128xi32, #tpu.memory_space<vmem>>
    %dma_wait3A_178 = arith.constant 0 : i32
    %dma_wait3A_179 = tpu.memref_slice %arg18[%dma_wait3A_178] : memref<1024xi32, #tpu.memory_space<vmem>> -> memref<128xi32, #tpu.memory_space<vmem>>
    %dma_wait3A_180 = arith.constant 0 : i32
    %dma_wait3A_181 = tpu.memref_slice %arg4[%dma_wait3A_180] : memref<65536xi32, #tpu.memory_space<hbm>> -> memref<65536xi32, #tpu.memory_space<hbm>>
    tpu.wait_indirect_dma semaphore(%arg21 : memref<!tpu.dma_semaphore, #tpu.memory_space<semaphore_mem>>) src(%dma_wait3A_181 : memref<65536xi32, #tpu.memory_space<hbm>>) dst(%dma_wait3A_177 : memref<128xi32, #tpu.memory_space<vmem>>)
    %dma_wait3A_182 = arith.constant 128 : i32
    %dma_wait3A_183 = tpu.memref_slice %arg19[%dma_wait3A_182] : memref<1024xi32, #tpu.memory_space<vmem>> -> memref<128xi32, #tpu.memory_space<vmem>>
    %dma_wait3A_184 = arith.constant 128 : i32
    %dma_wait3A_185 = tpu.memref_slice %arg18[%dma_wait3A_184] : memref<1024xi32, #tpu.memory_space<vmem>> -> memref<128xi32, #tpu.memory_space<vmem>>
    %dma_wait3A_186 = arith.constant 0 : i32
    %dma_wait3A_187 = tpu.memref_slice %arg4[%dma_wait3A_186] : memref<65536xi32, #tpu.memory_space<hbm>> -> memref<65536xi32, #tpu.memory_space<hbm>>
    tpu.wait_indirect_dma semaphore(%arg21 : memref<!tpu.dma_semaphore, #tpu.memory_space<semaphore_mem>>) src(%dma_wait3A_187 : memref<65536xi32, #tpu.memory_space<hbm>>) dst(%dma_wait3A_183 : memref<128xi32, #tpu.memory_space<vmem>>)
    %dma_wait3A_188 = arith.constant 256 : i32
    %dma_wait3A_189 = tpu.memref_slice %arg19[%dma_wait3A_188] : memref<1024xi32, #tpu.memory_space<vmem>> -> memref<128xi32, #tpu.memory_space<vmem>>
    %dma_wait3A_190 = arith.constant 256 : i32
    %dma_wait3A_191 = tpu.memref_slice %arg18[%dma_wait3A_190] : memref<1024xi32, #tpu.memory_space<vmem>> -> memref<128xi32, #tpu.memory_space<vmem>>
    %dma_wait3A_192 = arith.constant 0 : i32
    %dma_wait3A_193 = tpu.memref_slice %arg4[%dma_wait3A_192] : memref<65536xi32, #tpu.memory_space<hbm>> -> memref<65536xi32, #tpu.memory_space<hbm>>
    tpu.wait_indirect_dma semaphore(%arg21 : memref<!tpu.dma_semaphore, #tpu.memory_space<semaphore_mem>>) src(%dma_wait3A_193 : memref<65536xi32, #tpu.memory_space<hbm>>) dst(%dma_wait3A_189 : memref<128xi32, #tpu.memory_space<vmem>>)
    %dma_wait3A_194 = arith.constant 384 : i32
    %dma_wait3A_195 = tpu.memref_slice %arg19[%dma_wait3A_194] : memref<1024xi32, #tpu.memory_space<vmem>> -> memref<128xi32, #tpu.memory_space<vmem>>
    %dma_wait3A_196 = arith.constant 384 : i32
    %dma_wait3A_197 = tpu.memref_slice %arg18[%dma_wait3A_196] : memref<1024xi32, #tpu.memory_space<vmem>> -> memref<128xi32, #tpu.memory_space<vmem>>
    %dma_wait3A_198 = arith.constant 0 : i32
    %dma_wait3A_199 = tpu.memref_slice %arg4[%dma_wait3A_198] : memref<65536xi32, #tpu.memory_space<hbm>> -> memref<65536xi32, #tpu.memory_space<hbm>>
    tpu.wait_indirect_dma semaphore(%arg21 : memref<!tpu.dma_semaphore, #tpu.memory_space<semaphore_mem>>) src(%dma_wait3A_199 : memref<65536xi32, #tpu.memory_space<hbm>>) dst(%dma_wait3A_195 : memref<128xi32, #tpu.memory_space<vmem>>)
    %dma_wait3A_200 = arith.constant 512 : i32
    %dma_wait3A_201 = tpu.memref_slice %arg19[%dma_wait3A_200] : memref<1024xi32, #tpu.memory_space<vmem>> -> memref<128xi32, #tpu.memory_space<vmem>>
    %dma_wait3A_202 = arith.constant 512 : i32
    %dma_wait3A_203 = tpu.memref_slice %arg18[%dma_wait3A_202] : memref<1024xi32, #tpu.memory_space<vmem>> -> memref<128xi32, #tpu.memory_space<vmem>>
    %dma_wait3A_204 = arith.constant 0 : i32
    %dma_wait3A_205 = tpu.memref_slice %arg4[%dma_wait3A_204] : memref<65536xi32, #tpu.memory_space<hbm>> -> memref<65536xi32, #tpu.memory_space<hbm>>
    tpu.wait_indirect_dma semaphore(%arg21 : memref<!tpu.dma_semaphore, #tpu.memory_space<semaphore_mem>>) src(%dma_wait3A_205 : memref<65536xi32, #tpu.memory_space<hbm>>) dst(%dma_wait3A_201 : memref<128xi32, #tpu.memory_space<vmem>>)
    %dma_wait3A_206 = arith.constant 640 : i32
    %dma_wait3A_207 = tpu.memref_slice %arg19[%dma_wait3A_206] : memref<1024xi32, #tpu.memory_space<vmem>> -> memref<128xi32, #tpu.memory_space<vmem>>
    %dma_wait3A_208 = arith.constant 640 : i32
    %dma_wait3A_209 = tpu.memref_slice %arg18[%dma_wait3A_208] : memref<1024xi32, #tpu.memory_space<vmem>> -> memref<128xi32, #tpu.memory_space<vmem>>
    %dma_wait3A_210 = arith.constant 0 : i32
    %dma_wait3A_211 = tpu.memref_slice %arg4[%dma_wait3A_210] : memref<65536xi32, #tpu.memory_space<hbm>> -> memref<65536xi32, #tpu.memory_space<hbm>>
    tpu.wait_indirect_dma semaphore(%arg21 : memref<!tpu.dma_semaphore, #tpu.memory_space<semaphore_mem>>) src(%dma_wait3A_211 : memref<65536xi32, #tpu.memory_space<hbm>>) dst(%dma_wait3A_207 : memref<128xi32, #tpu.memory_space<vmem>>)
    %dma_wait3A_212 = arith.constant 768 : i32
    %dma_wait3A_213 = tpu.memref_slice %arg19[%dma_wait3A_212] : memref<1024xi32, #tpu.memory_space<vmem>> -> memref<128xi32, #tpu.memory_space<vmem>>
    %dma_wait3A_214 = arith.constant 768 : i32
    %dma_wait3A_215 = tpu.memref_slice %arg18[%dma_wait3A_214] : memref<1024xi32, #tpu.memory_space<vmem>> -> memref<128xi32, #tpu.memory_space<vmem>>
    %dma_wait3A_216 = arith.constant 0 : i32
    %dma_wait3A_217 = tpu.memref_slice %arg4[%dma_wait3A_216] : memref<65536xi32, #tpu.memory_space<hbm>> -> memref<65536xi32, #tpu.memory_space<hbm>>
    tpu.wait_indirect_dma semaphore(%arg21 : memref<!tpu.dma_semaphore, #tpu.memory_space<semaphore_mem>>) src(%dma_wait3A_217 : memref<65536xi32, #tpu.memory_space<hbm>>) dst(%dma_wait3A_213 : memref<128xi32, #tpu.memory_space<vmem>>)
    %dma_wait3A_218 = arith.constant 896 : i32
    %dma_wait3A_219 = tpu.memref_slice %arg19[%dma_wait3A_218] : memref<1024xi32, #tpu.memory_space<vmem>> -> memref<128xi32, #tpu.memory_space<vmem>>
    %dma_wait3A_220 = arith.constant 896 : i32
    %dma_wait3A_221 = tpu.memref_slice %arg18[%dma_wait3A_220] : memref<1024xi32, #tpu.memory_space<vmem>> -> memref<128xi32, #tpu.memory_space<vmem>>
    %dma_wait3A_222 = arith.constant 0 : i32
    %dma_wait3A_223 = tpu.memref_slice %arg4[%dma_wait3A_222] : memref<65536xi32, #tpu.memory_space<hbm>> -> memref<65536xi32, #tpu.memory_space<hbm>>
    tpu.wait_indirect_dma semaphore(%arg21 : memref<!tpu.dma_semaphore, #tpu.memory_space<semaphore_mem>>) src(%dma_wait3A_223 : memref<65536xi32, #tpu.memory_space<hbm>>) dst(%dma_wait3A_219 : memref<128xi32, #tpu.memory_space<vmem>>)
    %dma_start3A_224 = arith.constant 0 : i32
    %dma_start3A_225 = tpu.memref_slice %arg20[%dma_start3A_224] : memref<1024xi32, #tpu.memory_space<vmem>> -> memref<128xi32, #tpu.memory_space<vmem>>
    %dma_start3A_226 = arith.constant 0 : i32
    %dma_start3A_227 = tpu.memref_slice %arg18[%dma_start3A_226] : memref<1024xi32, #tpu.memory_space<vmem>> -> memref<128xi32, #tpu.memory_space<vmem>>
    %dma_start3A_228 = arith.constant 0 : i32
    %dma_start3A_229 = tpu.memref_slice %arg5[%dma_start3A_228] : memref<65536xi32, #tpu.memory_space<hbm>> -> memref<65536xi32, #tpu.memory_space<hbm>>
    tpu.enqueue_indirect_dma source(%dma_start3A_229 : memref<65536xi32, #tpu.memory_space<hbm>>) target(%dma_start3A_225 : memref<128xi32, #tpu.memory_space<vmem>>) offsets(%dma_start3A_227 : memref<128xi32, #tpu.memory_space<vmem>>) semaphore(%arg21 : memref<!tpu.dma_semaphore, #tpu.memory_space<semaphore_mem>>)
    %dma_start3A_230 = arith.constant 128 : i32
    %dma_start3A_231 = tpu.memref_slice %arg20[%dma_start3A_230] : memref<1024xi32, #tpu.memory_space<vmem>> -> memref<128xi32, #tpu.memory_space<vmem>>
    %dma_start3A_232 = arith.constant 128 : i32
    %dma_start3A_233 = tpu.memref_slice %arg18[%dma_start3A_232] : memref<1024xi32, #tpu.memory_space<vmem>> -> memref<128xi32, #tpu.memory_space<vmem>>
    %dma_start3A_234 = arith.constant 0 : i32
    %dma_start3A_235 = tpu.memref_slice %arg5[%dma_start3A_234] : memref<65536xi32, #tpu.memory_space<hbm>> -> memref<65536xi32, #tpu.memory_space<hbm>>
    tpu.enqueue_indirect_dma source(%dma_start3A_235 : memref<65536xi32, #tpu.memory_space<hbm>>) target(%dma_start3A_231 : memref<128xi32, #tpu.memory_space<vmem>>) offsets(%dma_start3A_233 : memref<128xi32, #tpu.memory_space<vmem>>) semaphore(%arg21 : memref<!tpu.dma_semaphore, #tpu.memory_space<semaphore_mem>>)
    %dma_start3A_236 = arith.constant 256 : i32
    %dma_start3A_237 = tpu.memref_slice %arg20[%dma_start3A_236] : memref<1024xi32, #tpu.memory_space<vmem>> -> memref<128xi32, #tpu.memory_space<vmem>>
    %dma_start3A_238 = arith.constant 256 : i32
    %dma_start3A_239 = tpu.memref_slice %arg18[%dma_start3A_238] : memref<1024xi32, #tpu.memory_space<vmem>> -> memref<128xi32, #tpu.memory_space<vmem>>
    %dma_start3A_240 = arith.constant 0 : i32
    %dma_start3A_241 = tpu.memref_slice %arg5[%dma_start3A_240] : memref<65536xi32, #tpu.memory_space<hbm>> -> memref<65536xi32, #tpu.memory_space<hbm>>
    tpu.enqueue_indirect_dma source(%dma_start3A_241 : memref<65536xi32, #tpu.memory_space<hbm>>) target(%dma_start3A_237 : memref<128xi32, #tpu.memory_space<vmem>>) offsets(%dma_start3A_239 : memref<128xi32, #tpu.memory_space<vmem>>) semaphore(%arg21 : memref<!tpu.dma_semaphore, #tpu.memory_space<semaphore_mem>>)
    %dma_start3A_242 = arith.constant 384 : i32
    %dma_start3A_243 = tpu.memref_slice %arg20[%dma_start3A_242] : memref<1024xi32, #tpu.memory_space<vmem>> -> memref<128xi32, #tpu.memory_space<vmem>>
    %dma_start3A_244 = arith.constant 384 : i32
    %dma_start3A_245 = tpu.memref_slice %arg18[%dma_start3A_244] : memref<1024xi32, #tpu.memory_space<vmem>> -> memref<128xi32, #tpu.memory_space<vmem>>
    %dma_start3A_246 = arith.constant 0 : i32
    %dma_start3A_247 = tpu.memref_slice %arg5[%dma_start3A_246] : memref<65536xi32, #tpu.memory_space<hbm>> -> memref<65536xi32, #tpu.memory_space<hbm>>
    tpu.enqueue_indirect_dma source(%dma_start3A_247 : memref<65536xi32, #tpu.memory_space<hbm>>) target(%dma_start3A_243 : memref<128xi32, #tpu.memory_space<vmem>>) offsets(%dma_start3A_245 : memref<128xi32, #tpu.memory_space<vmem>>) semaphore(%arg21 : memref<!tpu.dma_semaphore, #tpu.memory_space<semaphore_mem>>)
    %dma_start3A_248 = arith.constant 512 : i32
    %dma_start3A_249 = tpu.memref_slice %arg20[%dma_start3A_248] : memref<1024xi32, #tpu.memory_space<vmem>> -> memref<128xi32, #tpu.memory_space<vmem>>
    %dma_start3A_250 = arith.constant 512 : i32
    %dma_start3A_251 = tpu.memref_slice %arg18[%dma_start3A_250] : memref<1024xi32, #tpu.memory_space<vmem>> -> memref<128xi32, #tpu.memory_space<vmem>>
    %dma_start3A_252 = arith.constant 0 : i32
    %dma_start3A_253 = tpu.memref_slice %arg5[%dma_start3A_252] : memref<65536xi32, #tpu.memory_space<hbm>> -> memref<65536xi32, #tpu.memory_space<hbm>>
    tpu.enqueue_indirect_dma source(%dma_start3A_253 : memref<65536xi32, #tpu.memory_space<hbm>>) target(%dma_start3A_249 : memref<128xi32, #tpu.memory_space<vmem>>) offsets(%dma_start3A_251 : memref<128xi32, #tpu.memory_space<vmem>>) semaphore(%arg21 : memref<!tpu.dma_semaphore, #tpu.memory_space<semaphore_mem>>)
    %dma_start3A_254 = arith.constant 640 : i32
    %dma_start3A_255 = tpu.memref_slice %arg20[%dma_start3A_254] : memref<1024xi32, #tpu.memory_space<vmem>> -> memref<128xi32, #tpu.memory_space<vmem>>
    %dma_start3A_256 = arith.constant 640 : i32
    %dma_start3A_257 = tpu.memref_slice %arg18[%dma_start3A_256] : memref<1024xi32, #tpu.memory_space<vmem>> -> memref<128xi32, #tpu.memory_space<vmem>>
    %dma_start3A_258 = arith.constant 0 : i32
    %dma_start3A_259 = tpu.memref_slice %arg5[%dma_start3A_258] : memref<65536xi32, #tpu.memory_space<hbm>> -> memref<65536xi32, #tpu.memory_space<hbm>>
    tpu.enqueue_indirect_dma source(%dma_start3A_259 : memref<65536xi32, #tpu.memory_space<hbm>>) target(%dma_start3A_255 : memref<128xi32, #tpu.memory_space<vmem>>) offsets(%dma_start3A_257 : memref<128xi32, #tpu.memory_space<vmem>>) semaphore(%arg21 : memref<!tpu.dma_semaphore, #tpu.memory_space<semaphore_mem>>)
    %dma_start3A_260 = arith.constant 768 : i32
    %dma_start3A_261 = tpu.memref_slice %arg20[%dma_start3A_260] : memref<1024xi32, #tpu.memory_space<vmem>> -> memref<128xi32, #tpu.memory_space<vmem>>
    %dma_start3A_262 = arith.constant 768 : i32
    %dma_start3A_263 = tpu.memref_slice %arg18[%dma_start3A_262] : memref<1024xi32, #tpu.memory_space<vmem>> -> memref<128xi32, #tpu.memory_space<vmem>>
    %dma_start3A_264 = arith.constant 0 : i32
    %dma_start3A_265 = tpu.memref_slice %arg5[%dma_start3A_264] : memref<65536xi32, #tpu.memory_space<hbm>> -> memref<65536xi32, #tpu.memory_space<hbm>>
    tpu.enqueue_indirect_dma source(%dma_start3A_265 : memref<65536xi32, #tpu.memory_space<hbm>>) target(%dma_start3A_261 : memref<128xi32, #tpu.memory_space<vmem>>) offsets(%dma_start3A_263 : memref<128xi32, #tpu.memory_space<vmem>>) semaphore(%arg21 : memref<!tpu.dma_semaphore, #tpu.memory_space<semaphore_mem>>)
    %dma_start3A_266 = arith.constant 896 : i32
    %dma_start3A_267 = tpu.memref_slice %arg20[%dma_start3A_266] : memref<1024xi32, #tpu.memory_space<vmem>> -> memref<128xi32, #tpu.memory_space<vmem>>
    %dma_start3A_268 = arith.constant 896 : i32
    %dma_start3A_269 = tpu.memref_slice %arg18[%dma_start3A_268] : memref<1024xi32, #tpu.memory_space<vmem>> -> memref<128xi32, #tpu.memory_space<vmem>>
    %dma_start3A_270 = arith.constant 0 : i32
    %dma_start3A_271 = tpu.memref_slice %arg5[%dma_start3A_270] : memref<65536xi32, #tpu.memory_space<hbm>> -> memref<65536xi32, #tpu.memory_space<hbm>>
    tpu.enqueue_indirect_dma source(%dma_start3A_271 : memref<65536xi32, #tpu.memory_space<hbm>>) target(%dma_start3A_267 : memref<128xi32, #tpu.memory_space<vmem>>) offsets(%dma_start3A_269 : memref<128xi32, #tpu.memory_space<vmem>>) semaphore(%arg21 : memref<!tpu.dma_semaphore, #tpu.memory_space<semaphore_mem>>)
    %dma_wait3A_272 = arith.constant 0 : i32
    %dma_wait3A_273 = tpu.memref_slice %arg20[%dma_wait3A_272] : memref<1024xi32, #tpu.memory_space<vmem>> -> memref<128xi32, #tpu.memory_space<vmem>>
    %dma_wait3A_274 = arith.constant 0 : i32
    %dma_wait3A_275 = tpu.memref_slice %arg18[%dma_wait3A_274] : memref<1024xi32, #tpu.memory_space<vmem>> -> memref<128xi32, #tpu.memory_space<vmem>>
    %dma_wait3A_276 = arith.constant 0 : i32
    %dma_wait3A_277 = tpu.memref_slice %arg5[%dma_wait3A_276] : memref<65536xi32, #tpu.memory_space<hbm>> -> memref<65536xi32, #tpu.memory_space<hbm>>
    tpu.wait_indirect_dma semaphore(%arg21 : memref<!tpu.dma_semaphore, #tpu.memory_space<semaphore_mem>>) src(%dma_wait3A_277 : memref<65536xi32, #tpu.memory_space<hbm>>) dst(%dma_wait3A_273 : memref<128xi32, #tpu.memory_space<vmem>>)
    %dma_wait3A_278 = arith.constant 128 : i32
    %dma_wait3A_279 = tpu.memref_slice %arg20[%dma_wait3A_278] : memref<1024xi32, #tpu.memory_space<vmem>> -> memref<128xi32, #tpu.memory_space<vmem>>
    %dma_wait3A_280 = arith.constant 128 : i32
    %dma_wait3A_281 = tpu.memref_slice %arg18[%dma_wait3A_280] : memref<1024xi32, #tpu.memory_space<vmem>> -> memref<128xi32, #tpu.memory_space<vmem>>
    %dma_wait3A_282 = arith.constant 0 : i32
    %dma_wait3A_283 = tpu.memref_slice %arg5[%dma_wait3A_282] : memref<65536xi32, #tpu.memory_space<hbm>> -> memref<65536xi32, #tpu.memory_space<hbm>>
    tpu.wait_indirect_dma semaphore(%arg21 : memref<!tpu.dma_semaphore, #tpu.memory_space<semaphore_mem>>) src(%dma_wait3A_283 : memref<65536xi32, #tpu.memory_space<hbm>>) dst(%dma_wait3A_279 : memref<128xi32, #tpu.memory_space<vmem>>)
    %dma_wait3A_284 = arith.constant 256 : i32
    %dma_wait3A_285 = tpu.memref_slice %arg20[%dma_wait3A_284] : memref<1024xi32, #tpu.memory_space<vmem>> -> memref<128xi32, #tpu.memory_space<vmem>>
    %dma_wait3A_286 = arith.constant 256 : i32
    %dma_wait3A_287 = tpu.memref_slice %arg18[%dma_wait3A_286] : memref<1024xi32, #tpu.memory_space<vmem>> -> memref<128xi32, #tpu.memory_space<vmem>>
    %dma_wait3A_288 = arith.constant 0 : i32
    %dma_wait3A_289 = tpu.memref_slice %arg5[%dma_wait3A_288] : memref<65536xi32, #tpu.memory_space<hbm>> -> memref<65536xi32, #tpu.memory_space<hbm>>
    tpu.wait_indirect_dma semaphore(%arg21 : memref<!tpu.dma_semaphore, #tpu.memory_space<semaphore_mem>>) src(%dma_wait3A_289 : memref<65536xi32, #tpu.memory_space<hbm>>) dst(%dma_wait3A_285 : memref<128xi32, #tpu.memory_space<vmem>>)
    %dma_wait3A_290 = arith.constant 384 : i32
    %dma_wait3A_291 = tpu.memref_slice %arg20[%dma_wait3A_290] : memref<1024xi32, #tpu.memory_space<vmem>> -> memref<128xi32, #tpu.memory_space<vmem>>
    %dma_wait3A_292 = arith.constant 384 : i32
    %dma_wait3A_293 = tpu.memref_slice %arg18[%dma_wait3A_292] : memref<1024xi32, #tpu.memory_space<vmem>> -> memref<128xi32, #tpu.memory_space<vmem>>
    %dma_wait3A_294 = arith.constant 0 : i32
    %dma_wait3A_295 = tpu.memref_slice %arg5[%dma_wait3A_294] : memref<65536xi32, #tpu.memory_space<hbm>> -> memref<65536xi32, #tpu.memory_space<hbm>>
    tpu.wait_indirect_dma semaphore(%arg21 : memref<!tpu.dma_semaphore, #tpu.memory_space<semaphore_mem>>) src(%dma_wait3A_295 : memref<65536xi32, #tpu.memory_space<hbm>>) dst(%dma_wait3A_291 : memref<128xi32, #tpu.memory_space<vmem>>)
    %dma_wait3A_296 = arith.constant 512 : i32
    %dma_wait3A_297 = tpu.memref_slice %arg20[%dma_wait3A_296] : memref<1024xi32, #tpu.memory_space<vmem>> -> memref<128xi32, #tpu.memory_space<vmem>>
    %dma_wait3A_298 = arith.constant 512 : i32
    %dma_wait3A_299 = tpu.memref_slice %arg18[%dma_wait3A_298] : memref<1024xi32, #tpu.memory_space<vmem>> -> memref<128xi32, #tpu.memory_space<vmem>>
    %dma_wait3A_300 = arith.constant 0 : i32
    %dma_wait3A_301 = tpu.memref_slice %arg5[%dma_wait3A_300] : memref<65536xi32, #tpu.memory_space<hbm>> -> memref<65536xi32, #tpu.memory_space<hbm>>
    tpu.wait_indirect_dma semaphore(%arg21 : memref<!tpu.dma_semaphore, #tpu.memory_space<semaphore_mem>>) src(%dma_wait3A_301 : memref<65536xi32, #tpu.memory_space<hbm>>) dst(%dma_wait3A_297 : memref<128xi32, #tpu.memory_space<vmem>>)
    %dma_wait3A_302 = arith.constant 640 : i32
    %dma_wait3A_303 = tpu.memref_slice %arg20[%dma_wait3A_302] : memref<1024xi32, #tpu.memory_space<vmem>> -> memref<128xi32, #tpu.memory_space<vmem>>
    %dma_wait3A_304 = arith.constant 640 : i32
    %dma_wait3A_305 = tpu.memref_slice %arg18[%dma_wait3A_304] : memref<1024xi32, #tpu.memory_space<vmem>> -> memref<128xi32, #tpu.memory_space<vmem>>
    %dma_wait3A_306 = arith.constant 0 : i32
    %dma_wait3A_307 = tpu.memref_slice %arg5[%dma_wait3A_306] : memref<65536xi32, #tpu.memory_space<hbm>> -> memref<65536xi32, #tpu.memory_space<hbm>>
    tpu.wait_indirect_dma semaphore(%arg21 : memref<!tpu.dma_semaphore, #tpu.memory_space<semaphore_mem>>) src(%dma_wait3A_307 : memref<65536xi32, #tpu.memory_space<hbm>>) dst(%dma_wait3A_303 : memref<128xi32, #tpu.memory_space<vmem>>)
    %dma_wait3A_308 = arith.constant 768 : i32
    %dma_wait3A_309 = tpu.memref_slice %arg20[%dma_wait3A_308] : memref<1024xi32, #tpu.memory_space<vmem>> -> memref<128xi32, #tpu.memory_space<vmem>>
    %dma_wait3A_310 = arith.constant 768 : i32
    %dma_wait3A_311 = tpu.memref_slice %arg18[%dma_wait3A_310] : memref<1024xi32, #tpu.memory_space<vmem>> -> memref<128xi32, #tpu.memory_space<vmem>>
    %dma_wait3A_312 = arith.constant 0 : i32
    %dma_wait3A_313 = tpu.memref_slice %arg5[%dma_wait3A_312] : memref<65536xi32, #tpu.memory_space<hbm>> -> memref<65536xi32, #tpu.memory_space<hbm>>
    tpu.wait_indirect_dma semaphore(%arg21 : memref<!tpu.dma_semaphore, #tpu.memory_space<semaphore_mem>>) src(%dma_wait3A_313 : memref<65536xi32, #tpu.memory_space<hbm>>) dst(%dma_wait3A_309 : memref<128xi32, #tpu.memory_space<vmem>>)
    %dma_wait3A_314 = arith.constant 896 : i32
    %dma_wait3A_315 = tpu.memref_slice %arg20[%dma_wait3A_314] : memref<1024xi32, #tpu.memory_space<vmem>> -> memref<128xi32, #tpu.memory_space<vmem>>
    %dma_wait3A_316 = arith.constant 896 : i32
    %dma_wait3A_317 = tpu.memref_slice %arg18[%dma_wait3A_316] : memref<1024xi32, #tpu.memory_space<vmem>> -> memref<128xi32, #tpu.memory_space<vmem>>
    %dma_wait3A_318 = arith.constant 0 : i32
    %dma_wait3A_319 = tpu.memref_slice %arg5[%dma_wait3A_318] : memref<65536xi32, #tpu.memory_space<hbm>> -> memref<65536xi32, #tpu.memory_space<hbm>>
    tpu.wait_indirect_dma semaphore(%arg21 : memref<!tpu.dma_semaphore, #tpu.memory_space<semaphore_mem>>) src(%dma_wait3A_319 : memref<65536xi32, #tpu.memory_space<hbm>>) dst(%dma_wait3A_315 : memref<128xi32, #tpu.memory_space<vmem>>)
    %mul3A_320 = arith.constant 256 : i32
    %mul3A_321 = arith.muli %add3A, %mul3A_320 : i32
    %mul3A_322 = arith.constant 4 : i32
    %mul3A_323 = arith.muli %mul3A_321, %mul3A_322 : i32
    "tpu.region"() ({
      %run_scoped3A = tpu.sem_alloc : memref<!tpu.dma_semaphore, #tpu.memory_space<semaphore_mem>>
      %dma_start3A_656 = tpu.memref_slice %arg8[%mul3A_323] : memref<32768xi32, #tpu.memory_space<hbm>> -> memref<1024xi32, #tpu.memory_space<hbm>>
      %dma_start3A_657 = tpu.memref_slice %arg8[%mul3A_323] : memref<32768xi32, #tpu.memory_space<hbm>> -> memref<1024xi32, #tpu.memory_space<hbm>>
      tpu.enqueue_dma source(%arg19 : memref<1024xi32, #tpu.memory_space<vmem>>) target(%dma_start3A_657 : memref<1024xi32, #tpu.memory_space<hbm>>) target_semaphore(%run_scoped3A : memref<!tpu.dma_semaphore, #tpu.memory_space<semaphore_mem>>)
      %dma_wait3A_658 = tpu.memref_slice %arg8[%mul3A_323] : memref<32768xi32, #tpu.memory_space<hbm>> -> memref<1024xi32, #tpu.memory_space<hbm>>
      %dma_wait3A_659 = tpu.memref_slice %arg8[%mul3A_323] : memref<32768xi32, #tpu.memory_space<hbm>> -> memref<1024xi32, #tpu.memory_space<hbm>>
      tpu.wait_dma2 semaphore(%run_scoped3A : memref<!tpu.dma_semaphore, #tpu.memory_space<semaphore_mem>>) src(%arg19 : memref<1024xi32, #tpu.memory_space<vmem>>) dst(%dma_wait3A_659 : memref<1024xi32, #tpu.memory_space<hbm>>)
      tpu.yield
    }) : () -> ()
    %mul3A_324 = arith.constant 256 : i32
    %mul3A_325 = arith.muli %add3A, %mul3A_324 : i32
    %mul3A_326 = arith.constant 4 : i32
    %mul3A_327 = arith.muli %mul3A_325, %mul3A_326 : i32
    "tpu.region"() ({
      %run_scoped3A = tpu.sem_alloc : memref<!tpu.dma_semaphore, #tpu.memory_space<semaphore_mem>>
      %dma_start3A_656 = tpu.memref_slice %arg9[%mul3A_327] : memref<32768xi32, #tpu.memory_space<hbm>> -> memref<1024xi32, #tpu.memory_space<hbm>>
      %dma_start3A_657 = tpu.memref_slice %arg9[%mul3A_327] : memref<32768xi32, #tpu.memory_space<hbm>> -> memref<1024xi32, #tpu.memory_space<hbm>>
      tpu.enqueue_dma source(%arg20 : memref<1024xi32, #tpu.memory_space<vmem>>) target(%dma_start3A_657 : memref<1024xi32, #tpu.memory_space<hbm>>) target_semaphore(%run_scoped3A : memref<!tpu.dma_semaphore, #tpu.memory_space<semaphore_mem>>)
      %dma_wait3A_658 = tpu.memref_slice %arg9[%mul3A_327] : memref<32768xi32, #tpu.memory_space<hbm>> -> memref<1024xi32, #tpu.memory_space<hbm>>
      %dma_wait3A_659 = tpu.memref_slice %arg9[%mul3A_327] : memref<32768xi32, #tpu.memory_space<hbm>> -> memref<1024xi32, #tpu.memory_space<hbm>>
      tpu.wait_dma2 semaphore(%run_scoped3A : memref<!tpu.dma_semaphore, #tpu.memory_space<semaphore_mem>>) src(%arg20 : memref<1024xi32, #tpu.memory_space<vmem>>) dst(%dma_wait3A_659 : memref<1024xi32, #tpu.memory_space<hbm>>)
      tpu.yield
    }) : () -> ()
    "tpu.region"() ({
      %run_scoped3A = tpu.sem_alloc : memref<!tpu.dma_semaphore, #tpu.memory_space<semaphore_mem>>
      %dma_start3A_656 = tpu.memref_slice %arg3[%mul3A_2] : memref<1024xi32, #tpu.memory_space<hbm>> -> memref<32xi32, #tpu.memory_space<hbm>>
      %dma_start3A_657 = tpu.memref_slice %arg3[%mul3A_2] : memref<1024xi32, #tpu.memory_space<hbm>> -> memref<32xi32, #tpu.memory_space<hbm>>
      tpu.enqueue_dma source(%dma_start3A_657 : memref<32xi32, #tpu.memory_space<hbm>>) target(%arg14 : memref<32xi32, #tpu.memory_space<vmem>>) target_semaphore(%run_scoped3A : memref<!tpu.dma_semaphore, #tpu.memory_space<semaphore_mem>>)
      %dma_wait3A_658 = tpu.memref_slice %arg3[%mul3A_2] : memref<1024xi32, #tpu.memory_space<hbm>> -> memref<32xi32, #tpu.memory_space<hbm>>
      %dma_wait3A_659 = tpu.memref_slice %arg3[%mul3A_2] : memref<1024xi32, #tpu.memory_space<hbm>> -> memref<32xi32, #tpu.memory_space<hbm>>
      tpu.wait_dma2 semaphore(%run_scoped3A : memref<!tpu.dma_semaphore, #tpu.memory_space<semaphore_mem>>) src(%dma_wait3A_659 : memref<32xi32, #tpu.memory_space<hbm>>) dst(%arg14 : memref<32xi32, #tpu.memory_space<vmem>>)
      tpu.yield
    }) : () -> ()
    %scan3A_328 = arith.constant 0 : i32
    %scan3A_329 = arith.constant 0 : i32
    %scan3A_330 = arith.constant 2 : i32
    %scan3A_331 = arith.addi %scan3A_329, %scan3A_330 : i32
    %scan3A_332 = arith.constant 1 : i32
    scf.for %scan3A_656 = %scan3A_329 to %scan3A_331 step %scan3A_332  : i32 {
      %mul3A_657 = arith.constant 16 : i32
      %mul3A_658 = arith.muli %scan3A_656, %mul3A_657 : i32
      %get3A = arith.index_cast %mul3A_658 : i32 to index
      %get3A_659 = tpu.vector_load %arg14[%get3A] {strides = array<i32>} : memref<32xi32, #tpu.memory_space<vmem>>, vector<16xi32>,
      %get3A_660 = vector.shape_cast %get3A_659 : vector<16xi32> to vector<16xi32>
      %add3A_661 = arith.constant 0 : i32
      %add3A_662 = vector.broadcast %add3A_661 : i32 to vector<16xi32>
      %add3A_663 = arith.addi %add3A_662, %get3A_660 : vector<16xi32>
      %mul3A_664 = arith.constant 16 : i32
      %mul3A_665 = arith.muli %scan3A_656, %mul3A_664 : i32
      %add3A_666 = arith.constant 0 : i32
      %add3A_667 = arith.addi %add3A_666, %mul3A_665 : i32
      %swap3A = arith.index_cast %add3A_667 : i32 to index
      %swap3A_668 = tpu.vector_load %arg15[%swap3A] {strides = array<i32>} : memref<256xi32, #tpu.memory_space<vmem>>, vector<16xi32>,
      %swap3A_669 = vector.shape_cast %swap3A_668 : vector<16xi32> to vector<16xi32>
      %swap3A_670 = vector.shape_cast %add3A_663 : vector<16xi32> to vector<16xi32>
      tpu.vector_store %arg15[%swap3A], %swap3A_670 {strides = array<i32>} : memref<256xi32, #tpu.memory_space<vmem>>, vector<16xi32>,
    }
    %scan3A_333 = arith.constant 2 : i32
    %scan3A_334 = arith.constant 0 : i32
    %scan3A_335 = arith.constant 0 : i32
    %scan3A_336 = arith.constant 2 : i32
    %scan3A_337 = arith.addi %scan3A_335, %scan3A_336 : i32
    %scan3A_338 = arith.constant 1 : i32
    scf.for %scan3A_656 = %scan3A_335 to %scan3A_337 step %scan3A_338  : i32 {
      %mul3A_657 = arith.constant 16 : i32
      %mul3A_658 = arith.muli %scan3A_656, %mul3A_657 : i32
      %get3A = arith.index_cast %mul3A_658 : i32 to index
      %get3A_659 = tpu.vector_load %arg14[%get3A] {strides = array<i32>} : memref<32xi32, #tpu.memory_space<vmem>>, vector<16xi32>,
      %get3A_660 = vector.shape_cast %get3A_659 : vector<16xi32> to vector<16xi32>
      %add3A_661 = arith.constant 8192 : i32
      %add3A_662 = vector.broadcast %add3A_661 : i32 to vector<16xi32>
      %add3A_663 = arith.addi %add3A_662, %get3A_660 : vector<16xi32>
      %mul3A_664 = arith.constant 16 : i32
      %mul3A_665 = arith.muli %scan3A_656, %mul3A_664 : i32
      %add3A_666 = arith.constant 32 : i32
      %add3A_667 = arith.addi %add3A_666, %mul3A_665 : i32
      %swap3A = arith.index_cast %add3A_667 : i32 to index
      %swap3A_668 = tpu.vector_load %arg15[%swap3A] {strides = array<i32>} : memref<256xi32, #tpu.memory_space<vmem>>, vector<16xi32>,
      %swap3A_669 = vector.shape_cast %swap3A_668 : vector<16xi32> to vector<16xi32>
      %swap3A_670 = vector.shape_cast %add3A_663 : vector<16xi32> to vector<16xi32>
      tpu.vector_store %arg15[%swap3A], %swap3A_670 {strides = array<i32>} : memref<256xi32, #tpu.memory_space<vmem>>, vector<16xi32>,
    }
    %scan3A_339 = arith.constant 2 : i32
    %scan3A_340 = arith.constant 0 : i32
    %scan3A_341 = arith.constant 0 : i32
    %scan3A_342 = arith.constant 2 : i32
    %scan3A_343 = arith.addi %scan3A_341, %scan3A_342 : i32
    %scan3A_344 = arith.constant 1 : i32
    scf.for %scan3A_656 = %scan3A_341 to %scan3A_343 step %scan3A_344  : i32 {
      %mul3A_657 = arith.constant 16 : i32
      %mul3A_658 = arith.muli %scan3A_656, %mul3A_657 : i32
      %get3A = arith.index_cast %mul3A_658 : i32 to index
      %get3A_659 = tpu.vector_load %arg14[%get3A] {strides = array<i32>} : memref<32xi32, #tpu.memory_space<vmem>>, vector<16xi32>,
      %get3A_660 = vector.shape_cast %get3A_659 : vector<16xi32> to vector<16xi32>
      %add3A_661 = arith.constant 16384 : i32
      %add3A_662 = vector.broadcast %add3A_661 : i32 to vector<16xi32>
      %add3A_663 = arith.addi %add3A_662, %get3A_660 : vector<16xi32>
      %mul3A_664 = arith.constant 16 : i32
      %mul3A_665 = arith.muli %scan3A_656, %mul3A_664 : i32
      %add3A_666 = arith.constant 64 : i32
      %add3A_667 = arith.addi %add3A_666, %mul3A_665 : i32
      %swap3A = arith.index_cast %add3A_667 : i32 to index
      %swap3A_668 = tpu.vector_load %arg15[%swap3A] {strides = array<i32>} : memref<256xi32, #tpu.memory_space<vmem>>, vector<16xi32>,
      %swap3A_669 = vector.shape_cast %swap3A_668 : vector<16xi32> to vector<16xi32>
      %swap3A_670 = vector.shape_cast %add3A_663 : vector<16xi32> to vector<16xi32>
      tpu.vector_store %arg15[%swap3A], %swap3A_670 {strides = array<i32>} : memref<256xi32, #tpu.memory_space<vmem>>, vector<16xi32>,
    }
    %scan3A_345 = arith.constant 2 : i32
    %scan3A_346 = arith.constant 0 : i32
    %scan3A_347 = arith.constant 0 : i32
    %scan3A_348 = arith.constant 2 : i32
    %scan3A_349 = arith.addi %scan3A_347, %scan3A_348 : i32
    %scan3A_350 = arith.constant 1 : i32
    scf.for %scan3A_656 = %scan3A_347 to %scan3A_349 step %scan3A_350  : i32 {
      %mul3A_657 = arith.constant 16 : i32
      %mul3A_658 = arith.muli %scan3A_656, %mul3A_657 : i32
      %get3A = arith.index_cast %mul3A_658 : i32 to index
      %get3A_659 = tpu.vector_load %arg14[%get3A] {strides = array<i32>} : memref<32xi32, #tpu.memory_space<vmem>>, vector<16xi32>,
      %get3A_660 = vector.shape_cast %get3A_659 : vector<16xi32> to vector<16xi32>
      %add3A_661 = arith.constant 24576 : i32
      %add3A_662 = vector.broadcast %add3A_661 : i32 to vector<16xi32>
      %add3A_663 = arith.addi %add3A_662, %get3A_660 : vector<16xi32>
      %mul3A_664 = arith.constant 16 : i32
      %mul3A_665 = arith.muli %scan3A_656, %mul3A_664 : i32
      %add3A_666 = arith.constant 96 : i32
      %add3A_667 = arith.addi %add3A_666, %mul3A_665 : i32
      %swap3A = arith.index_cast %add3A_667 : i32 to index
      %swap3A_668 = tpu.vector_load %arg15[%swap3A] {strides = array<i32>} : memref<256xi32, #tpu.memory_space<vmem>>, vector<16xi32>,
      %swap3A_669 = vector.shape_cast %swap3A_668 : vector<16xi32> to vector<16xi32>
      %swap3A_670 = vector.shape_cast %add3A_663 : vector<16xi32> to vector<16xi32>
      tpu.vector_store %arg15[%swap3A], %swap3A_670 {strides = array<i32>} : memref<256xi32, #tpu.memory_space<vmem>>, vector<16xi32>,
    }
    %scan3A_351 = arith.constant 2 : i32
    %scan3A_352 = arith.constant 0 : i32
    %scan3A_353 = arith.constant 0 : i32
    %scan3A_354 = arith.constant 2 : i32
    %scan3A_355 = arith.addi %scan3A_353, %scan3A_354 : i32
    %scan3A_356 = arith.constant 1 : i32
    scf.for %scan3A_656 = %scan3A_353 to %scan3A_355 step %scan3A_356  : i32 {
      %mul3A_657 = arith.constant 16 : i32
      %mul3A_658 = arith.muli %scan3A_656, %mul3A_657 : i32
      %get3A = arith.index_cast %mul3A_658 : i32 to index
      %get3A_659 = tpu.vector_load %arg14[%get3A] {strides = array<i32>} : memref<32xi32, #tpu.memory_space<vmem>>, vector<16xi32>,
      %get3A_660 = vector.shape_cast %get3A_659 : vector<16xi32> to vector<16xi32>
      %add3A_661 = arith.constant 32768 : i32
      %add3A_662 = vector.broadcast %add3A_661 : i32 to vector<16xi32>
      %add3A_663 = arith.addi %add3A_662, %get3A_660 : vector<16xi32>
      %mul3A_664 = arith.constant 16 : i32
      %mul3A_665 = arith.muli %scan3A_656, %mul3A_664 : i32
      %add3A_666 = arith.constant 128 : i32
      %add3A_667 = arith.addi %add3A_666, %mul3A_665 : i32
      %swap3A = arith.index_cast %add3A_667 : i32 to index
      %swap3A_668 = tpu.vector_load %arg15[%swap3A] {strides = array<i32>} : memref<256xi32, #tpu.memory_space<vmem>>, vector<16xi32>,
      %swap3A_669 = vector.shape_cast %swap3A_668 : vector<16xi32> to vector<16xi32>
      %swap3A_670 = vector.shape_cast %add3A_663 : vector<16xi32> to vector<16xi32>
      tpu.vector_store %arg15[%swap3A], %swap3A_670 {strides = array<i32>} : memref<256xi32, #tpu.memory_space<vmem>>, vector<16xi32>,
    }
    %scan3A_357 = arith.constant 2 : i32
    %scan3A_358 = arith.constant 0 : i32
    %scan3A_359 = arith.constant 0 : i32
    %scan3A_360 = arith.constant 2 : i32
    %scan3A_361 = arith.addi %scan3A_359, %scan3A_360 : i32
    %scan3A_362 = arith.constant 1 : i32
    scf.for %scan3A_656 = %scan3A_359 to %scan3A_361 step %scan3A_362  : i32 {
      %mul3A_657 = arith.constant 16 : i32
      %mul3A_658 = arith.muli %scan3A_656, %mul3A_657 : i32
      %get3A = arith.index_cast %mul3A_658 : i32 to index
      %get3A_659 = tpu.vector_load %arg14[%get3A] {strides = array<i32>} : memref<32xi32, #tpu.memory_space<vmem>>, vector<16xi32>,
      %get3A_660 = vector.shape_cast %get3A_659 : vector<16xi32> to vector<16xi32>
      %add3A_661 = arith.constant 40960 : i32
      %add3A_662 = vector.broadcast %add3A_661 : i32 to vector<16xi32>
      %add3A_663 = arith.addi %add3A_662, %get3A_660 : vector<16xi32>
      %mul3A_664 = arith.constant 16 : i32
      %mul3A_665 = arith.muli %scan3A_656, %mul3A_664 : i32
      %add3A_666 = arith.constant 160 : i32
      %add3A_667 = arith.addi %add3A_666, %mul3A_665 : i32
      %swap3A = arith.index_cast %add3A_667 : i32 to index
      %swap3A_668 = tpu.vector_load %arg15[%swap3A] {strides = array<i32>} : memref<256xi32, #tpu.memory_space<vmem>>, vector<16xi32>,
      %swap3A_669 = vector.shape_cast %swap3A_668 : vector<16xi32> to vector<16xi32>
      %swap3A_670 = vector.shape_cast %add3A_663 : vector<16xi32> to vector<16xi32>
      tpu.vector_store %arg15[%swap3A], %swap3A_670 {strides = array<i32>} : memref<256xi32, #tpu.memory_space<vmem>>, vector<16xi32>,
    }
    %scan3A_363 = arith.constant 2 : i32
    %scan3A_364 = arith.constant 0 : i32
    %scan3A_365 = arith.constant 0 : i32
    %scan3A_366 = arith.constant 2 : i32
    %scan3A_367 = arith.addi %scan3A_365, %scan3A_366 : i32
    %scan3A_368 = arith.constant 1 : i32
    scf.for %scan3A_656 = %scan3A_365 to %scan3A_367 step %scan3A_368  : i32 {
      %mul3A_657 = arith.constant 16 : i32
      %mul3A_658 = arith.muli %scan3A_656, %mul3A_657 : i32
      %get3A = arith.index_cast %mul3A_658 : i32 to index
      %get3A_659 = tpu.vector_load %arg14[%get3A] {strides = array<i32>} : memref<32xi32, #tpu.memory_space<vmem>>, vector<16xi32>,
      %get3A_660 = vector.shape_cast %get3A_659 : vector<16xi32> to vector<16xi32>
      %add3A_661 = arith.constant 49152 : i32
      %add3A_662 = vector.broadcast %add3A_661 : i32 to vector<16xi32>
      %add3A_663 = arith.addi %add3A_662, %get3A_660 : vector<16xi32>
      %mul3A_664 = arith.constant 16 : i32
      %mul3A_665 = arith.muli %scan3A_656, %mul3A_664 : i32
      %add3A_666 = arith.constant 192 : i32
      %add3A_667 = arith.addi %add3A_666, %mul3A_665 : i32
      %swap3A = arith.index_cast %add3A_667 : i32 to index
      %swap3A_668 = tpu.vector_load %arg15[%swap3A] {strides = array<i32>} : memref<256xi32, #tpu.memory_space<vmem>>, vector<16xi32>,
      %swap3A_669 = vector.shape_cast %swap3A_668 : vector<16xi32> to vector<16xi32>
      %swap3A_670 = vector.shape_cast %add3A_663 : vector<16xi32> to vector<16xi32>
      tpu.vector_store %arg15[%swap3A], %swap3A_670 {strides = array<i32>} : memref<256xi32, #tpu.memory_space<vmem>>, vector<16xi32>,
    }
    %scan3A_369 = arith.constant 2 : i32
    %scan3A_370 = arith.constant 0 : i32
    %scan3A_371 = arith.constant 0 : i32
    %scan3A_372 = arith.constant 2 : i32
    %scan3A_373 = arith.addi %scan3A_371, %scan3A_372 : i32
    %scan3A_374 = arith.constant 1 : i32
    scf.for %scan3A_656 = %scan3A_371 to %scan3A_373 step %scan3A_374  : i32 {
      %mul3A_657 = arith.constant 16 : i32
      %mul3A_658 = arith.muli %scan3A_656, %mul3A_657 : i32
      %get3A = arith.index_cast %mul3A_658 : i32 to index
      %get3A_659 = tpu.vector_load %arg14[%get3A] {strides = array<i32>} : memref<32xi32, #tpu.memory_space<vmem>>, vector<16xi32>,
      %get3A_660 = vector.shape_cast %get3A_659 : vector<16xi32> to vector<16xi32>
      %add3A_661 = arith.constant 57344 : i32
      %add3A_662 = vector.broadcast %add3A_661 : i32 to vector<16xi32>
      %add3A_663 = arith.addi %add3A_662, %get3A_660 : vector<16xi32>
      %mul3A_664 = arith.constant 16 : i32
      %mul3A_665 = arith.muli %scan3A_656, %mul3A_664 : i32
      %add3A_666 = arith.constant 224 : i32
      %add3A_667 = arith.addi %add3A_666, %mul3A_665 : i32
      %swap3A = arith.index_cast %add3A_667 : i32 to index
      %swap3A_668 = tpu.vector_load %arg15[%swap3A] {strides = array<i32>} : memref<256xi32, #tpu.memory_space<vmem>>, vector<16xi32>,
      %swap3A_669 = vector.shape_cast %swap3A_668 : vector<16xi32> to vector<16xi32>
      %swap3A_670 = vector.shape_cast %add3A_663 : vector<16xi32> to vector<16xi32>
      tpu.vector_store %arg15[%swap3A], %swap3A_670 {strides = array<i32>} : memref<256xi32, #tpu.memory_space<vmem>>, vector<16xi32>,
    }
    %scan3A_375 = arith.constant 2 : i32
    %dma_start3A_376 = arith.constant 0 : i32
    %dma_start3A_377 = tpu.memref_slice %arg16[%dma_start3A_376] : memref<256xi32, #tpu.memory_space<vmem>> -> memref<128xi32, #tpu.memory_space<vmem>>
    %dma_start3A_378 = arith.constant 0 : i32
    %dma_start3A_379 = tpu.memref_slice %arg15[%dma_start3A_378] : memref<256xi32, #tpu.memory_space<vmem>> -> memref<128xi32, #tpu.memory_space<vmem>>
    %dma_start3A_380 = arith.constant 0 : i32
    %dma_start3A_381 = tpu.memref_slice %arg4[%dma_start3A_380] : memref<65536xi32, #tpu.memory_space<hbm>> -> memref<65536xi32, #tpu.memory_space<hbm>>
    tpu.enqueue_indirect_dma source(%dma_start3A_381 : memref<65536xi32, #tpu.memory_space<hbm>>) target(%dma_start3A_377 : memref<128xi32, #tpu.memory_space<vmem>>) offsets(%dma_start3A_379 : memref<128xi32, #tpu.memory_space<vmem>>) semaphore(%arg21 : memref<!tpu.dma_semaphore, #tpu.memory_space<semaphore_mem>>)
    %dma_start3A_382 = arith.constant 128 : i32
    %dma_start3A_383 = tpu.memref_slice %arg16[%dma_start3A_382] : memref<256xi32, #tpu.memory_space<vmem>> -> memref<128xi32, #tpu.memory_space<vmem>>
    %dma_start3A_384 = arith.constant 128 : i32
    %dma_start3A_385 = tpu.memref_slice %arg15[%dma_start3A_384] : memref<256xi32, #tpu.memory_space<vmem>> -> memref<128xi32, #tpu.memory_space<vmem>>
    %dma_start3A_386 = arith.constant 0 : i32
    %dma_start3A_387 = tpu.memref_slice %arg4[%dma_start3A_386] : memref<65536xi32, #tpu.memory_space<hbm>> -> memref<65536xi32, #tpu.memory_space<hbm>>
    tpu.enqueue_indirect_dma source(%dma_start3A_387 : memref<65536xi32, #tpu.memory_space<hbm>>) target(%dma_start3A_383 : memref<128xi32, #tpu.memory_space<vmem>>) offsets(%dma_start3A_385 : memref<128xi32, #tpu.memory_space<vmem>>) semaphore(%arg21 : memref<!tpu.dma_semaphore, #tpu.memory_space<semaphore_mem>>)
    %dma_wait3A_388 = arith.constant 0 : i32
    %dma_wait3A_389 = tpu.memref_slice %arg16[%dma_wait3A_388] : memref<256xi32, #tpu.memory_space<vmem>> -> memref<128xi32, #tpu.memory_space<vmem>>
    %dma_wait3A_390 = arith.constant 0 : i32
    %dma_wait3A_391 = tpu.memref_slice %arg15[%dma_wait3A_390] : memref<256xi32, #tpu.memory_space<vmem>> -> memref<128xi32, #tpu.memory_space<vmem>>
    %dma_wait3A_392 = arith.constant 0 : i32
    %dma_wait3A_393 = tpu.memref_slice %arg4[%dma_wait3A_392] : memref<65536xi32, #tpu.memory_space<hbm>> -> memref<65536xi32, #tpu.memory_space<hbm>>
    tpu.wait_indirect_dma semaphore(%arg21 : memref<!tpu.dma_semaphore, #tpu.memory_space<semaphore_mem>>) src(%dma_wait3A_393 : memref<65536xi32, #tpu.memory_space<hbm>>) dst(%dma_wait3A_389 : memref<128xi32, #tpu.memory_space<vmem>>)
    %dma_wait3A_394 = arith.constant 128 : i32
    %dma_wait3A_395 = tpu.memref_slice %arg16[%dma_wait3A_394] : memref<256xi32, #tpu.memory_space<vmem>> -> memref<128xi32, #tpu.memory_space<vmem>>
    %dma_wait3A_396 = arith.constant 128 : i32
    %dma_wait3A_397 = tpu.memref_slice %arg15[%dma_wait3A_396] : memref<256xi32, #tpu.memory_space<vmem>> -> memref<128xi32, #tpu.memory_space<vmem>>
    %dma_wait3A_398 = arith.constant 0 : i32
    %dma_wait3A_399 = tpu.memref_slice %arg4[%dma_wait3A_398] : memref<65536xi32, #tpu.memory_space<hbm>> -> memref<65536xi32, #tpu.memory_space<hbm>>
    tpu.wait_indirect_dma semaphore(%arg21 : memref<!tpu.dma_semaphore, #tpu.memory_space<semaphore_mem>>) src(%dma_wait3A_399 : memref<65536xi32, #tpu.memory_space<hbm>>) dst(%dma_wait3A_395 : memref<128xi32, #tpu.memory_space<vmem>>)
    %dma_start3A_400 = arith.constant 0 : i32
    %dma_start3A_401 = tpu.memref_slice %arg17[%dma_start3A_400] : memref<256xi32, #tpu.memory_space<vmem>> -> memref<128xi32, #tpu.memory_space<vmem>>
    %dma_start3A_402 = arith.constant 0 : i32
    %dma_start3A_403 = tpu.memref_slice %arg15[%dma_start3A_402] : memref<256xi32, #tpu.memory_space<vmem>> -> memref<128xi32, #tpu.memory_space<vmem>>
    %dma_start3A_404 = arith.constant 0 : i32
    %dma_start3A_405 = tpu.memref_slice %arg5[%dma_start3A_404] : memref<65536xi32, #tpu.memory_space<hbm>> -> memref<65536xi32, #tpu.memory_space<hbm>>
    tpu.enqueue_indirect_dma source(%dma_start3A_405 : memref<65536xi32, #tpu.memory_space<hbm>>) target(%dma_start3A_401 : memref<128xi32, #tpu.memory_space<vmem>>) offsets(%dma_start3A_403 : memref<128xi32, #tpu.memory_space<vmem>>) semaphore(%arg21 : memref<!tpu.dma_semaphore, #tpu.memory_space<semaphore_mem>>)
    %dma_start3A_406 = arith.constant 128 : i32
    %dma_start3A_407 = tpu.memref_slice %arg17[%dma_start3A_406] : memref<256xi32, #tpu.memory_space<vmem>> -> memref<128xi32, #tpu.memory_space<vmem>>
    %dma_start3A_408 = arith.constant 128 : i32
    %dma_start3A_409 = tpu.memref_slice %arg15[%dma_start3A_408] : memref<256xi32, #tpu.memory_space<vmem>> -> memref<128xi32, #tpu.memory_space<vmem>>
    %dma_start3A_410 = arith.constant 0 : i32
    %dma_start3A_411 = tpu.memref_slice %arg5[%dma_start3A_410] : memref<65536xi32, #tpu.memory_space<hbm>> -> memref<65536xi32, #tpu.memory_space<hbm>>
    tpu.enqueue_indirect_dma source(%dma_start3A_411 : memref<65536xi32, #tpu.memory_space<hbm>>) target(%dma_start3A_407 : memref<128xi32, #tpu.memory_space<vmem>>) offsets(%dma_start3A_409 : memref<128xi32, #tpu.memory_space<vmem>>) semaphore(%arg21 : memref<!tpu.dma_semaphore, #tpu.memory_space<semaphore_mem>>)
    %dma_wait3A_412 = arith.constant 0 : i32
    %dma_wait3A_413 = tpu.memref_slice %arg17[%dma_wait3A_412] : memref<256xi32, #tpu.memory_space<vmem>> -> memref<128xi32, #tpu.memory_space<vmem>>
    %dma_wait3A_414 = arith.constant 0 : i32
    %dma_wait3A_415 = tpu.memref_slice %arg15[%dma_wait3A_414] : memref<256xi32, #tpu.memory_space<vmem>> -> memref<128xi32, #tpu.memory_space<vmem>>
    %dma_wait3A_416 = arith.constant 0 : i32
    %dma_wait3A_417 = tpu.memref_slice %arg5[%dma_wait3A_416] : memref<65536xi32, #tpu.memory_space<hbm>> -> memref<65536xi32, #tpu.memory_space<hbm>>
    tpu.wait_indirect_dma semaphore(%arg21 : memref<!tpu.dma_semaphore, #tpu.memory_space<semaphore_mem>>) src(%dma_wait3A_417 : memref<65536xi32, #tpu.memory_space<hbm>>) dst(%dma_wait3A_413 : memref<128xi32, #tpu.memory_space<vmem>>)
    %dma_wait3A_418 = arith.constant 128 : i32
    %dma_wait3A_419 = tpu.memref_slice %arg17[%dma_wait3A_418] : memref<256xi32, #tpu.memory_space<vmem>> -> memref<128xi32, #tpu.memory_space<vmem>>
    %dma_wait3A_420 = arith.constant 128 : i32
    %dma_wait3A_421 = tpu.memref_slice %arg15[%dma_wait3A_420] : memref<256xi32, #tpu.memory_space<vmem>> -> memref<128xi32, #tpu.memory_space<vmem>>
    %dma_wait3A_422 = arith.constant 0 : i32
    %dma_wait3A_423 = tpu.memref_slice %arg5[%dma_wait3A_422] : memref<65536xi32, #tpu.memory_space<hbm>> -> memref<65536xi32, #tpu.memory_space<hbm>>
    tpu.wait_indirect_dma semaphore(%arg21 : memref<!tpu.dma_semaphore, #tpu.memory_space<semaphore_mem>>) src(%dma_wait3A_423 : memref<65536xi32, #tpu.memory_space<hbm>>) dst(%dma_wait3A_419 : memref<128xi32, #tpu.memory_space<vmem>>)
    %mul3A_424 = arith.constant 32 : i32
    %mul3A_425 = arith.muli %add3A, %mul3A_424 : i32
    %mul3A_426 = arith.constant 8 : i32
    %mul3A_427 = arith.muli %mul3A_425, %mul3A_426 : i32
    "tpu.region"() ({
      %run_scoped3A = tpu.sem_alloc : memref<!tpu.dma_semaphore, #tpu.memory_space<semaphore_mem>>
      %dma_start3A_656 = tpu.memref_slice %arg10[%mul3A_427] : memref<8192xi32, #tpu.memory_space<hbm>> -> memref<256xi32, #tpu.memory_space<hbm>>
      %dma_start3A_657 = tpu.memref_slice %arg10[%mul3A_427] : memref<8192xi32, #tpu.memory_space<hbm>> -> memref<256xi32, #tpu.memory_space<hbm>>
      tpu.enqueue_dma source(%arg16 : memref<256xi32, #tpu.memory_space<vmem>>) target(%dma_start3A_657 : memref<256xi32, #tpu.memory_space<hbm>>) target_semaphore(%run_scoped3A : memref<!tpu.dma_semaphore, #tpu.memory_space<semaphore_mem>>)
      %dma_wait3A_658 = tpu.memref_slice %arg10[%mul3A_427] : memref<8192xi32, #tpu.memory_space<hbm>> -> memref<256xi32, #tpu.memory_space<hbm>>
      %dma_wait3A_659 = tpu.memref_slice %arg10[%mul3A_427] : memref<8192xi32, #tpu.memory_space<hbm>> -> memref<256xi32, #tpu.memory_space<hbm>>
      tpu.wait_dma2 semaphore(%run_scoped3A : memref<!tpu.dma_semaphore, #tpu.memory_space<semaphore_mem>>) src(%arg16 : memref<256xi32, #tpu.memory_space<vmem>>) dst(%dma_wait3A_659 : memref<256xi32, #tpu.memory_space<hbm>>)
      tpu.yield
    }) : () -> ()
    %mul3A_428 = arith.constant 32 : i32
    %mul3A_429 = arith.muli %add3A, %mul3A_428 : i32
    %mul3A_430 = arith.constant 8 : i32
    %mul3A_431 = arith.muli %mul3A_429, %mul3A_430 : i32
    "tpu.region"() ({
      %run_scoped3A = tpu.sem_alloc : memref<!tpu.dma_semaphore, #tpu.memory_space<semaphore_mem>>
      %dma_start3A_656 = tpu.memref_slice %arg11[%mul3A_431] : memref<8192xi32, #tpu.memory_space<hbm>> -> memref<256xi32, #tpu.memory_space<hbm>>
      %dma_start3A_657 = tpu.memref_slice %arg11[%mul3A_431] : memref<8192xi32, #tpu.memory_space<hbm>> -> memref<256xi32, #tpu.memory_space<hbm>>
      tpu.enqueue_dma source(%arg17 : memref<256xi32, #tpu.memory_space<vmem>>) target(%dma_start3A_657 : memref<256xi32, #tpu.memory_space<hbm>>) target_semaphore(%run_scoped3A : memref<!tpu.dma_semaphore, #tpu.memory_space<semaphore_mem>>)
      %dma_wait3A_658 = tpu.memref_slice %arg11[%mul3A_431] : memref<8192xi32, #tpu.memory_space<hbm>> -> memref<256xi32, #tpu.memory_space<hbm>>
      %dma_wait3A_659 = tpu.memref_slice %arg11[%mul3A_431] : memref<8192xi32, #tpu.memory_space<hbm>> -> memref<256xi32, #tpu.memory_space<hbm>>
      tpu.wait_dma2 semaphore(%run_scoped3A : memref<!tpu.dma_semaphore, #tpu.memory_space<semaphore_mem>>) src(%arg17 : memref<256xi32, #tpu.memory_space<vmem>>) dst(%dma_wait3A_659 : memref<256xi32, #tpu.memory_space<hbm>>)
      tpu.yield
    }) : () -> ()
    %scan3A_432 = arith.constant 0 : i32
    %scan3A_433 = arith.constant 0 : i32
    %scan3A_434 = arith.constant 16 : i32
    %scan3A_435 = arith.addi %scan3A_433, %scan3A_434 : i32
    %scan3A_436 = arith.constant 1 : i32
    scf.for %scan3A_656 = %scan3A_433 to %scan3A_435 step %scan3A_436  : i32 {
      %mul3A_657 = arith.constant 16 : i32
      %mul3A_658 = arith.muli %scan3A_656, %mul3A_657 : i32
      %get3A = arith.index_cast %mul3A_658 : i32 to index
      %get3A_659 = tpu.vector_load %arg16[%get3A] {strides = array<i32>} : memref<256xi32, #tpu.memory_space<vmem>>, vector<16xi32>,
      %get3A_660 = vector.shape_cast %get3A_659 : vector<16xi32> to vector<16xi32>
      %add3A_661 = arith.constant 0 : i32
      %add3A_662 = vector.broadcast %add3A_661 : i32 to vector<16xi32>
      %add3A_663 = arith.addi %add3A_662, %get3A_660 : vector<16xi32>
      %mul3A_664 = arith.constant 16 : i32
      %mul3A_665 = arith.muli %scan3A_656, %mul3A_664 : i32
      %add3A_666 = arith.constant 0 : i32
      %add3A_667 = arith.addi %add3A_666, %mul3A_665 : i32
      %swap3A = arith.index_cast %add3A_667 : i32 to index
      %swap3A_668 = tpu.vector_load %arg18[%swap3A] {strides = array<i32>} : memref<1024xi32, #tpu.memory_space<vmem>>, vector<16xi32>,
      %swap3A_669 = vector.shape_cast %swap3A_668 : vector<16xi32> to vector<16xi32>
      %swap3A_670 = vector.shape_cast %add3A_663 : vector<16xi32> to vector<16xi32>
      tpu.vector_store %arg18[%swap3A], %swap3A_670 {strides = array<i32>} : memref<1024xi32, #tpu.memory_space<vmem>>, vector<16xi32>,
    }
    %scan3A_437 = arith.constant 16 : i32
    %scan3A_438 = arith.constant 0 : i32
    %scan3A_439 = arith.constant 0 : i32
    %scan3A_440 = arith.constant 16 : i32
    %scan3A_441 = arith.addi %scan3A_439, %scan3A_440 : i32
    %scan3A_442 = arith.constant 1 : i32
    scf.for %scan3A_656 = %scan3A_439 to %scan3A_441 step %scan3A_442  : i32 {
      %mul3A_657 = arith.constant 16 : i32
      %mul3A_658 = arith.muli %scan3A_656, %mul3A_657 : i32
      %get3A = arith.index_cast %mul3A_658 : i32 to index
      %get3A_659 = tpu.vector_load %arg16[%get3A] {strides = array<i32>} : memref<256xi32, #tpu.memory_space<vmem>>, vector<16xi32>,
      %get3A_660 = vector.shape_cast %get3A_659 : vector<16xi32> to vector<16xi32>
      %add3A_661 = arith.constant 8192 : i32
      %add3A_662 = vector.broadcast %add3A_661 : i32 to vector<16xi32>
      %add3A_663 = arith.addi %add3A_662, %get3A_660 : vector<16xi32>
      %mul3A_664 = arith.constant 16 : i32
      %mul3A_665 = arith.muli %scan3A_656, %mul3A_664 : i32
      %add3A_666 = arith.constant 256 : i32
      %add3A_667 = arith.addi %add3A_666, %mul3A_665 : i32
      %swap3A = arith.index_cast %add3A_667 : i32 to index
      %swap3A_668 = tpu.vector_load %arg18[%swap3A] {strides = array<i32>} : memref<1024xi32, #tpu.memory_space<vmem>>, vector<16xi32>,
      %swap3A_669 = vector.shape_cast %swap3A_668 : vector<16xi32> to vector<16xi32>
      %swap3A_670 = vector.shape_cast %add3A_663 : vector<16xi32> to vector<16xi32>
      tpu.vector_store %arg18[%swap3A], %swap3A_670 {strides = array<i32>} : memref<1024xi32, #tpu.memory_space<vmem>>, vector<16xi32>,
    }
    %scan3A_443 = arith.constant 16 : i32
    %scan3A_444 = arith.constant 0 : i32
    %scan3A_445 = arith.constant 0 : i32
    %scan3A_446 = arith.constant 16 : i32
    %scan3A_447 = arith.addi %scan3A_445, %scan3A_446 : i32
    %scan3A_448 = arith.constant 1 : i32
    scf.for %scan3A_656 = %scan3A_445 to %scan3A_447 step %scan3A_448  : i32 {
      %mul3A_657 = arith.constant 16 : i32
      %mul3A_658 = arith.muli %scan3A_656, %mul3A_657 : i32
      %get3A = arith.index_cast %mul3A_658 : i32 to index
      %get3A_659 = tpu.vector_load %arg16[%get3A] {strides = array<i32>} : memref<256xi32, #tpu.memory_space<vmem>>, vector<16xi32>,
      %get3A_660 = vector.shape_cast %get3A_659 : vector<16xi32> to vector<16xi32>
      %add3A_661 = arith.constant 16384 : i32
      %add3A_662 = vector.broadcast %add3A_661 : i32 to vector<16xi32>
      %add3A_663 = arith.addi %add3A_662, %get3A_660 : vector<16xi32>
      %mul3A_664 = arith.constant 16 : i32
      %mul3A_665 = arith.muli %scan3A_656, %mul3A_664 : i32
      %add3A_666 = arith.constant 512 : i32
      %add3A_667 = arith.addi %add3A_666, %mul3A_665 : i32
      %swap3A = arith.index_cast %add3A_667 : i32 to index
      %swap3A_668 = tpu.vector_load %arg18[%swap3A] {strides = array<i32>} : memref<1024xi32, #tpu.memory_space<vmem>>, vector<16xi32>,
      %swap3A_669 = vector.shape_cast %swap3A_668 : vector<16xi32> to vector<16xi32>
      %swap3A_670 = vector.shape_cast %add3A_663 : vector<16xi32> to vector<16xi32>
      tpu.vector_store %arg18[%swap3A], %swap3A_670 {strides = array<i32>} : memref<1024xi32, #tpu.memory_space<vmem>>, vector<16xi32>,
    }
    %scan3A_449 = arith.constant 16 : i32
    %scan3A_450 = arith.constant 0 : i32
    %scan3A_451 = arith.constant 0 : i32
    %scan3A_452 = arith.constant 16 : i32
    %scan3A_453 = arith.addi %scan3A_451, %scan3A_452 : i32
    %scan3A_454 = arith.constant 1 : i32
    scf.for %scan3A_656 = %scan3A_451 to %scan3A_453 step %scan3A_454  : i32 {
      %mul3A_657 = arith.constant 16 : i32
      %mul3A_658 = arith.muli %scan3A_656, %mul3A_657 : i32
      %get3A = arith.index_cast %mul3A_658 : i32 to index
      %get3A_659 = tpu.vector_load %arg16[%get3A] {strides = array<i32>} : memref<256xi32, #tpu.memory_space<vmem>>, vector<16xi32>,
      %get3A_660 = vector.shape_cast %get3A_659 : vector<16xi32> to vector<16xi32>
      %add3A_661 = arith.constant 24576 : i32
      %add3A_662 = vector.broadcast %add3A_661 : i32 to vector<16xi32>
      %add3A_663 = arith.addi %add3A_662, %get3A_660 : vector<16xi32>
      %mul3A_664 = arith.constant 16 : i32
      %mul3A_665 = arith.muli %scan3A_656, %mul3A_664 : i32
      %add3A_666 = arith.constant 768 : i32
      %add3A_667 = arith.addi %add3A_666, %mul3A_665 : i32
      %swap3A = arith.index_cast %add3A_667 : i32 to index
      %swap3A_668 = tpu.vector_load %arg18[%swap3A] {strides = array<i32>} : memref<1024xi32, #tpu.memory_space<vmem>>, vector<16xi32>,
      %swap3A_669 = vector.shape_cast %swap3A_668 : vector<16xi32> to vector<16xi32>
      %swap3A_670 = vector.shape_cast %add3A_663 : vector<16xi32> to vector<16xi32>
      tpu.vector_store %arg18[%swap3A], %swap3A_670 {strides = array<i32>} : memref<1024xi32, #tpu.memory_space<vmem>>, vector<16xi32>,
    }
    %scan3A_455 = arith.constant 16 : i32
    %dma_start3A_456 = arith.constant 0 : i32
    %dma_start3A_457 = tpu.memref_slice %arg19[%dma_start3A_456] : memref<1024xi32, #tpu.memory_space<vmem>> -> memref<128xi32, #tpu.memory_space<vmem>>
    %dma_start3A_458 = arith.constant 0 : i32
    %dma_start3A_459 = tpu.memref_slice %arg18[%dma_start3A_458] : memref<1024xi32, #tpu.memory_space<vmem>> -> memref<128xi32, #tpu.memory_space<vmem>>
    %dma_start3A_460 = arith.constant 0 : i32
    %dma_start3A_461 = tpu.memref_slice %arg4[%dma_start3A_460] : memref<65536xi32, #tpu.memory_space<hbm>> -> memref<65536xi32, #tpu.memory_space<hbm>>
    tpu.enqueue_indirect_dma source(%dma_start3A_461 : memref<65536xi32, #tpu.memory_space<hbm>>) target(%dma_start3A_457 : memref<128xi32, #tpu.memory_space<vmem>>) offsets(%dma_start3A_459 : memref<128xi32, #tpu.memory_space<vmem>>) semaphore(%arg21 : memref<!tpu.dma_semaphore, #tpu.memory_space<semaphore_mem>>)
    %dma_start3A_462 = arith.constant 128 : i32
    %dma_start3A_463 = tpu.memref_slice %arg19[%dma_start3A_462] : memref<1024xi32, #tpu.memory_space<vmem>> -> memref<128xi32, #tpu.memory_space<vmem>>
    %dma_start3A_464 = arith.constant 128 : i32
    %dma_start3A_465 = tpu.memref_slice %arg18[%dma_start3A_464] : memref<1024xi32, #tpu.memory_space<vmem>> -> memref<128xi32, #tpu.memory_space<vmem>>
    %dma_start3A_466 = arith.constant 0 : i32
    %dma_start3A_467 = tpu.memref_slice %arg4[%dma_start3A_466] : memref<65536xi32, #tpu.memory_space<hbm>> -> memref<65536xi32, #tpu.memory_space<hbm>>
    tpu.enqueue_indirect_dma source(%dma_start3A_467 : memref<65536xi32, #tpu.memory_space<hbm>>) target(%dma_start3A_463 : memref<128xi32, #tpu.memory_space<vmem>>) offsets(%dma_start3A_465 : memref<128xi32, #tpu.memory_space<vmem>>) semaphore(%arg21 : memref<!tpu.dma_semaphore, #tpu.memory_space<semaphore_mem>>)
    %dma_start3A_468 = arith.constant 256 : i32
    %dma_start3A_469 = tpu.memref_slice %arg19[%dma_start3A_468] : memref<1024xi32, #tpu.memory_space<vmem>> -> memref<128xi32, #tpu.memory_space<vmem>>
    %dma_start3A_470 = arith.constant 256 : i32
    %dma_start3A_471 = tpu.memref_slice %arg18[%dma_start3A_470] : memref<1024xi32, #tpu.memory_space<vmem>> -> memref<128xi32, #tpu.memory_space<vmem>>
    %dma_start3A_472 = arith.constant 0 : i32
    %dma_start3A_473 = tpu.memref_slice %arg4[%dma_start3A_472] : memref<65536xi32, #tpu.memory_space<hbm>> -> memref<65536xi32, #tpu.memory_space<hbm>>
    tpu.enqueue_indirect_dma source(%dma_start3A_473 : memref<65536xi32, #tpu.memory_space<hbm>>) target(%dma_start3A_469 : memref<128xi32, #tpu.memory_space<vmem>>) offsets(%dma_start3A_471 : memref<128xi32, #tpu.memory_space<vmem>>) semaphore(%arg21 : memref<!tpu.dma_semaphore, #tpu.memory_space<semaphore_mem>>)
    %dma_start3A_474 = arith.constant 384 : i32
    %dma_start3A_475 = tpu.memref_slice %arg19[%dma_start3A_474] : memref<1024xi32, #tpu.memory_space<vmem>> -> memref<128xi32, #tpu.memory_space<vmem>>
    %dma_start3A_476 = arith.constant 384 : i32
    %dma_start3A_477 = tpu.memref_slice %arg18[%dma_start3A_476] : memref<1024xi32, #tpu.memory_space<vmem>> -> memref<128xi32, #tpu.memory_space<vmem>>
    %dma_start3A_478 = arith.constant 0 : i32
    %dma_start3A_479 = tpu.memref_slice %arg4[%dma_start3A_478] : memref<65536xi32, #tpu.memory_space<hbm>> -> memref<65536xi32, #tpu.memory_space<hbm>>
    tpu.enqueue_indirect_dma source(%dma_start3A_479 : memref<65536xi32, #tpu.memory_space<hbm>>) target(%dma_start3A_475 : memref<128xi32, #tpu.memory_space<vmem>>) offsets(%dma_start3A_477 : memref<128xi32, #tpu.memory_space<vmem>>) semaphore(%arg21 : memref<!tpu.dma_semaphore, #tpu.memory_space<semaphore_mem>>)
    %dma_start3A_480 = arith.constant 512 : i32
    %dma_start3A_481 = tpu.memref_slice %arg19[%dma_start3A_480] : memref<1024xi32, #tpu.memory_space<vmem>> -> memref<128xi32, #tpu.memory_space<vmem>>
    %dma_start3A_482 = arith.constant 512 : i32
    %dma_start3A_483 = tpu.memref_slice %arg18[%dma_start3A_482] : memref<1024xi32, #tpu.memory_space<vmem>> -> memref<128xi32, #tpu.memory_space<vmem>>
    %dma_start3A_484 = arith.constant 0 : i32
    %dma_start3A_485 = tpu.memref_slice %arg4[%dma_start3A_484] : memref<65536xi32, #tpu.memory_space<hbm>> -> memref<65536xi32, #tpu.memory_space<hbm>>
    tpu.enqueue_indirect_dma source(%dma_start3A_485 : memref<65536xi32, #tpu.memory_space<hbm>>) target(%dma_start3A_481 : memref<128xi32, #tpu.memory_space<vmem>>) offsets(%dma_start3A_483 : memref<128xi32, #tpu.memory_space<vmem>>) semaphore(%arg21 : memref<!tpu.dma_semaphore, #tpu.memory_space<semaphore_mem>>)
    %dma_start3A_486 = arith.constant 640 : i32
    %dma_start3A_487 = tpu.memref_slice %arg19[%dma_start3A_486] : memref<1024xi32, #tpu.memory_space<vmem>> -> memref<128xi32, #tpu.memory_space<vmem>>
    %dma_start3A_488 = arith.constant 640 : i32
    %dma_start3A_489 = tpu.memref_slice %arg18[%dma_start3A_488] : memref<1024xi32, #tpu.memory_space<vmem>> -> memref<128xi32, #tpu.memory_space<vmem>>
    %dma_start3A_490 = arith.constant 0 : i32
    %dma_start3A_491 = tpu.memref_slice %arg4[%dma_start3A_490] : memref<65536xi32, #tpu.memory_space<hbm>> -> memref<65536xi32, #tpu.memory_space<hbm>>
    tpu.enqueue_indirect_dma source(%dma_start3A_491 : memref<65536xi32, #tpu.memory_space<hbm>>) target(%dma_start3A_487 : memref<128xi32, #tpu.memory_space<vmem>>) offsets(%dma_start3A_489 : memref<128xi32, #tpu.memory_space<vmem>>) semaphore(%arg21 : memref<!tpu.dma_semaphore, #tpu.memory_space<semaphore_mem>>)
    %dma_start3A_492 = arith.constant 768 : i32
    %dma_start3A_493 = tpu.memref_slice %arg19[%dma_start3A_492] : memref<1024xi32, #tpu.memory_space<vmem>> -> memref<128xi32, #tpu.memory_space<vmem>>
    %dma_start3A_494 = arith.constant 768 : i32
    %dma_start3A_495 = tpu.memref_slice %arg18[%dma_start3A_494] : memref<1024xi32, #tpu.memory_space<vmem>> -> memref<128xi32, #tpu.memory_space<vmem>>
    %dma_start3A_496 = arith.constant 0 : i32
    %dma_start3A_497 = tpu.memref_slice %arg4[%dma_start3A_496] : memref<65536xi32, #tpu.memory_space<hbm>> -> memref<65536xi32, #tpu.memory_space<hbm>>
    tpu.enqueue_indirect_dma source(%dma_start3A_497 : memref<65536xi32, #tpu.memory_space<hbm>>) target(%dma_start3A_493 : memref<128xi32, #tpu.memory_space<vmem>>) offsets(%dma_start3A_495 : memref<128xi32, #tpu.memory_space<vmem>>) semaphore(%arg21 : memref<!tpu.dma_semaphore, #tpu.memory_space<semaphore_mem>>)
    %dma_start3A_498 = arith.constant 896 : i32
    %dma_start3A_499 = tpu.memref_slice %arg19[%dma_start3A_498] : memref<1024xi32, #tpu.memory_space<vmem>> -> memref<128xi32, #tpu.memory_space<vmem>>
    %dma_start3A_500 = arith.constant 896 : i32
    %dma_start3A_501 = tpu.memref_slice %arg18[%dma_start3A_500] : memref<1024xi32, #tpu.memory_space<vmem>> -> memref<128xi32, #tpu.memory_space<vmem>>
    %dma_start3A_502 = arith.constant 0 : i32
    %dma_start3A_503 = tpu.memref_slice %arg4[%dma_start3A_502] : memref<65536xi32, #tpu.memory_space<hbm>> -> memref<65536xi32, #tpu.memory_space<hbm>>
    tpu.enqueue_indirect_dma source(%dma_start3A_503 : memref<65536xi32, #tpu.memory_space<hbm>>) target(%dma_start3A_499 : memref<128xi32, #tpu.memory_space<vmem>>) offsets(%dma_start3A_501 : memref<128xi32, #tpu.memory_space<vmem>>) semaphore(%arg21 : memref<!tpu.dma_semaphore, #tpu.memory_space<semaphore_mem>>)
    %dma_wait3A_504 = arith.constant 0 : i32
    %dma_wait3A_505 = tpu.memref_slice %arg19[%dma_wait3A_504] : memref<1024xi32, #tpu.memory_space<vmem>> -> memref<128xi32, #tpu.memory_space<vmem>>
    %dma_wait3A_506 = arith.constant 0 : i32
    %dma_wait3A_507 = tpu.memref_slice %arg18[%dma_wait3A_506] : memref<1024xi32, #tpu.memory_space<vmem>> -> memref<128xi32, #tpu.memory_space<vmem>>
    %dma_wait3A_508 = arith.constant 0 : i32
    %dma_wait3A_509 = tpu.memref_slice %arg4[%dma_wait3A_508] : memref<65536xi32, #tpu.memory_space<hbm>> -> memref<65536xi32, #tpu.memory_space<hbm>>
    tpu.wait_indirect_dma semaphore(%arg21 : memref<!tpu.dma_semaphore, #tpu.memory_space<semaphore_mem>>) src(%dma_wait3A_509 : memref<65536xi32, #tpu.memory_space<hbm>>) dst(%dma_wait3A_505 : memref<128xi32, #tpu.memory_space<vmem>>)
    %dma_wait3A_510 = arith.constant 128 : i32
    %dma_wait3A_511 = tpu.memref_slice %arg19[%dma_wait3A_510] : memref<1024xi32, #tpu.memory_space<vmem>> -> memref<128xi32, #tpu.memory_space<vmem>>
    %dma_wait3A_512 = arith.constant 128 : i32
    %dma_wait3A_513 = tpu.memref_slice %arg18[%dma_wait3A_512] : memref<1024xi32, #tpu.memory_space<vmem>> -> memref<128xi32, #tpu.memory_space<vmem>>
    %dma_wait3A_514 = arith.constant 0 : i32
    %dma_wait3A_515 = tpu.memref_slice %arg4[%dma_wait3A_514] : memref<65536xi32, #tpu.memory_space<hbm>> -> memref<65536xi32, #tpu.memory_space<hbm>>
    tpu.wait_indirect_dma semaphore(%arg21 : memref<!tpu.dma_semaphore, #tpu.memory_space<semaphore_mem>>) src(%dma_wait3A_515 : memref<65536xi32, #tpu.memory_space<hbm>>) dst(%dma_wait3A_511 : memref<128xi32, #tpu.memory_space<vmem>>)
    %dma_wait3A_516 = arith.constant 256 : i32
    %dma_wait3A_517 = tpu.memref_slice %arg19[%dma_wait3A_516] : memref<1024xi32, #tpu.memory_space<vmem>> -> memref<128xi32, #tpu.memory_space<vmem>>
    %dma_wait3A_518 = arith.constant 256 : i32
    %dma_wait3A_519 = tpu.memref_slice %arg18[%dma_wait3A_518] : memref<1024xi32, #tpu.memory_space<vmem>> -> memref<128xi32, #tpu.memory_space<vmem>>
    %dma_wait3A_520 = arith.constant 0 : i32
    %dma_wait3A_521 = tpu.memref_slice %arg4[%dma_wait3A_520] : memref<65536xi32, #tpu.memory_space<hbm>> -> memref<65536xi32, #tpu.memory_space<hbm>>
    tpu.wait_indirect_dma semaphore(%arg21 : memref<!tpu.dma_semaphore, #tpu.memory_space<semaphore_mem>>) src(%dma_wait3A_521 : memref<65536xi32, #tpu.memory_space<hbm>>) dst(%dma_wait3A_517 : memref<128xi32, #tpu.memory_space<vmem>>)
    %dma_wait3A_522 = arith.constant 384 : i32
    %dma_wait3A_523 = tpu.memref_slice %arg19[%dma_wait3A_522] : memref<1024xi32, #tpu.memory_space<vmem>> -> memref<128xi32, #tpu.memory_space<vmem>>
    %dma_wait3A_524 = arith.constant 384 : i32
    %dma_wait3A_525 = tpu.memref_slice %arg18[%dma_wait3A_524] : memref<1024xi32, #tpu.memory_space<vmem>> -> memref<128xi32, #tpu.memory_space<vmem>>
    %dma_wait3A_526 = arith.constant 0 : i32
    %dma_wait3A_527 = tpu.memref_slice %arg4[%dma_wait3A_526] : memref<65536xi32, #tpu.memory_space<hbm>> -> memref<65536xi32, #tpu.memory_space<hbm>>
    tpu.wait_indirect_dma semaphore(%arg21 : memref<!tpu.dma_semaphore, #tpu.memory_space<semaphore_mem>>) src(%dma_wait3A_527 : memref<65536xi32, #tpu.memory_space<hbm>>) dst(%dma_wait3A_523 : memref<128xi32, #tpu.memory_space<vmem>>)
    %dma_wait3A_528 = arith.constant 512 : i32
    %dma_wait3A_529 = tpu.memref_slice %arg19[%dma_wait3A_528] : memref<1024xi32, #tpu.memory_space<vmem>> -> memref<128xi32, #tpu.memory_space<vmem>>
    %dma_wait3A_530 = arith.constant 512 : i32
    %dma_wait3A_531 = tpu.memref_slice %arg18[%dma_wait3A_530] : memref<1024xi32, #tpu.memory_space<vmem>> -> memref<128xi32, #tpu.memory_space<vmem>>
    %dma_wait3A_532 = arith.constant 0 : i32
    %dma_wait3A_533 = tpu.memref_slice %arg4[%dma_wait3A_532] : memref<65536xi32, #tpu.memory_space<hbm>> -> memref<65536xi32, #tpu.memory_space<hbm>>
    tpu.wait_indirect_dma semaphore(%arg21 : memref<!tpu.dma_semaphore, #tpu.memory_space<semaphore_mem>>) src(%dma_wait3A_533 : memref<65536xi32, #tpu.memory_space<hbm>>) dst(%dma_wait3A_529 : memref<128xi32, #tpu.memory_space<vmem>>)
    %dma_wait3A_534 = arith.constant 640 : i32
    %dma_wait3A_535 = tpu.memref_slice %arg19[%dma_wait3A_534] : memref<1024xi32, #tpu.memory_space<vmem>> -> memref<128xi32, #tpu.memory_space<vmem>>
    %dma_wait3A_536 = arith.constant 640 : i32
    %dma_wait3A_537 = tpu.memref_slice %arg18[%dma_wait3A_536] : memref<1024xi32, #tpu.memory_space<vmem>> -> memref<128xi32, #tpu.memory_space<vmem>>
    %dma_wait3A_538 = arith.constant 0 : i32
    %dma_wait3A_539 = tpu.memref_slice %arg4[%dma_wait3A_538] : memref<65536xi32, #tpu.memory_space<hbm>> -> memref<65536xi32, #tpu.memory_space<hbm>>
    tpu.wait_indirect_dma semaphore(%arg21 : memref<!tpu.dma_semaphore, #tpu.memory_space<semaphore_mem>>) src(%dma_wait3A_539 : memref<65536xi32, #tpu.memory_space<hbm>>) dst(%dma_wait3A_535 : memref<128xi32, #tpu.memory_space<vmem>>)
    %dma_wait3A_540 = arith.constant 768 : i32
    %dma_wait3A_541 = tpu.memref_slice %arg19[%dma_wait3A_540] : memref<1024xi32, #tpu.memory_space<vmem>> -> memref<128xi32, #tpu.memory_space<vmem>>
    %dma_wait3A_542 = arith.constant 768 : i32
    %dma_wait3A_543 = tpu.memref_slice %arg18[%dma_wait3A_542] : memref<1024xi32, #tpu.memory_space<vmem>> -> memref<128xi32, #tpu.memory_space<vmem>>
    %dma_wait3A_544 = arith.constant 0 : i32
    %dma_wait3A_545 = tpu.memref_slice %arg4[%dma_wait3A_544] : memref<65536xi32, #tpu.memory_space<hbm>> -> memref<65536xi32, #tpu.memory_space<hbm>>
    tpu.wait_indirect_dma semaphore(%arg21 : memref<!tpu.dma_semaphore, #tpu.memory_space<semaphore_mem>>) src(%dma_wait3A_545 : memref<65536xi32, #tpu.memory_space<hbm>>) dst(%dma_wait3A_541 : memref<128xi32, #tpu.memory_space<vmem>>)
    %dma_wait3A_546 = arith.constant 896 : i32
    %dma_wait3A_547 = tpu.memref_slice %arg19[%dma_wait3A_546] : memref<1024xi32, #tpu.memory_space<vmem>> -> memref<128xi32, #tpu.memory_space<vmem>>
    %dma_wait3A_548 = arith.constant 896 : i32
    %dma_wait3A_549 = tpu.memref_slice %arg18[%dma_wait3A_548] : memref<1024xi32, #tpu.memory_space<vmem>> -> memref<128xi32, #tpu.memory_space<vmem>>
    %dma_wait3A_550 = arith.constant 0 : i32
    %dma_wait3A_551 = tpu.memref_slice %arg4[%dma_wait3A_550] : memref<65536xi32, #tpu.memory_space<hbm>> -> memref<65536xi32, #tpu.memory_space<hbm>>
    tpu.wait_indirect_dma semaphore(%arg21 : memref<!tpu.dma_semaphore, #tpu.memory_space<semaphore_mem>>) src(%dma_wait3A_551 : memref<65536xi32, #tpu.memory_space<hbm>>) dst(%dma_wait3A_547 : memref<128xi32, #tpu.memory_space<vmem>>)
    %dma_start3A_552 = arith.constant 0 : i32
    %dma_start3A_553 = tpu.memref_slice %arg20[%dma_start3A_552] : memref<1024xi32, #tpu.memory_space<vmem>> -> memref<128xi32, #tpu.memory_space<vmem>>
    %dma_start3A_554 = arith.constant 0 : i32
    %dma_start3A_555 = tpu.memref_slice %arg18[%dma_start3A_554] : memref<1024xi32, #tpu.memory_space<vmem>> -> memref<128xi32, #tpu.memory_space<vmem>>
    %dma_start3A_556 = arith.constant 0 : i32
    %dma_start3A_557 = tpu.memref_slice %arg5[%dma_start3A_556] : memref<65536xi32, #tpu.memory_space<hbm>> -> memref<65536xi32, #tpu.memory_space<hbm>>
    tpu.enqueue_indirect_dma source(%dma_start3A_557 : memref<65536xi32, #tpu.memory_space<hbm>>) target(%dma_start3A_553 : memref<128xi32, #tpu.memory_space<vmem>>) offsets(%dma_start3A_555 : memref<128xi32, #tpu.memory_space<vmem>>) semaphore(%arg21 : memref<!tpu.dma_semaphore, #tpu.memory_space<semaphore_mem>>)
    %dma_start3A_558 = arith.constant 128 : i32
    %dma_start3A_559 = tpu.memref_slice %arg20[%dma_start3A_558] : memref<1024xi32, #tpu.memory_space<vmem>> -> memref<128xi32, #tpu.memory_space<vmem>>
    %dma_start3A_560 = arith.constant 128 : i32
    %dma_start3A_561 = tpu.memref_slice %arg18[%dma_start3A_560] : memref<1024xi32, #tpu.memory_space<vmem>> -> memref<128xi32, #tpu.memory_space<vmem>>
    %dma_start3A_562 = arith.constant 0 : i32
    %dma_start3A_563 = tpu.memref_slice %arg5[%dma_start3A_562] : memref<65536xi32, #tpu.memory_space<hbm>> -> memref<65536xi32, #tpu.memory_space<hbm>>
    tpu.enqueue_indirect_dma source(%dma_start3A_563 : memref<65536xi32, #tpu.memory_space<hbm>>) target(%dma_start3A_559 : memref<128xi32, #tpu.memory_space<vmem>>) offsets(%dma_start3A_561 : memref<128xi32, #tpu.memory_space<vmem>>) semaphore(%arg21 : memref<!tpu.dma_semaphore, #tpu.memory_space<semaphore_mem>>)
    %dma_start3A_564 = arith.constant 256 : i32
    %dma_start3A_565 = tpu.memref_slice %arg20[%dma_start3A_564] : memref<1024xi32, #tpu.memory_space<vmem>> -> memref<128xi32, #tpu.memory_space<vmem>>
    %dma_start3A_566 = arith.constant 256 : i32
    %dma_start3A_567 = tpu.memref_slice %arg18[%dma_start3A_566] : memref<1024xi32, #tpu.memory_space<vmem>> -> memref<128xi32, #tpu.memory_space<vmem>>
    %dma_start3A_568 = arith.constant 0 : i32
    %dma_start3A_569 = tpu.memref_slice %arg5[%dma_start3A_568] : memref<65536xi32, #tpu.memory_space<hbm>> -> memref<65536xi32, #tpu.memory_space<hbm>>
    tpu.enqueue_indirect_dma source(%dma_start3A_569 : memref<65536xi32, #tpu.memory_space<hbm>>) target(%dma_start3A_565 : memref<128xi32, #tpu.memory_space<vmem>>) offsets(%dma_start3A_567 : memref<128xi32, #tpu.memory_space<vmem>>) semaphore(%arg21 : memref<!tpu.dma_semaphore, #tpu.memory_space<semaphore_mem>>)
    %dma_start3A_570 = arith.constant 384 : i32
    %dma_start3A_571 = tpu.memref_slice %arg20[%dma_start3A_570] : memref<1024xi32, #tpu.memory_space<vmem>> -> memref<128xi32, #tpu.memory_space<vmem>>
    %dma_start3A_572 = arith.constant 384 : i32
    %dma_start3A_573 = tpu.memref_slice %arg18[%dma_start3A_572] : memref<1024xi32, #tpu.memory_space<vmem>> -> memref<128xi32, #tpu.memory_space<vmem>>
    %dma_start3A_574 = arith.constant 0 : i32
    %dma_start3A_575 = tpu.memref_slice %arg5[%dma_start3A_574] : memref<65536xi32, #tpu.memory_space<hbm>> -> memref<65536xi32, #tpu.memory_space<hbm>>
    tpu.enqueue_indirect_dma source(%dma_start3A_575 : memref<65536xi32, #tpu.memory_space<hbm>>) target(%dma_start3A_571 : memref<128xi32, #tpu.memory_space<vmem>>) offsets(%dma_start3A_573 : memref<128xi32, #tpu.memory_space<vmem>>) semaphore(%arg21 : memref<!tpu.dma_semaphore, #tpu.memory_space<semaphore_mem>>)
    %dma_start3A_576 = arith.constant 512 : i32
    %dma_start3A_577 = tpu.memref_slice %arg20[%dma_start3A_576] : memref<1024xi32, #tpu.memory_space<vmem>> -> memref<128xi32, #tpu.memory_space<vmem>>
    %dma_start3A_578 = arith.constant 512 : i32
    %dma_start3A_579 = tpu.memref_slice %arg18[%dma_start3A_578] : memref<1024xi32, #tpu.memory_space<vmem>> -> memref<128xi32, #tpu.memory_space<vmem>>
    %dma_start3A_580 = arith.constant 0 : i32
    %dma_start3A_581 = tpu.memref_slice %arg5[%dma_start3A_580] : memref<65536xi32, #tpu.memory_space<hbm>> -> memref<65536xi32, #tpu.memory_space<hbm>>
    tpu.enqueue_indirect_dma source(%dma_start3A_581 : memref<65536xi32, #tpu.memory_space<hbm>>) target(%dma_start3A_577 : memref<128xi32, #tpu.memory_space<vmem>>) offsets(%dma_start3A_579 : memref<128xi32, #tpu.memory_space<vmem>>) semaphore(%arg21 : memref<!tpu.dma_semaphore, #tpu.memory_space<semaphore_mem>>)
    %dma_start3A_582 = arith.constant 640 : i32
    %dma_start3A_583 = tpu.memref_slice %arg20[%dma_start3A_582] : memref<1024xi32, #tpu.memory_space<vmem>> -> memref<128xi32, #tpu.memory_space<vmem>>
    %dma_start3A_584 = arith.constant 640 : i32
    %dma_start3A_585 = tpu.memref_slice %arg18[%dma_start3A_584] : memref<1024xi32, #tpu.memory_space<vmem>> -> memref<128xi32, #tpu.memory_space<vmem>>
    %dma_start3A_586 = arith.constant 0 : i32
    %dma_start3A_587 = tpu.memref_slice %arg5[%dma_start3A_586] : memref<65536xi32, #tpu.memory_space<hbm>> -> memref<65536xi32, #tpu.memory_space<hbm>>
    tpu.enqueue_indirect_dma source(%dma_start3A_587 : memref<65536xi32, #tpu.memory_space<hbm>>) target(%dma_start3A_583 : memref<128xi32, #tpu.memory_space<vmem>>) offsets(%dma_start3A_585 : memref<128xi32, #tpu.memory_space<vmem>>) semaphore(%arg21 : memref<!tpu.dma_semaphore, #tpu.memory_space<semaphore_mem>>)
    %dma_start3A_588 = arith.constant 768 : i32
    %dma_start3A_589 = tpu.memref_slice %arg20[%dma_start3A_588] : memref<1024xi32, #tpu.memory_space<vmem>> -> memref<128xi32, #tpu.memory_space<vmem>>
    %dma_start3A_590 = arith.constant 768 : i32
    %dma_start3A_591 = tpu.memref_slice %arg18[%dma_start3A_590] : memref<1024xi32, #tpu.memory_space<vmem>> -> memref<128xi32, #tpu.memory_space<vmem>>
    %dma_start3A_592 = arith.constant 0 : i32
    %dma_start3A_593 = tpu.memref_slice %arg5[%dma_start3A_592] : memref<65536xi32, #tpu.memory_space<hbm>> -> memref<65536xi32, #tpu.memory_space<hbm>>
    tpu.enqueue_indirect_dma source(%dma_start3A_593 : memref<65536xi32, #tpu.memory_space<hbm>>) target(%dma_start3A_589 : memref<128xi32, #tpu.memory_space<vmem>>) offsets(%dma_start3A_591 : memref<128xi32, #tpu.memory_space<vmem>>) semaphore(%arg21 : memref<!tpu.dma_semaphore, #tpu.memory_space<semaphore_mem>>)
    %dma_start3A_594 = arith.constant 896 : i32
    %dma_start3A_595 = tpu.memref_slice %arg20[%dma_start3A_594] : memref<1024xi32, #tpu.memory_space<vmem>> -> memref<128xi32, #tpu.memory_space<vmem>>
    %dma_start3A_596 = arith.constant 896 : i32
    %dma_start3A_597 = tpu.memref_slice %arg18[%dma_start3A_596] : memref<1024xi32, #tpu.memory_space<vmem>> -> memref<128xi32, #tpu.memory_space<vmem>>
    %dma_start3A_598 = arith.constant 0 : i32
    %dma_start3A_599 = tpu.memref_slice %arg5[%dma_start3A_598] : memref<65536xi32, #tpu.memory_space<hbm>> -> memref<65536xi32, #tpu.memory_space<hbm>>
    tpu.enqueue_indirect_dma source(%dma_start3A_599 : memref<65536xi32, #tpu.memory_space<hbm>>) target(%dma_start3A_595 : memref<128xi32, #tpu.memory_space<vmem>>) offsets(%dma_start3A_597 : memref<128xi32, #tpu.memory_space<vmem>>) semaphore(%arg21 : memref<!tpu.dma_semaphore, #tpu.memory_space<semaphore_mem>>)
    %dma_wait3A_600 = arith.constant 0 : i32
    %dma_wait3A_601 = tpu.memref_slice %arg20[%dma_wait3A_600] : memref<1024xi32, #tpu.memory_space<vmem>> -> memref<128xi32, #tpu.memory_space<vmem>>
    %dma_wait3A_602 = arith.constant 0 : i32
    %dma_wait3A_603 = tpu.memref_slice %arg18[%dma_wait3A_602] : memref<1024xi32, #tpu.memory_space<vmem>> -> memref<128xi32, #tpu.memory_space<vmem>>
    %dma_wait3A_604 = arith.constant 0 : i32
    %dma_wait3A_605 = tpu.memref_slice %arg5[%dma_wait3A_604] : memref<65536xi32, #tpu.memory_space<hbm>> -> memref<65536xi32, #tpu.memory_space<hbm>>
    tpu.wait_indirect_dma semaphore(%arg21 : memref<!tpu.dma_semaphore, #tpu.memory_space<semaphore_mem>>) src(%dma_wait3A_605 : memref<65536xi32, #tpu.memory_space<hbm>>) dst(%dma_wait3A_601 : memref<128xi32, #tpu.memory_space<vmem>>)
    %dma_wait3A_606 = arith.constant 128 : i32
    %dma_wait3A_607 = tpu.memref_slice %arg20[%dma_wait3A_606] : memref<1024xi32, #tpu.memory_space<vmem>> -> memref<128xi32, #tpu.memory_space<vmem>>
    %dma_wait3A_608 = arith.constant 128 : i32
    %dma_wait3A_609 = tpu.memref_slice %arg18[%dma_wait3A_608] : memref<1024xi32, #tpu.memory_space<vmem>> -> memref<128xi32, #tpu.memory_space<vmem>>
    %dma_wait3A_610 = arith.constant 0 : i32
    %dma_wait3A_611 = tpu.memref_slice %arg5[%dma_wait3A_610] : memref<65536xi32, #tpu.memory_space<hbm>> -> memref<65536xi32, #tpu.memory_space<hbm>>
    tpu.wait_indirect_dma semaphore(%arg21 : memref<!tpu.dma_semaphore, #tpu.memory_space<semaphore_mem>>) src(%dma_wait3A_611 : memref<65536xi32, #tpu.memory_space<hbm>>) dst(%dma_wait3A_607 : memref<128xi32, #tpu.memory_space<vmem>>)
    %dma_wait3A_612 = arith.constant 256 : i32
    %dma_wait3A_613 = tpu.memref_slice %arg20[%dma_wait3A_612] : memref<1024xi32, #tpu.memory_space<vmem>> -> memref<128xi32, #tpu.memory_space<vmem>>
    %dma_wait3A_614 = arith.constant 256 : i32
    %dma_wait3A_615 = tpu.memref_slice %arg18[%dma_wait3A_614] : memref<1024xi32, #tpu.memory_space<vmem>> -> memref<128xi32, #tpu.memory_space<vmem>>
    %dma_wait3A_616 = arith.constant 0 : i32
    %dma_wait3A_617 = tpu.memref_slice %arg5[%dma_wait3A_616] : memref<65536xi32, #tpu.memory_space<hbm>> -> memref<65536xi32, #tpu.memory_space<hbm>>
    tpu.wait_indirect_dma semaphore(%arg21 : memref<!tpu.dma_semaphore, #tpu.memory_space<semaphore_mem>>) src(%dma_wait3A_617 : memref<65536xi32, #tpu.memory_space<hbm>>) dst(%dma_wait3A_613 : memref<128xi32, #tpu.memory_space<vmem>>)
    %dma_wait3A_618 = arith.constant 384 : i32
    %dma_wait3A_619 = tpu.memref_slice %arg20[%dma_wait3A_618] : memref<1024xi32, #tpu.memory_space<vmem>> -> memref<128xi32, #tpu.memory_space<vmem>>
    %dma_wait3A_620 = arith.constant 384 : i32
    %dma_wait3A_621 = tpu.memref_slice %arg18[%dma_wait3A_620] : memref<1024xi32, #tpu.memory_space<vmem>> -> memref<128xi32, #tpu.memory_space<vmem>>
    %dma_wait3A_622 = arith.constant 0 : i32
    %dma_wait3A_623 = tpu.memref_slice %arg5[%dma_wait3A_622] : memref<65536xi32, #tpu.memory_space<hbm>> -> memref<65536xi32, #tpu.memory_space<hbm>>
    tpu.wait_indirect_dma semaphore(%arg21 : memref<!tpu.dma_semaphore, #tpu.memory_space<semaphore_mem>>) src(%dma_wait3A_623 : memref<65536xi32, #tpu.memory_space<hbm>>) dst(%dma_wait3A_619 : memref<128xi32, #tpu.memory_space<vmem>>)
    %dma_wait3A_624 = arith.constant 512 : i32
    %dma_wait3A_625 = tpu.memref_slice %arg20[%dma_wait3A_624] : memref<1024xi32, #tpu.memory_space<vmem>> -> memref<128xi32, #tpu.memory_space<vmem>>
    %dma_wait3A_626 = arith.constant 512 : i32
    %dma_wait3A_627 = tpu.memref_slice %arg18[%dma_wait3A_626] : memref<1024xi32, #tpu.memory_space<vmem>> -> memref<128xi32, #tpu.memory_space<vmem>>
    %dma_wait3A_628 = arith.constant 0 : i32
    %dma_wait3A_629 = tpu.memref_slice %arg5[%dma_wait3A_628] : memref<65536xi32, #tpu.memory_space<hbm>> -> memref<65536xi32, #tpu.memory_space<hbm>>
    tpu.wait_indirect_dma semaphore(%arg21 : memref<!tpu.dma_semaphore, #tpu.memory_space<semaphore_mem>>) src(%dma_wait3A_629 : memref<65536xi32, #tpu.memory_space<hbm>>) dst(%dma_wait3A_625 : memref<128xi32, #tpu.memory_space<vmem>>)
    %dma_wait3A_630 = arith.constant 640 : i32
    %dma_wait3A_631 = tpu.memref_slice %arg20[%dma_wait3A_630] : memref<1024xi32, #tpu.memory_space<vmem>> -> memref<128xi32, #tpu.memory_space<vmem>>
    %dma_wait3A_632 = arith.constant 640 : i32
    %dma_wait3A_633 = tpu.memref_slice %arg18[%dma_wait3A_632] : memref<1024xi32, #tpu.memory_space<vmem>> -> memref<128xi32, #tpu.memory_space<vmem>>
    %dma_wait3A_634 = arith.constant 0 : i32
    %dma_wait3A_635 = tpu.memref_slice %arg5[%dma_wait3A_634] : memref<65536xi32, #tpu.memory_space<hbm>> -> memref<65536xi32, #tpu.memory_space<hbm>>
    tpu.wait_indirect_dma semaphore(%arg21 : memref<!tpu.dma_semaphore, #tpu.memory_space<semaphore_mem>>) src(%dma_wait3A_635 : memref<65536xi32, #tpu.memory_space<hbm>>) dst(%dma_wait3A_631 : memref<128xi32, #tpu.memory_space<vmem>>)
    %dma_wait3A_636 = arith.constant 768 : i32
    %dma_wait3A_637 = tpu.memref_slice %arg20[%dma_wait3A_636] : memref<1024xi32, #tpu.memory_space<vmem>> -> memref<128xi32, #tpu.memory_space<vmem>>
    %dma_wait3A_638 = arith.constant 768 : i32
    %dma_wait3A_639 = tpu.memref_slice %arg18[%dma_wait3A_638] : memref<1024xi32, #tpu.memory_space<vmem>> -> memref<128xi32, #tpu.memory_space<vmem>>
    %dma_wait3A_640 = arith.constant 0 : i32
    %dma_wait3A_641 = tpu.memref_slice %arg5[%dma_wait3A_640] : memref<65536xi32, #tpu.memory_space<hbm>> -> memref<65536xi32, #tpu.memory_space<hbm>>
    tpu.wait_indirect_dma semaphore(%arg21 : memref<!tpu.dma_semaphore, #tpu.memory_space<semaphore_mem>>) src(%dma_wait3A_641 : memref<65536xi32, #tpu.memory_space<hbm>>) dst(%dma_wait3A_637 : memref<128xi32, #tpu.memory_space<vmem>>)
    %dma_wait3A_642 = arith.constant 896 : i32
    %dma_wait3A_643 = tpu.memref_slice %arg20[%dma_wait3A_642] : memref<1024xi32, #tpu.memory_space<vmem>> -> memref<128xi32, #tpu.memory_space<vmem>>
    %dma_wait3A_644 = arith.constant 896 : i32
    %dma_wait3A_645 = tpu.memref_slice %arg18[%dma_wait3A_644] : memref<1024xi32, #tpu.memory_space<vmem>> -> memref<128xi32, #tpu.memory_space<vmem>>
    %dma_wait3A_646 = arith.constant 0 : i32
    %dma_wait3A_647 = tpu.memref_slice %arg5[%dma_wait3A_646] : memref<65536xi32, #tpu.memory_space<hbm>> -> memref<65536xi32, #tpu.memory_space<hbm>>
    tpu.wait_indirect_dma semaphore(%arg21 : memref<!tpu.dma_semaphore, #tpu.memory_space<semaphore_mem>>) src(%dma_wait3A_647 : memref<65536xi32, #tpu.memory_space<hbm>>) dst(%dma_wait3A_643 : memref<128xi32, #tpu.memory_space<vmem>>)
    %mul3A_648 = arith.constant 256 : i32
    %mul3A_649 = arith.muli %add3A, %mul3A_648 : i32
    %mul3A_650 = arith.constant 4 : i32
    %mul3A_651 = arith.muli %mul3A_649, %mul3A_650 : i32
    "tpu.region"() ({
      %run_scoped3A = tpu.sem_alloc : memref<!tpu.dma_semaphore, #tpu.memory_space<semaphore_mem>>
      %dma_start3A_656 = tpu.memref_slice %arg12[%mul3A_651] : memref<32768xi32, #tpu.memory_space<hbm>> -> memref<1024xi32, #tpu.memory_space<hbm>>
      %dma_start3A_657 = tpu.memref_slice %arg12[%mul3A_651] : memref<32768xi32, #tpu.memory_space<hbm>> -> memref<1024xi32, #tpu.memory_space<hbm>>
      tpu.enqueue_dma source(%arg19 : memref<1024xi32, #tpu.memory_space<vmem>>) target(%dma_start3A_657 : memref<1024xi32, #tpu.memory_space<hbm>>) target_semaphore(%run_scoped3A : memref<!tpu.dma_semaphore, #tpu.memory_space<semaphore_mem>>)
      %dma_wait3A_658 = tpu.memref_slice %arg12[%mul3A_651] : memref<32768xi32, #tpu.memory_space<hbm>> -> memref<1024xi32, #tpu.memory_space<hbm>>
      %dma_wait3A_659 = tpu.memref_slice %arg12[%mul3A_651] : memref<32768xi32, #tpu.memory_space<hbm>> -> memref<1024xi32, #tpu.memory_space<hbm>>
      tpu.wait_dma2 semaphore(%run_scoped3A : memref<!tpu.dma_semaphore, #tpu.memory_space<semaphore_mem>>) src(%arg19 : memref<1024xi32, #tpu.memory_space<vmem>>) dst(%dma_wait3A_659 : memref<1024xi32, #tpu.memory_space<hbm>>)
      tpu.yield
    }) : () -> ()
    %mul3A_652 = arith.constant 256 : i32
    %mul3A_653 = arith.muli %add3A, %mul3A_652 : i32
    %mul3A_654 = arith.constant 4 : i32
    %mul3A_655 = arith.muli %mul3A_653, %mul3A_654 : i32
    "tpu.region"() ({
      %run_scoped3A = tpu.sem_alloc : memref<!tpu.dma_semaphore, #tpu.memory_space<semaphore_mem>>
      %dma_start3A_656 = tpu.memref_slice %arg13[%mul3A_655] : memref<32768xi32, #tpu.memory_space<hbm>> -> memref<1024xi32, #tpu.memory_space<hbm>>
      %dma_start3A_657 = tpu.memref_slice %arg13[%mul3A_655] : memref<32768xi32, #tpu.memory_space<hbm>> -> memref<1024xi32, #tpu.memory_space<hbm>>
      tpu.enqueue_dma source(%arg20 : memref<1024xi32, #tpu.memory_space<vmem>>) target(%dma_start3A_657 : memref<1024xi32, #tpu.memory_space<hbm>>) target_semaphore(%run_scoped3A : memref<!tpu.dma_semaphore, #tpu.memory_space<semaphore_mem>>)
      %dma_wait3A_658 = tpu.memref_slice %arg13[%mul3A_655] : memref<32768xi32, #tpu.memory_space<hbm>> -> memref<1024xi32, #tpu.memory_space<hbm>>
      %dma_wait3A_659 = tpu.memref_slice %arg13[%mul3A_655] : memref<32768xi32, #tpu.memory_space<hbm>> -> memref<1024xi32, #tpu.memory_space<hbm>>
      tpu.wait_dma2 semaphore(%run_scoped3A : memref<!tpu.dma_semaphore, #tpu.memory_space<semaphore_mem>>) src(%arg20 : memref<1024xi32, #tpu.memory_space<vmem>>) dst(%dma_wait3A_659 : memref<1024xi32, #tpu.memory_space<hbm>>)
      tpu.yield
    }) : () -> ()
    return
  }
}

module attributes {stable_mosaic.version = 14 : i64} {
  func.func @_topk_body(%arg0: i32, %arg1: memref<65xi32, #tpu.memory_space<smem>>, %arg2: memref<2048xi32, #tpu.memory_space<smem>>, %arg3: memref<2048xi32, #tpu.memory_space<smem>>, %arg4: memref<128x8192xf32, #tpu.memory_space<vmem>>, %arg5: memref<128x8192xi32, #tpu.memory_space<vmem>>, %arg6: memref<8x128xi32, #tpu.memory_space<vmem>>, %arg7: memref<8x128xi32, #tpu.memory_space<vmem>>, %arg8: memref<128x8192xf32, #tpu.memory_space<vmem>>, %arg9: memref<128x8192xi32, #tpu.memory_space<vmem>>, %arg10: memref<8x128xf32, #tpu.memory_space<vmem>>, %arg11: memref<8x128xi32, #tpu.memory_space<vmem>>, %arg12: memref<8x128xi32, #tpu.memory_space<vmem>>) attributes {dimension_semantics = [#tpu.dimension_semantics<arbitrary>], iteration_bounds = array<i64: 64>, scalar_prefetch = 0 : i64, scratch_operands = 5 : i64, tpu.core_type = #tpu.core_type<tc>, window_params = [{transform_indices = @transform_0, window_bounds = array<i64: 65>}, {transform_indices = @transform_1, window_bounds = array<i64: 2048>}, {transform_indices = @transform_2, window_bounds = array<i64: 2048>}, {transform_indices = @transform_3, window_bounds = array<i64: 128, 8192>}, {transform_indices = @transform_4, window_bounds = array<i64: 128, 8192>}, {transform_indices = @transform_5, window_bounds = array<i64: 8, 128>}, {transform_indices = @transform_6, window_bounds = array<i64: 8, 128>}]} {
    %mul3A = arith.constant 128 : i32
    %mul3A_0 = arith.muli %arg0, %mul3A : i32
    %get3A = arith.constant 0 : index
    %get3A_1 = arith.constant 0 : index
    %get3A_2 = vector.load %arg4[%get3A, %get3A_1] : memref<128x8192xf32, #tpu.memory_space<vmem>>, vector<128x8192xf32>
    %abs3A = math.absf %get3A_2 : vector<128x8192xf32>
    %swap3A = arith.constant 0 : index
    %swap3A_3 = arith.constant 0 : index
    %swap3A_4 = vector.load %arg8[%swap3A, %swap3A_3] : memref<128x8192xf32, #tpu.memory_space<vmem>>, vector<128x8192xf32>
    tpu.vector_store %arg8[%swap3A, %swap3A_3], %abs3A {strides = array<i32>} : memref<128x8192xf32, #tpu.memory_space<vmem>>, vector<128x8192xf32>,
    %iota3A = tpu.iota {dimensions = array<i32: 1>} : vector<128x8192xi32>
    %shift_left3A = arith.constant 6 : i32
    %shift_left3A_5 = vector.broadcast %shift_left3A : i32 to vector<128x8192xi32>
    %shift_left3A_6 = arith.shli %iota3A, %shift_left3A_5 : vector<128x8192xi32>
    %get3A_7 = arith.constant 0 : index
    %get3A_8 = arith.constant 0 : index
    %get3A_9 = vector.load %arg5[%get3A_7, %get3A_8] : memref<128x8192xi32, #tpu.memory_space<vmem>>, vector<128x8192xi32>
    %or3A = arith.ori %shift_left3A_6, %get3A_9 : vector<128x8192xi32>
    %swap3A_10 = arith.constant 0 : index
    %swap3A_11 = arith.constant 0 : index
    %swap3A_12 = vector.load %arg9[%swap3A_10, %swap3A_11] : memref<128x8192xi32, #tpu.memory_space<vmem>>, vector<128x8192xi32>
    tpu.vector_store %arg9[%swap3A_10, %swap3A_11], %or3A {strides = array<i32>} : memref<128x8192xi32, #tpu.memory_space<vmem>>, vector<128x8192xi32>,
    %get3A_13 = arith.index_cast %arg0 : i32 to index
    %get3A_14 = memref.load %arg1[%get3A_13] : memref<65xi32, #tpu.memory_space<smem>>
    %add3A = arith.constant 1 : i32
    %add3A_15 = arith.addi %arg0, %add3A : i32
    %get3A_16 = arith.index_cast %add3A_15 : i32 to index
    %get3A_17 = memref.load %arg1[%get3A_16] : memref<65xi32, #tpu.memory_space<smem>>
    %while3A = arith.constant 0 : i32
    %while3A_18 = arith.subi %get3A_17, %get3A_14 : i32
    %while3A_19 = arith.addi %get3A_14, %while3A_18 : i32
    %while3A_20 = arith.constant 1 : i32
    %while3A_21 = arith.divsi %while3A_18, %while3A_20 : i32
    %while3A_22 = arith.muli %while3A_21, %while3A_20 : i32
    %while3A_23 = arith.addi %get3A_14, %while3A_22 : i32
    %while3A_24 = arith.constant 1 : i32
    scf.for %while3A_429 = %get3A_14 to %while3A_23 step %while3A_24  : i32 {
      %get3A_430 = arith.index_cast %while3A_429 : i32 to index
      %get3A_431 = memref.load %arg2[%get3A_430] : memref<2048xi32, #tpu.memory_space<smem>>
      %get3A_432 = arith.index_cast %while3A_429 : i32 to index
      %get3A_433 = memref.load %arg3[%get3A_432] : memref<2048xi32, #tpu.memory_space<smem>>
      %sub3A_434 = arith.subi %get3A_431, %mul3A_0 : i32
      %get3A_435 = arith.index_cast %sub3A_434 : i32 to index
      %get3A_436 = arith.constant 0 : index
      %get3A_437 = vector.load %arg8[%get3A_435, %get3A_436] : memref<128x8192xf32, #tpu.memory_space<vmem>>, vector<1x8192xf32>
      %iota3A_438 = tpu.iota {dimensions = array<i32: 1>} : vector<1x8192xi32>
      %eq3A_439 = vector.broadcast %get3A_433 : i32 to vector<1x8192xi32>
      %eq3A_440 = arith.cmpi eq, %iota3A_438, %eq3A_439 : vector<1x8192xi32>
      %jit3A_441 = arith.constant 0.000000e+00 : f32
      %broadcast_in_dim3A_442 = vector.broadcast %jit3A_441 : f32 to vector<1x8192xf32>
      %select_n3A_443 = arith.select %eq3A_440, %broadcast_in_dim3A_442, %get3A_437 : vector<1x8192xi1>, vector<1x8192xf32>
      %swap3A_444 = arith.index_cast %sub3A_434 : i32 to index
      %swap3A_445 = arith.constant 0 : index
      %swap3A_446 = vector.load %arg8[%swap3A_444, %swap3A_445] : memref<128x8192xf32, #tpu.memory_space<vmem>>, vector<1x8192xf32>
      tpu.vector_store %arg8[%swap3A_444, %swap3A_445], %select_n3A_443 {strides = array<i32>} : memref<128x8192xf32, #tpu.memory_space<vmem>>, vector<1x8192xf32>,
    }
    %while3A_25 = arith.constant 1 : i32
    scf.for %while3A_429 = %while3A_23 to %while3A_19 step %while3A_25  : i32 {
      %get3A_430 = arith.index_cast %while3A_429 : i32 to index
      %get3A_431 = memref.load %arg2[%get3A_430] : memref<2048xi32, #tpu.memory_space<smem>>
      %get3A_432 = arith.index_cast %while3A_429 : i32 to index
      %get3A_433 = memref.load %arg3[%get3A_432] : memref<2048xi32, #tpu.memory_space<smem>>
      %sub3A_434 = arith.subi %get3A_431, %mul3A_0 : i32
      %get3A_435 = arith.index_cast %sub3A_434 : i32 to index
      %get3A_436 = arith.constant 0 : index
      %get3A_437 = vector.load %arg8[%get3A_435, %get3A_436] : memref<128x8192xf32, #tpu.memory_space<vmem>>, vector<1x8192xf32>
      %iota3A_438 = tpu.iota {dimensions = array<i32: 1>} : vector<1x8192xi32>
      %eq3A_439 = vector.broadcast %get3A_433 : i32 to vector<1x8192xi32>
      %eq3A_440 = arith.cmpi eq, %iota3A_438, %eq3A_439 : vector<1x8192xi32>
      %jit3A_441 = arith.constant 0.000000e+00 : f32
      %broadcast_in_dim3A_442 = vector.broadcast %jit3A_441 : f32 to vector<1x8192xf32>
      %select_n3A_443 = arith.select %eq3A_440, %broadcast_in_dim3A_442, %get3A_437 : vector<1x8192xi1>, vector<1x8192xf32>
      %swap3A_444 = arith.index_cast %sub3A_434 : i32 to index
      %swap3A_445 = arith.constant 0 : index
      %swap3A_446 = vector.load %arg8[%swap3A_444, %swap3A_445] : memref<128x8192xf32, #tpu.memory_space<vmem>>, vector<1x8192xf32>
      tpu.vector_store %arg8[%swap3A_444, %swap3A_445], %select_n3A_443 {strides = array<i32>} : memref<128x8192xf32, #tpu.memory_space<vmem>>, vector<1x8192xf32>,
    }
    %get3A_26 = arith.constant 0 : index
    %get3A_27 = arith.constant 0 : index
    %get3A_28 = vector.load %arg8[%get3A_26, %get3A_27] : memref<128x8192xf32, #tpu.memory_space<vmem>>, vector<128x8192xf32>
    %reduce_max3A = arith.constant dense<0xFF800000> : vector<128xf32>
    %reduce_max3A_29 = vector.multi_reduction <maximumf>, %get3A_28, %reduce_max3A [1] : vector<128x8192xf32> to vector<128xf32>
    %broadcast_in_dim3A = vector.shape_cast %reduce_max3A_29 : vector<128xf32> to vector<128x1xf32>
    %eq3A = vector.broadcast %broadcast_in_dim3A : vector<128x1xf32> to vector<128x8192xf32>
    %eq3A_30 = arith.cmpf oeq, %get3A_28, %eq3A : vector<128x8192xf32>
    %get3A_31 = arith.constant 0 : index
    %get3A_32 = arith.constant 0 : index
    %get3A_33 = vector.load %arg9[%get3A_31, %get3A_32] : memref<128x8192xi32, #tpu.memory_space<vmem>>, vector<128x8192xi32>
    %jit3A = arith.constant 1073741824 : i32
    %broadcast_in_dim3A_34 = vector.broadcast %jit3A : i32 to vector<128x8192xi32>
    %select_n3A = arith.select %eq3A_30, %get3A_33, %broadcast_in_dim3A_34 : vector<128x8192xi1>, vector<128x8192xi32>
    %reduce_min3A = arith.constant dense<2147483647> : vector<128xi32>
    %reduce_min3A_35 = vector.multi_reduction <minsi>, %select_n3A, %reduce_min3A [1] : vector<128x8192xi32> to vector<128xi32>
    %broadcast_in_dim3A_36 = vector.shape_cast %reduce_min3A_35 : vector<128xi32> to vector<128x1xi32>
    %shift_right_arithmetic3A = arith.constant 6 : i32
    %shift_right_arithmetic3A_37 = vector.broadcast %shift_right_arithmetic3A : i32 to vector<128x1xi32>
    %shift_right_arithmetic3A_38 = arith.shrsi %broadcast_in_dim3A_36, %shift_right_arithmetic3A_37 : vector<128x1xi32>
    %squeeze3A = vector.shape_cast %broadcast_in_dim3A : vector<128x1xf32> to vector<128xf32>
    %swap3A_39 = arith.constant 0 : index
    %swap3A_40 = arith.constant 0 : index
    %swap3A_41 = vector.load %arg10[%swap3A_39, %swap3A_40] : memref<8x128xf32, #tpu.memory_space<vmem>>, vector<1x128xf32>
    %swap3A_42 = vector.shape_cast %swap3A_41 : vector<1x128xf32> to vector<128xf32>
    %swap3A_43 = vector.shape_cast %squeeze3A : vector<128xf32> to vector<1x128xf32>
    tpu.vector_store %arg10[%swap3A_39, %swap3A_40], %swap3A_43 {strides = array<i32>} : memref<8x128xf32, #tpu.memory_space<vmem>>, vector<1x128xf32>,
    %squeeze3A_44 = vector.shape_cast %shift_right_arithmetic3A_38 : vector<128x1xi32> to vector<128xi32>
    %swap3A_45 = arith.constant 0 : index
    %swap3A_46 = arith.constant 0 : index
    %swap3A_47 = vector.load %arg11[%swap3A_45, %swap3A_46] : memref<8x128xi32, #tpu.memory_space<vmem>>, vector<1x128xi32>
    %swap3A_48 = vector.shape_cast %swap3A_47 : vector<1x128xi32> to vector<128xi32>
    %swap3A_49 = vector.shape_cast %squeeze3A_44 : vector<128xi32> to vector<1x128xi32>
    tpu.vector_store %arg11[%swap3A_45, %swap3A_46], %swap3A_49 {strides = array<i32>} : memref<8x128xi32, #tpu.memory_space<vmem>>, vector<1x128xi32>,
    %and3A = arith.constant 63 : i32
    %and3A_50 = vector.broadcast %and3A : i32 to vector<128x1xi32>
    %and3A_51 = arith.andi %broadcast_in_dim3A_36, %and3A_50 : vector<128x1xi32>
    %squeeze3A_52 = vector.shape_cast %and3A_51 : vector<128x1xi32> to vector<128xi32>
    %swap3A_53 = arith.constant 0 : index
    %swap3A_54 = arith.constant 0 : index
    %swap3A_55 = vector.load %arg12[%swap3A_53, %swap3A_54] : memref<8x128xi32, #tpu.memory_space<vmem>>, vector<1x128xi32>
    %swap3A_56 = vector.shape_cast %swap3A_55 : vector<1x128xi32> to vector<128xi32>
    %swap3A_57 = vector.shape_cast %squeeze3A_52 : vector<128xi32> to vector<1x128xi32>
    tpu.vector_store %arg12[%swap3A_53, %swap3A_54], %swap3A_57 {strides = array<i32>} : memref<8x128xi32, #tpu.memory_space<vmem>>, vector<1x128xi32>,
    %eq3A_58 = vector.broadcast %shift_right_arithmetic3A_38 : vector<128x1xi32> to vector<128x8192xi32>
    %eq3A_59 = arith.cmpi eq, %iota3A, %eq3A_58 : vector<128x8192xi32>
    %jit3A_60 = arith.constant -1.000000e+00 : f32
    %broadcast_in_dim3A_61 = vector.broadcast %jit3A_60 : f32 to vector<128x8192xf32>
    %select_n3A_62 = arith.select %eq3A_59, %broadcast_in_dim3A_61, %get3A_28 : vector<128x8192xi1>, vector<128x8192xf32>
    %swap3A_63 = arith.constant 0 : index
    %swap3A_64 = arith.constant 0 : index
    %swap3A_65 = vector.load %arg8[%swap3A_63, %swap3A_64] : memref<128x8192xf32, #tpu.memory_space<vmem>>, vector<128x8192xf32>
    tpu.vector_store %arg8[%swap3A_63, %swap3A_64], %select_n3A_62 {strides = array<i32>} : memref<128x8192xf32, #tpu.memory_space<vmem>>, vector<128x8192xf32>,
    %get3A_66 = arith.constant 0 : index
    %get3A_67 = arith.constant 0 : index
    %get3A_68 = vector.load %arg8[%get3A_66, %get3A_67] : memref<128x8192xf32, #tpu.memory_space<vmem>>, vector<128x8192xf32>
    %reduce_max3A_69 = arith.constant dense<0xFF800000> : vector<128xf32>
    %reduce_max3A_70 = vector.multi_reduction <maximumf>, %get3A_68, %reduce_max3A_69 [1] : vector<128x8192xf32> to vector<128xf32>
    %broadcast_in_dim3A_71 = vector.shape_cast %reduce_max3A_70 : vector<128xf32> to vector<128x1xf32>
    %eq3A_72 = vector.broadcast %broadcast_in_dim3A_71 : vector<128x1xf32> to vector<128x8192xf32>
    %eq3A_73 = arith.cmpf oeq, %get3A_68, %eq3A_72 : vector<128x8192xf32>
    %get3A_74 = arith.constant 0 : index
    %get3A_75 = arith.constant 0 : index
    %get3A_76 = vector.load %arg9[%get3A_74, %get3A_75] : memref<128x8192xi32, #tpu.memory_space<vmem>>, vector<128x8192xi32>
    %jit3A_77 = arith.constant 1073741824 : i32
    %broadcast_in_dim3A_78 = vector.broadcast %jit3A_77 : i32 to vector<128x8192xi32>
    %select_n3A_79 = arith.select %eq3A_73, %get3A_76, %broadcast_in_dim3A_78 : vector<128x8192xi1>, vector<128x8192xi32>
    %reduce_min3A_80 = arith.constant dense<2147483647> : vector<128xi32>
    %reduce_min3A_81 = vector.multi_reduction <minsi>, %select_n3A_79, %reduce_min3A_80 [1] : vector<128x8192xi32> to vector<128xi32>
    %broadcast_in_dim3A_82 = vector.shape_cast %reduce_min3A_81 : vector<128xi32> to vector<128x1xi32>
    %shift_right_arithmetic3A_83 = arith.constant 6 : i32
    %shift_right_arithmetic3A_84 = vector.broadcast %shift_right_arithmetic3A_83 : i32 to vector<128x1xi32>
    %shift_right_arithmetic3A_85 = arith.shrsi %broadcast_in_dim3A_82, %shift_right_arithmetic3A_84 : vector<128x1xi32>
    %squeeze3A_86 = vector.shape_cast %broadcast_in_dim3A_71 : vector<128x1xf32> to vector<128xf32>
    %swap3A_87 = arith.constant 1 : index
    %swap3A_88 = arith.constant 0 : index
    %swap3A_89 = vector.load %arg10[%swap3A_87, %swap3A_88] : memref<8x128xf32, #tpu.memory_space<vmem>>, vector<1x128xf32>
    %swap3A_90 = vector.shape_cast %swap3A_89 : vector<1x128xf32> to vector<128xf32>
    %swap3A_91 = vector.shape_cast %squeeze3A_86 : vector<128xf32> to vector<1x128xf32>
    tpu.vector_store %arg10[%swap3A_87, %swap3A_88], %swap3A_91 {strides = array<i32>} : memref<8x128xf32, #tpu.memory_space<vmem>>, vector<1x128xf32>,
    %squeeze3A_92 = vector.shape_cast %shift_right_arithmetic3A_85 : vector<128x1xi32> to vector<128xi32>
    %swap3A_93 = arith.constant 1 : index
    %swap3A_94 = arith.constant 0 : index
    %swap3A_95 = vector.load %arg11[%swap3A_93, %swap3A_94] : memref<8x128xi32, #tpu.memory_space<vmem>>, vector<1x128xi32>
    %swap3A_96 = vector.shape_cast %swap3A_95 : vector<1x128xi32> to vector<128xi32>
    %swap3A_97 = vector.shape_cast %squeeze3A_92 : vector<128xi32> to vector<1x128xi32>
    tpu.vector_store %arg11[%swap3A_93, %swap3A_94], %swap3A_97 {strides = array<i32>} : memref<8x128xi32, #tpu.memory_space<vmem>>, vector<1x128xi32>,
    %and3A_98 = arith.constant 63 : i32
    %and3A_99 = vector.broadcast %and3A_98 : i32 to vector<128x1xi32>
    %and3A_100 = arith.andi %broadcast_in_dim3A_82, %and3A_99 : vector<128x1xi32>
    %squeeze3A_101 = vector.shape_cast %and3A_100 : vector<128x1xi32> to vector<128xi32>
    %swap3A_102 = arith.constant 1 : index
    %swap3A_103 = arith.constant 0 : index
    %swap3A_104 = vector.load %arg12[%swap3A_102, %swap3A_103] : memref<8x128xi32, #tpu.memory_space<vmem>>, vector<1x128xi32>
    %swap3A_105 = vector.shape_cast %swap3A_104 : vector<1x128xi32> to vector<128xi32>
    %swap3A_106 = vector.shape_cast %squeeze3A_101 : vector<128xi32> to vector<1x128xi32>
    tpu.vector_store %arg12[%swap3A_102, %swap3A_103], %swap3A_106 {strides = array<i32>} : memref<8x128xi32, #tpu.memory_space<vmem>>, vector<1x128xi32>,
    %eq3A_107 = vector.broadcast %shift_right_arithmetic3A_85 : vector<128x1xi32> to vector<128x8192xi32>
    %eq3A_108 = arith.cmpi eq, %iota3A, %eq3A_107 : vector<128x8192xi32>
    %jit3A_109 = arith.constant -1.000000e+00 : f32
    %broadcast_in_dim3A_110 = vector.broadcast %jit3A_109 : f32 to vector<128x8192xf32>
    %select_n3A_111 = arith.select %eq3A_108, %broadcast_in_dim3A_110, %get3A_68 : vector<128x8192xi1>, vector<128x8192xf32>
    %swap3A_112 = arith.constant 0 : index
    %swap3A_113 = arith.constant 0 : index
    %swap3A_114 = vector.load %arg8[%swap3A_112, %swap3A_113] : memref<128x8192xf32, #tpu.memory_space<vmem>>, vector<128x8192xf32>
    tpu.vector_store %arg8[%swap3A_112, %swap3A_113], %select_n3A_111 {strides = array<i32>} : memref<128x8192xf32, #tpu.memory_space<vmem>>, vector<128x8192xf32>,
    %get3A_115 = arith.constant 0 : index
    %get3A_116 = arith.constant 0 : index
    %get3A_117 = vector.load %arg8[%get3A_115, %get3A_116] : memref<128x8192xf32, #tpu.memory_space<vmem>>, vector<128x8192xf32>
    %reduce_max3A_118 = arith.constant dense<0xFF800000> : vector<128xf32>
    %reduce_max3A_119 = vector.multi_reduction <maximumf>, %get3A_117, %reduce_max3A_118 [1] : vector<128x8192xf32> to vector<128xf32>
    %broadcast_in_dim3A_120 = vector.shape_cast %reduce_max3A_119 : vector<128xf32> to vector<128x1xf32>
    %eq3A_121 = vector.broadcast %broadcast_in_dim3A_120 : vector<128x1xf32> to vector<128x8192xf32>
    %eq3A_122 = arith.cmpf oeq, %get3A_117, %eq3A_121 : vector<128x8192xf32>
    %get3A_123 = arith.constant 0 : index
    %get3A_124 = arith.constant 0 : index
    %get3A_125 = vector.load %arg9[%get3A_123, %get3A_124] : memref<128x8192xi32, #tpu.memory_space<vmem>>, vector<128x8192xi32>
    %jit3A_126 = arith.constant 1073741824 : i32
    %broadcast_in_dim3A_127 = vector.broadcast %jit3A_126 : i32 to vector<128x8192xi32>
    %select_n3A_128 = arith.select %eq3A_122, %get3A_125, %broadcast_in_dim3A_127 : vector<128x8192xi1>, vector<128x8192xi32>
    %reduce_min3A_129 = arith.constant dense<2147483647> : vector<128xi32>
    %reduce_min3A_130 = vector.multi_reduction <minsi>, %select_n3A_128, %reduce_min3A_129 [1] : vector<128x8192xi32> to vector<128xi32>
    %broadcast_in_dim3A_131 = vector.shape_cast %reduce_min3A_130 : vector<128xi32> to vector<128x1xi32>
    %shift_right_arithmetic3A_132 = arith.constant 6 : i32
    %shift_right_arithmetic3A_133 = vector.broadcast %shift_right_arithmetic3A_132 : i32 to vector<128x1xi32>
    %shift_right_arithmetic3A_134 = arith.shrsi %broadcast_in_dim3A_131, %shift_right_arithmetic3A_133 : vector<128x1xi32>
    %squeeze3A_135 = vector.shape_cast %broadcast_in_dim3A_120 : vector<128x1xf32> to vector<128xf32>
    %swap3A_136 = arith.constant 2 : index
    %swap3A_137 = arith.constant 0 : index
    %swap3A_138 = vector.load %arg10[%swap3A_136, %swap3A_137] : memref<8x128xf32, #tpu.memory_space<vmem>>, vector<1x128xf32>
    %swap3A_139 = vector.shape_cast %swap3A_138 : vector<1x128xf32> to vector<128xf32>
    %swap3A_140 = vector.shape_cast %squeeze3A_135 : vector<128xf32> to vector<1x128xf32>
    tpu.vector_store %arg10[%swap3A_136, %swap3A_137], %swap3A_140 {strides = array<i32>} : memref<8x128xf32, #tpu.memory_space<vmem>>, vector<1x128xf32>,
    %squeeze3A_141 = vector.shape_cast %shift_right_arithmetic3A_134 : vector<128x1xi32> to vector<128xi32>
    %swap3A_142 = arith.constant 2 : index
    %swap3A_143 = arith.constant 0 : index
    %swap3A_144 = vector.load %arg11[%swap3A_142, %swap3A_143] : memref<8x128xi32, #tpu.memory_space<vmem>>, vector<1x128xi32>
    %swap3A_145 = vector.shape_cast %swap3A_144 : vector<1x128xi32> to vector<128xi32>
    %swap3A_146 = vector.shape_cast %squeeze3A_141 : vector<128xi32> to vector<1x128xi32>
    tpu.vector_store %arg11[%swap3A_142, %swap3A_143], %swap3A_146 {strides = array<i32>} : memref<8x128xi32, #tpu.memory_space<vmem>>, vector<1x128xi32>,
    %and3A_147 = arith.constant 63 : i32
    %and3A_148 = vector.broadcast %and3A_147 : i32 to vector<128x1xi32>
    %and3A_149 = arith.andi %broadcast_in_dim3A_131, %and3A_148 : vector<128x1xi32>
    %squeeze3A_150 = vector.shape_cast %and3A_149 : vector<128x1xi32> to vector<128xi32>
    %swap3A_151 = arith.constant 2 : index
    %swap3A_152 = arith.constant 0 : index
    %swap3A_153 = vector.load %arg12[%swap3A_151, %swap3A_152] : memref<8x128xi32, #tpu.memory_space<vmem>>, vector<1x128xi32>
    %swap3A_154 = vector.shape_cast %swap3A_153 : vector<1x128xi32> to vector<128xi32>
    %swap3A_155 = vector.shape_cast %squeeze3A_150 : vector<128xi32> to vector<1x128xi32>
    tpu.vector_store %arg12[%swap3A_151, %swap3A_152], %swap3A_155 {strides = array<i32>} : memref<8x128xi32, #tpu.memory_space<vmem>>, vector<1x128xi32>,
    %eq3A_156 = vector.broadcast %shift_right_arithmetic3A_134 : vector<128x1xi32> to vector<128x8192xi32>
    %eq3A_157 = arith.cmpi eq, %iota3A, %eq3A_156 : vector<128x8192xi32>
    %jit3A_158 = arith.constant -1.000000e+00 : f32
    %broadcast_in_dim3A_159 = vector.broadcast %jit3A_158 : f32 to vector<128x8192xf32>
    %select_n3A_160 = arith.select %eq3A_157, %broadcast_in_dim3A_159, %get3A_117 : vector<128x8192xi1>, vector<128x8192xf32>
    %swap3A_161 = arith.constant 0 : index
    %swap3A_162 = arith.constant 0 : index
    %swap3A_163 = vector.load %arg8[%swap3A_161, %swap3A_162] : memref<128x8192xf32, #tpu.memory_space<vmem>>, vector<128x8192xf32>
    tpu.vector_store %arg8[%swap3A_161, %swap3A_162], %select_n3A_160 {strides = array<i32>} : memref<128x8192xf32, #tpu.memory_space<vmem>>, vector<128x8192xf32>,
    %get3A_164 = arith.constant 0 : index
    %get3A_165 = arith.constant 0 : index
    %get3A_166 = vector.load %arg8[%get3A_164, %get3A_165] : memref<128x8192xf32, #tpu.memory_space<vmem>>, vector<128x8192xf32>
    %reduce_max3A_167 = arith.constant dense<0xFF800000> : vector<128xf32>
    %reduce_max3A_168 = vector.multi_reduction <maximumf>, %get3A_166, %reduce_max3A_167 [1] : vector<128x8192xf32> to vector<128xf32>
    %broadcast_in_dim3A_169 = vector.shape_cast %reduce_max3A_168 : vector<128xf32> to vector<128x1xf32>
    %eq3A_170 = vector.broadcast %broadcast_in_dim3A_169 : vector<128x1xf32> to vector<128x8192xf32>
    %eq3A_171 = arith.cmpf oeq, %get3A_166, %eq3A_170 : vector<128x8192xf32>
    %get3A_172 = arith.constant 0 : index
    %get3A_173 = arith.constant 0 : index
    %get3A_174 = vector.load %arg9[%get3A_172, %get3A_173] : memref<128x8192xi32, #tpu.memory_space<vmem>>, vector<128x8192xi32>
    %jit3A_175 = arith.constant 1073741824 : i32
    %broadcast_in_dim3A_176 = vector.broadcast %jit3A_175 : i32 to vector<128x8192xi32>
    %select_n3A_177 = arith.select %eq3A_171, %get3A_174, %broadcast_in_dim3A_176 : vector<128x8192xi1>, vector<128x8192xi32>
    %reduce_min3A_178 = arith.constant dense<2147483647> : vector<128xi32>
    %reduce_min3A_179 = vector.multi_reduction <minsi>, %select_n3A_177, %reduce_min3A_178 [1] : vector<128x8192xi32> to vector<128xi32>
    %broadcast_in_dim3A_180 = vector.shape_cast %reduce_min3A_179 : vector<128xi32> to vector<128x1xi32>
    %shift_right_arithmetic3A_181 = arith.constant 6 : i32
    %shift_right_arithmetic3A_182 = vector.broadcast %shift_right_arithmetic3A_181 : i32 to vector<128x1xi32>
    %shift_right_arithmetic3A_183 = arith.shrsi %broadcast_in_dim3A_180, %shift_right_arithmetic3A_182 : vector<128x1xi32>
    %squeeze3A_184 = vector.shape_cast %broadcast_in_dim3A_169 : vector<128x1xf32> to vector<128xf32>
    %swap3A_185 = arith.constant 3 : index
    %swap3A_186 = arith.constant 0 : index
    %swap3A_187 = vector.load %arg10[%swap3A_185, %swap3A_186] : memref<8x128xf32, #tpu.memory_space<vmem>>, vector<1x128xf32>
    %swap3A_188 = vector.shape_cast %swap3A_187 : vector<1x128xf32> to vector<128xf32>
    %swap3A_189 = vector.shape_cast %squeeze3A_184 : vector<128xf32> to vector<1x128xf32>
    tpu.vector_store %arg10[%swap3A_185, %swap3A_186], %swap3A_189 {strides = array<i32>} : memref<8x128xf32, #tpu.memory_space<vmem>>, vector<1x128xf32>,
    %squeeze3A_190 = vector.shape_cast %shift_right_arithmetic3A_183 : vector<128x1xi32> to vector<128xi32>
    %swap3A_191 = arith.constant 3 : index
    %swap3A_192 = arith.constant 0 : index
    %swap3A_193 = vector.load %arg11[%swap3A_191, %swap3A_192] : memref<8x128xi32, #tpu.memory_space<vmem>>, vector<1x128xi32>
    %swap3A_194 = vector.shape_cast %swap3A_193 : vector<1x128xi32> to vector<128xi32>
    %swap3A_195 = vector.shape_cast %squeeze3A_190 : vector<128xi32> to vector<1x128xi32>
    tpu.vector_store %arg11[%swap3A_191, %swap3A_192], %swap3A_195 {strides = array<i32>} : memref<8x128xi32, #tpu.memory_space<vmem>>, vector<1x128xi32>,
    %and3A_196 = arith.constant 63 : i32
    %and3A_197 = vector.broadcast %and3A_196 : i32 to vector<128x1xi32>
    %and3A_198 = arith.andi %broadcast_in_dim3A_180, %and3A_197 : vector<128x1xi32>
    %squeeze3A_199 = vector.shape_cast %and3A_198 : vector<128x1xi32> to vector<128xi32>
    %swap3A_200 = arith.constant 3 : index
    %swap3A_201 = arith.constant 0 : index
    %swap3A_202 = vector.load %arg12[%swap3A_200, %swap3A_201] : memref<8x128xi32, #tpu.memory_space<vmem>>, vector<1x128xi32>
    %swap3A_203 = vector.shape_cast %swap3A_202 : vector<1x128xi32> to vector<128xi32>
    %swap3A_204 = vector.shape_cast %squeeze3A_199 : vector<128xi32> to vector<1x128xi32>
    tpu.vector_store %arg12[%swap3A_200, %swap3A_201], %swap3A_204 {strides = array<i32>} : memref<8x128xi32, #tpu.memory_space<vmem>>, vector<1x128xi32>,
    %eq3A_205 = vector.broadcast %shift_right_arithmetic3A_183 : vector<128x1xi32> to vector<128x8192xi32>
    %eq3A_206 = arith.cmpi eq, %iota3A, %eq3A_205 : vector<128x8192xi32>
    %jit3A_207 = arith.constant -1.000000e+00 : f32
    %broadcast_in_dim3A_208 = vector.broadcast %jit3A_207 : f32 to vector<128x8192xf32>
    %select_n3A_209 = arith.select %eq3A_206, %broadcast_in_dim3A_208, %get3A_166 : vector<128x8192xi1>, vector<128x8192xf32>
    %swap3A_210 = arith.constant 0 : index
    %swap3A_211 = arith.constant 0 : index
    %swap3A_212 = vector.load %arg8[%swap3A_210, %swap3A_211] : memref<128x8192xf32, #tpu.memory_space<vmem>>, vector<128x8192xf32>
    tpu.vector_store %arg8[%swap3A_210, %swap3A_211], %select_n3A_209 {strides = array<i32>} : memref<128x8192xf32, #tpu.memory_space<vmem>>, vector<128x8192xf32>,
    %get3A_213 = arith.constant 0 : index
    %get3A_214 = arith.constant 0 : index
    %get3A_215 = vector.load %arg8[%get3A_213, %get3A_214] : memref<128x8192xf32, #tpu.memory_space<vmem>>, vector<128x8192xf32>
    %reduce_max3A_216 = arith.constant dense<0xFF800000> : vector<128xf32>
    %reduce_max3A_217 = vector.multi_reduction <maximumf>, %get3A_215, %reduce_max3A_216 [1] : vector<128x8192xf32> to vector<128xf32>
    %broadcast_in_dim3A_218 = vector.shape_cast %reduce_max3A_217 : vector<128xf32> to vector<128x1xf32>
    %eq3A_219 = vector.broadcast %broadcast_in_dim3A_218 : vector<128x1xf32> to vector<128x8192xf32>
    %eq3A_220 = arith.cmpf oeq, %get3A_215, %eq3A_219 : vector<128x8192xf32>
    %get3A_221 = arith.constant 0 : index
    %get3A_222 = arith.constant 0 : index
    %get3A_223 = vector.load %arg9[%get3A_221, %get3A_222] : memref<128x8192xi32, #tpu.memory_space<vmem>>, vector<128x8192xi32>
    %jit3A_224 = arith.constant 1073741824 : i32
    %broadcast_in_dim3A_225 = vector.broadcast %jit3A_224 : i32 to vector<128x8192xi32>
    %select_n3A_226 = arith.select %eq3A_220, %get3A_223, %broadcast_in_dim3A_225 : vector<128x8192xi1>, vector<128x8192xi32>
    %reduce_min3A_227 = arith.constant dense<2147483647> : vector<128xi32>
    %reduce_min3A_228 = vector.multi_reduction <minsi>, %select_n3A_226, %reduce_min3A_227 [1] : vector<128x8192xi32> to vector<128xi32>
    %broadcast_in_dim3A_229 = vector.shape_cast %reduce_min3A_228 : vector<128xi32> to vector<128x1xi32>
    %shift_right_arithmetic3A_230 = arith.constant 6 : i32
    %shift_right_arithmetic3A_231 = vector.broadcast %shift_right_arithmetic3A_230 : i32 to vector<128x1xi32>
    %shift_right_arithmetic3A_232 = arith.shrsi %broadcast_in_dim3A_229, %shift_right_arithmetic3A_231 : vector<128x1xi32>
    %squeeze3A_233 = vector.shape_cast %broadcast_in_dim3A_218 : vector<128x1xf32> to vector<128xf32>
    %swap3A_234 = arith.constant 4 : index
    %swap3A_235 = arith.constant 0 : index
    %swap3A_236 = vector.load %arg10[%swap3A_234, %swap3A_235] : memref<8x128xf32, #tpu.memory_space<vmem>>, vector<1x128xf32>
    %swap3A_237 = vector.shape_cast %swap3A_236 : vector<1x128xf32> to vector<128xf32>
    %swap3A_238 = vector.shape_cast %squeeze3A_233 : vector<128xf32> to vector<1x128xf32>
    tpu.vector_store %arg10[%swap3A_234, %swap3A_235], %swap3A_238 {strides = array<i32>} : memref<8x128xf32, #tpu.memory_space<vmem>>, vector<1x128xf32>,
    %squeeze3A_239 = vector.shape_cast %shift_right_arithmetic3A_232 : vector<128x1xi32> to vector<128xi32>
    %swap3A_240 = arith.constant 4 : index
    %swap3A_241 = arith.constant 0 : index
    %swap3A_242 = vector.load %arg11[%swap3A_240, %swap3A_241] : memref<8x128xi32, #tpu.memory_space<vmem>>, vector<1x128xi32>
    %swap3A_243 = vector.shape_cast %swap3A_242 : vector<1x128xi32> to vector<128xi32>
    %swap3A_244 = vector.shape_cast %squeeze3A_239 : vector<128xi32> to vector<1x128xi32>
    tpu.vector_store %arg11[%swap3A_240, %swap3A_241], %swap3A_244 {strides = array<i32>} : memref<8x128xi32, #tpu.memory_space<vmem>>, vector<1x128xi32>,
    %and3A_245 = arith.constant 63 : i32
    %and3A_246 = vector.broadcast %and3A_245 : i32 to vector<128x1xi32>
    %and3A_247 = arith.andi %broadcast_in_dim3A_229, %and3A_246 : vector<128x1xi32>
    %squeeze3A_248 = vector.shape_cast %and3A_247 : vector<128x1xi32> to vector<128xi32>
    %swap3A_249 = arith.constant 4 : index
    %swap3A_250 = arith.constant 0 : index
    %swap3A_251 = vector.load %arg12[%swap3A_249, %swap3A_250] : memref<8x128xi32, #tpu.memory_space<vmem>>, vector<1x128xi32>
    %swap3A_252 = vector.shape_cast %swap3A_251 : vector<1x128xi32> to vector<128xi32>
    %swap3A_253 = vector.shape_cast %squeeze3A_248 : vector<128xi32> to vector<1x128xi32>
    tpu.vector_store %arg12[%swap3A_249, %swap3A_250], %swap3A_253 {strides = array<i32>} : memref<8x128xi32, #tpu.memory_space<vmem>>, vector<1x128xi32>,
    %eq3A_254 = vector.broadcast %shift_right_arithmetic3A_232 : vector<128x1xi32> to vector<128x8192xi32>
    %eq3A_255 = arith.cmpi eq, %iota3A, %eq3A_254 : vector<128x8192xi32>
    %jit3A_256 = arith.constant -1.000000e+00 : f32
    %broadcast_in_dim3A_257 = vector.broadcast %jit3A_256 : f32 to vector<128x8192xf32>
    %select_n3A_258 = arith.select %eq3A_255, %broadcast_in_dim3A_257, %get3A_215 : vector<128x8192xi1>, vector<128x8192xf32>
    %swap3A_259 = arith.constant 0 : index
    %swap3A_260 = arith.constant 0 : index
    %swap3A_261 = vector.load %arg8[%swap3A_259, %swap3A_260] : memref<128x8192xf32, #tpu.memory_space<vmem>>, vector<128x8192xf32>
    tpu.vector_store %arg8[%swap3A_259, %swap3A_260], %select_n3A_258 {strides = array<i32>} : memref<128x8192xf32, #tpu.memory_space<vmem>>, vector<128x8192xf32>,
    %get3A_262 = arith.constant 0 : index
    %get3A_263 = arith.constant 0 : index
    %get3A_264 = vector.load %arg8[%get3A_262, %get3A_263] : memref<128x8192xf32, #tpu.memory_space<vmem>>, vector<128x8192xf32>
    %reduce_max3A_265 = arith.constant dense<0xFF800000> : vector<128xf32>
    %reduce_max3A_266 = vector.multi_reduction <maximumf>, %get3A_264, %reduce_max3A_265 [1] : vector<128x8192xf32> to vector<128xf32>
    %broadcast_in_dim3A_267 = vector.shape_cast %reduce_max3A_266 : vector<128xf32> to vector<128x1xf32>
    %eq3A_268 = vector.broadcast %broadcast_in_dim3A_267 : vector<128x1xf32> to vector<128x8192xf32>
    %eq3A_269 = arith.cmpf oeq, %get3A_264, %eq3A_268 : vector<128x8192xf32>
    %get3A_270 = arith.constant 0 : index
    %get3A_271 = arith.constant 0 : index
    %get3A_272 = vector.load %arg9[%get3A_270, %get3A_271] : memref<128x8192xi32, #tpu.memory_space<vmem>>, vector<128x8192xi32>
    %jit3A_273 = arith.constant 1073741824 : i32
    %broadcast_in_dim3A_274 = vector.broadcast %jit3A_273 : i32 to vector<128x8192xi32>
    %select_n3A_275 = arith.select %eq3A_269, %get3A_272, %broadcast_in_dim3A_274 : vector<128x8192xi1>, vector<128x8192xi32>
    %reduce_min3A_276 = arith.constant dense<2147483647> : vector<128xi32>
    %reduce_min3A_277 = vector.multi_reduction <minsi>, %select_n3A_275, %reduce_min3A_276 [1] : vector<128x8192xi32> to vector<128xi32>
    %broadcast_in_dim3A_278 = vector.shape_cast %reduce_min3A_277 : vector<128xi32> to vector<128x1xi32>
    %shift_right_arithmetic3A_279 = arith.constant 6 : i32
    %shift_right_arithmetic3A_280 = vector.broadcast %shift_right_arithmetic3A_279 : i32 to vector<128x1xi32>
    %shift_right_arithmetic3A_281 = arith.shrsi %broadcast_in_dim3A_278, %shift_right_arithmetic3A_280 : vector<128x1xi32>
    %squeeze3A_282 = vector.shape_cast %broadcast_in_dim3A_267 : vector<128x1xf32> to vector<128xf32>
    %swap3A_283 = arith.constant 5 : index
    %swap3A_284 = arith.constant 0 : index
    %swap3A_285 = vector.load %arg10[%swap3A_283, %swap3A_284] : memref<8x128xf32, #tpu.memory_space<vmem>>, vector<1x128xf32>
    %swap3A_286 = vector.shape_cast %swap3A_285 : vector<1x128xf32> to vector<128xf32>
    %swap3A_287 = vector.shape_cast %squeeze3A_282 : vector<128xf32> to vector<1x128xf32>
    tpu.vector_store %arg10[%swap3A_283, %swap3A_284], %swap3A_287 {strides = array<i32>} : memref<8x128xf32, #tpu.memory_space<vmem>>, vector<1x128xf32>,
    %squeeze3A_288 = vector.shape_cast %shift_right_arithmetic3A_281 : vector<128x1xi32> to vector<128xi32>
    %swap3A_289 = arith.constant 5 : index
    %swap3A_290 = arith.constant 0 : index
    %swap3A_291 = vector.load %arg11[%swap3A_289, %swap3A_290] : memref<8x128xi32, #tpu.memory_space<vmem>>, vector<1x128xi32>
    %swap3A_292 = vector.shape_cast %swap3A_291 : vector<1x128xi32> to vector<128xi32>
    %swap3A_293 = vector.shape_cast %squeeze3A_288 : vector<128xi32> to vector<1x128xi32>
    tpu.vector_store %arg11[%swap3A_289, %swap3A_290], %swap3A_293 {strides = array<i32>} : memref<8x128xi32, #tpu.memory_space<vmem>>, vector<1x128xi32>,
    %and3A_294 = arith.constant 63 : i32
    %and3A_295 = vector.broadcast %and3A_294 : i32 to vector<128x1xi32>
    %and3A_296 = arith.andi %broadcast_in_dim3A_278, %and3A_295 : vector<128x1xi32>
    %squeeze3A_297 = vector.shape_cast %and3A_296 : vector<128x1xi32> to vector<128xi32>
    %swap3A_298 = arith.constant 5 : index
    %swap3A_299 = arith.constant 0 : index
    %swap3A_300 = vector.load %arg12[%swap3A_298, %swap3A_299] : memref<8x128xi32, #tpu.memory_space<vmem>>, vector<1x128xi32>
    %swap3A_301 = vector.shape_cast %swap3A_300 : vector<1x128xi32> to vector<128xi32>
    %swap3A_302 = vector.shape_cast %squeeze3A_297 : vector<128xi32> to vector<1x128xi32>
    tpu.vector_store %arg12[%swap3A_298, %swap3A_299], %swap3A_302 {strides = array<i32>} : memref<8x128xi32, #tpu.memory_space<vmem>>, vector<1x128xi32>,
    %eq3A_303 = vector.broadcast %shift_right_arithmetic3A_281 : vector<128x1xi32> to vector<128x8192xi32>
    %eq3A_304 = arith.cmpi eq, %iota3A, %eq3A_303 : vector<128x8192xi32>
    %jit3A_305 = arith.constant -1.000000e+00 : f32
    %broadcast_in_dim3A_306 = vector.broadcast %jit3A_305 : f32 to vector<128x8192xf32>
    %select_n3A_307 = arith.select %eq3A_304, %broadcast_in_dim3A_306, %get3A_264 : vector<128x8192xi1>, vector<128x8192xf32>
    %swap3A_308 = arith.constant 0 : index
    %swap3A_309 = arith.constant 0 : index
    %swap3A_310 = vector.load %arg8[%swap3A_308, %swap3A_309] : memref<128x8192xf32, #tpu.memory_space<vmem>>, vector<128x8192xf32>
    tpu.vector_store %arg8[%swap3A_308, %swap3A_309], %select_n3A_307 {strides = array<i32>} : memref<128x8192xf32, #tpu.memory_space<vmem>>, vector<128x8192xf32>,
    %get3A_311 = arith.constant 0 : index
    %get3A_312 = arith.constant 0 : index
    %get3A_313 = vector.load %arg8[%get3A_311, %get3A_312] : memref<128x8192xf32, #tpu.memory_space<vmem>>, vector<128x8192xf32>
    %reduce_max3A_314 = arith.constant dense<0xFF800000> : vector<128xf32>
    %reduce_max3A_315 = vector.multi_reduction <maximumf>, %get3A_313, %reduce_max3A_314 [1] : vector<128x8192xf32> to vector<128xf32>
    %broadcast_in_dim3A_316 = vector.shape_cast %reduce_max3A_315 : vector<128xf32> to vector<128x1xf32>
    %eq3A_317 = vector.broadcast %broadcast_in_dim3A_316 : vector<128x1xf32> to vector<128x8192xf32>
    %eq3A_318 = arith.cmpf oeq, %get3A_313, %eq3A_317 : vector<128x8192xf32>
    %get3A_319 = arith.constant 0 : index
    %get3A_320 = arith.constant 0 : index
    %get3A_321 = vector.load %arg9[%get3A_319, %get3A_320] : memref<128x8192xi32, #tpu.memory_space<vmem>>, vector<128x8192xi32>
    %jit3A_322 = arith.constant 1073741824 : i32
    %broadcast_in_dim3A_323 = vector.broadcast %jit3A_322 : i32 to vector<128x8192xi32>
    %select_n3A_324 = arith.select %eq3A_318, %get3A_321, %broadcast_in_dim3A_323 : vector<128x8192xi1>, vector<128x8192xi32>
    %reduce_min3A_325 = arith.constant dense<2147483647> : vector<128xi32>
    %reduce_min3A_326 = vector.multi_reduction <minsi>, %select_n3A_324, %reduce_min3A_325 [1] : vector<128x8192xi32> to vector<128xi32>
    %broadcast_in_dim3A_327 = vector.shape_cast %reduce_min3A_326 : vector<128xi32> to vector<128x1xi32>
    %shift_right_arithmetic3A_328 = arith.constant 6 : i32
    %shift_right_arithmetic3A_329 = vector.broadcast %shift_right_arithmetic3A_328 : i32 to vector<128x1xi32>
    %shift_right_arithmetic3A_330 = arith.shrsi %broadcast_in_dim3A_327, %shift_right_arithmetic3A_329 : vector<128x1xi32>
    %squeeze3A_331 = vector.shape_cast %broadcast_in_dim3A_316 : vector<128x1xf32> to vector<128xf32>
    %swap3A_332 = arith.constant 6 : index
    %swap3A_333 = arith.constant 0 : index
    %swap3A_334 = vector.load %arg10[%swap3A_332, %swap3A_333] : memref<8x128xf32, #tpu.memory_space<vmem>>, vector<1x128xf32>
    %swap3A_335 = vector.shape_cast %swap3A_334 : vector<1x128xf32> to vector<128xf32>
    %swap3A_336 = vector.shape_cast %squeeze3A_331 : vector<128xf32> to vector<1x128xf32>
    tpu.vector_store %arg10[%swap3A_332, %swap3A_333], %swap3A_336 {strides = array<i32>} : memref<8x128xf32, #tpu.memory_space<vmem>>, vector<1x128xf32>,
    %squeeze3A_337 = vector.shape_cast %shift_right_arithmetic3A_330 : vector<128x1xi32> to vector<128xi32>
    %swap3A_338 = arith.constant 6 : index
    %swap3A_339 = arith.constant 0 : index
    %swap3A_340 = vector.load %arg11[%swap3A_338, %swap3A_339] : memref<8x128xi32, #tpu.memory_space<vmem>>, vector<1x128xi32>
    %swap3A_341 = vector.shape_cast %swap3A_340 : vector<1x128xi32> to vector<128xi32>
    %swap3A_342 = vector.shape_cast %squeeze3A_337 : vector<128xi32> to vector<1x128xi32>
    tpu.vector_store %arg11[%swap3A_338, %swap3A_339], %swap3A_342 {strides = array<i32>} : memref<8x128xi32, #tpu.memory_space<vmem>>, vector<1x128xi32>,
    %and3A_343 = arith.constant 63 : i32
    %and3A_344 = vector.broadcast %and3A_343 : i32 to vector<128x1xi32>
    %and3A_345 = arith.andi %broadcast_in_dim3A_327, %and3A_344 : vector<128x1xi32>
    %squeeze3A_346 = vector.shape_cast %and3A_345 : vector<128x1xi32> to vector<128xi32>
    %swap3A_347 = arith.constant 6 : index
    %swap3A_348 = arith.constant 0 : index
    %swap3A_349 = vector.load %arg12[%swap3A_347, %swap3A_348] : memref<8x128xi32, #tpu.memory_space<vmem>>, vector<1x128xi32>
    %swap3A_350 = vector.shape_cast %swap3A_349 : vector<1x128xi32> to vector<128xi32>
    %swap3A_351 = vector.shape_cast %squeeze3A_346 : vector<128xi32> to vector<1x128xi32>
    tpu.vector_store %arg12[%swap3A_347, %swap3A_348], %swap3A_351 {strides = array<i32>} : memref<8x128xi32, #tpu.memory_space<vmem>>, vector<1x128xi32>,
    %eq3A_352 = vector.broadcast %shift_right_arithmetic3A_330 : vector<128x1xi32> to vector<128x8192xi32>
    %eq3A_353 = arith.cmpi eq, %iota3A, %eq3A_352 : vector<128x8192xi32>
    %jit3A_354 = arith.constant -1.000000e+00 : f32
    %broadcast_in_dim3A_355 = vector.broadcast %jit3A_354 : f32 to vector<128x8192xf32>
    %select_n3A_356 = arith.select %eq3A_353, %broadcast_in_dim3A_355, %get3A_313 : vector<128x8192xi1>, vector<128x8192xf32>
    %swap3A_357 = arith.constant 0 : index
    %swap3A_358 = arith.constant 0 : index
    %swap3A_359 = vector.load %arg8[%swap3A_357, %swap3A_358] : memref<128x8192xf32, #tpu.memory_space<vmem>>, vector<128x8192xf32>
    tpu.vector_store %arg8[%swap3A_357, %swap3A_358], %select_n3A_356 {strides = array<i32>} : memref<128x8192xf32, #tpu.memory_space<vmem>>, vector<128x8192xf32>,
    %get3A_360 = arith.constant 0 : index
    %get3A_361 = arith.constant 0 : index
    %get3A_362 = vector.load %arg8[%get3A_360, %get3A_361] : memref<128x8192xf32, #tpu.memory_space<vmem>>, vector<128x8192xf32>
    %reduce_max3A_363 = arith.constant dense<0xFF800000> : vector<128xf32>
    %reduce_max3A_364 = vector.multi_reduction <maximumf>, %get3A_362, %reduce_max3A_363 [1] : vector<128x8192xf32> to vector<128xf32>
    %broadcast_in_dim3A_365 = vector.shape_cast %reduce_max3A_364 : vector<128xf32> to vector<128x1xf32>
    %eq3A_366 = vector.broadcast %broadcast_in_dim3A_365 : vector<128x1xf32> to vector<128x8192xf32>
    %eq3A_367 = arith.cmpf oeq, %get3A_362, %eq3A_366 : vector<128x8192xf32>
    %get3A_368 = arith.constant 0 : index
    %get3A_369 = arith.constant 0 : index
    %get3A_370 = vector.load %arg9[%get3A_368, %get3A_369] : memref<128x8192xi32, #tpu.memory_space<vmem>>, vector<128x8192xi32>
    %jit3A_371 = arith.constant 1073741824 : i32
    %broadcast_in_dim3A_372 = vector.broadcast %jit3A_371 : i32 to vector<128x8192xi32>
    %select_n3A_373 = arith.select %eq3A_367, %get3A_370, %broadcast_in_dim3A_372 : vector<128x8192xi1>, vector<128x8192xi32>
    %reduce_min3A_374 = arith.constant dense<2147483647> : vector<128xi32>
    %reduce_min3A_375 = vector.multi_reduction <minsi>, %select_n3A_373, %reduce_min3A_374 [1] : vector<128x8192xi32> to vector<128xi32>
    %broadcast_in_dim3A_376 = vector.shape_cast %reduce_min3A_375 : vector<128xi32> to vector<128x1xi32>
    %shift_right_arithmetic3A_377 = arith.constant 6 : i32
    %shift_right_arithmetic3A_378 = vector.broadcast %shift_right_arithmetic3A_377 : i32 to vector<128x1xi32>
    %shift_right_arithmetic3A_379 = arith.shrsi %broadcast_in_dim3A_376, %shift_right_arithmetic3A_378 : vector<128x1xi32>
    %squeeze3A_380 = vector.shape_cast %broadcast_in_dim3A_365 : vector<128x1xf32> to vector<128xf32>
    %swap3A_381 = arith.constant 7 : index
    %swap3A_382 = arith.constant 0 : index
    %swap3A_383 = vector.load %arg10[%swap3A_381, %swap3A_382] : memref<8x128xf32, #tpu.memory_space<vmem>>, vector<1x128xf32>
    %swap3A_384 = vector.shape_cast %swap3A_383 : vector<1x128xf32> to vector<128xf32>
    %swap3A_385 = vector.shape_cast %squeeze3A_380 : vector<128xf32> to vector<1x128xf32>
    tpu.vector_store %arg10[%swap3A_381, %swap3A_382], %swap3A_385 {strides = array<i32>} : memref<8x128xf32, #tpu.memory_space<vmem>>, vector<1x128xf32>,
    %squeeze3A_386 = vector.shape_cast %shift_right_arithmetic3A_379 : vector<128x1xi32> to vector<128xi32>
    %swap3A_387 = arith.constant 7 : index
    %swap3A_388 = arith.constant 0 : index
    %swap3A_389 = vector.load %arg11[%swap3A_387, %swap3A_388] : memref<8x128xi32, #tpu.memory_space<vmem>>, vector<1x128xi32>
    %swap3A_390 = vector.shape_cast %swap3A_389 : vector<1x128xi32> to vector<128xi32>
    %swap3A_391 = vector.shape_cast %squeeze3A_386 : vector<128xi32> to vector<1x128xi32>
    tpu.vector_store %arg11[%swap3A_387, %swap3A_388], %swap3A_391 {strides = array<i32>} : memref<8x128xi32, #tpu.memory_space<vmem>>, vector<1x128xi32>,
    %and3A_392 = arith.constant 63 : i32
    %and3A_393 = vector.broadcast %and3A_392 : i32 to vector<128x1xi32>
    %and3A_394 = arith.andi %broadcast_in_dim3A_376, %and3A_393 : vector<128x1xi32>
    %squeeze3A_395 = vector.shape_cast %and3A_394 : vector<128x1xi32> to vector<128xi32>
    %swap3A_396 = arith.constant 7 : index
    %swap3A_397 = arith.constant 0 : index
    %swap3A_398 = vector.load %arg12[%swap3A_396, %swap3A_397] : memref<8x128xi32, #tpu.memory_space<vmem>>, vector<1x128xi32>
    %swap3A_399 = vector.shape_cast %swap3A_398 : vector<1x128xi32> to vector<128xi32>
    %swap3A_400 = vector.shape_cast %squeeze3A_395 : vector<128xi32> to vector<1x128xi32>
    tpu.vector_store %arg12[%swap3A_396, %swap3A_397], %swap3A_400 {strides = array<i32>} : memref<8x128xi32, #tpu.memory_space<vmem>>, vector<1x128xi32>,
    %get3A_401 = arith.constant 0 : index
    %get3A_402 = arith.constant 0 : index
    %get3A_403 = vector.load %arg10[%get3A_401, %get3A_402] : memref<8x128xf32, #tpu.memory_space<vmem>>, vector<8x128xf32>
    %gt3A = arith.constant 0.000000e+00 : f32
    %gt3A_404 = vector.broadcast %gt3A : f32 to vector<8x128xf32>
    %gt3A_405 = arith.cmpf ogt, %get3A_403, %gt3A_404 : vector<8x128xf32>
    %get3A_406 = arith.constant 0 : index
    %get3A_407 = arith.constant 0 : index
    %get3A_408 = vector.load %arg11[%get3A_406, %get3A_407] : memref<8x128xi32, #tpu.memory_space<vmem>>, vector<8x128xi32>
    %get3A_409 = arith.constant 0 : index
    %get3A_410 = arith.constant 0 : index
    %get3A_411 = vector.load %arg12[%get3A_409, %get3A_410] : memref<8x128xi32, #tpu.memory_space<vmem>>, vector<8x128xi32>
    %slice3A = vector.extract_strided_slice %get3A_408 {offsets = [0, 0], sizes = [1, 128], strides = [1, 1]} : vector<8x128xi32> to vector<1x128xi32>
    %broadcast_in_dim3A_412 = vector.shape_cast %slice3A : vector<1x128xi32> to vector<1x128xi32>
    %broadcast_in_dim3A_413 = vector.broadcast %broadcast_in_dim3A_412 : vector<1x128xi32> to vector<8x128xi32>
    %select_n3A_414 = arith.select %gt3A_405, %get3A_408, %broadcast_in_dim3A_413 : vector<8x128xi1>, vector<8x128xi32>
    %swap3A_415 = arith.constant 0 : index
    %swap3A_416 = arith.constant 0 : index
    %swap3A_417 = vector.load %arg6[%swap3A_415, %swap3A_416] : memref<8x128xi32, #tpu.memory_space<vmem>>, vector<8x128xi32>
    tpu.vector_store %arg6[%swap3A_415, %swap3A_416], %select_n3A_414 {strides = array<i32>} : memref<8x128xi32, #tpu.memory_space<vmem>>, vector<8x128xi32>,
    %slice3A_418 = vector.extract_strided_slice %get3A_411 {offsets = [0, 0], sizes = [1, 128], strides = [1, 1]} : vector<8x128xi32> to vector<1x128xi32>
    %broadcast_in_dim3A_419 = vector.shape_cast %slice3A_418 : vector<1x128xi32> to vector<1x128xi32>
    %broadcast_in_dim3A_420 = vector.broadcast %broadcast_in_dim3A_419 : vector<1x128xi32> to vector<8x128xi32>
    %select_n3A_421 = arith.select %gt3A_405, %get3A_411, %broadcast_in_dim3A_420 : vector<8x128xi1>, vector<8x128xi32>
    %sub3A = arith.constant 1 : i32
    %sub3A_422 = vector.broadcast %sub3A : i32 to vector<8x128xi32>
    %sub3A_423 = arith.subi %select_n3A_421, %sub3A_422 : vector<8x128xi32>
    %max3A = arith.constant 0 : i32
    %max3A_424 = vector.broadcast %max3A : i32 to vector<8x128xi32>
    %max3A_425 = arith.maxsi %sub3A_423, %max3A_424 : vector<8x128xi32>
    %swap3A_426 = arith.constant 0 : index
    %swap3A_427 = arith.constant 0 : index
    %swap3A_428 = vector.load %arg7[%swap3A_426, %swap3A_427] : memref<8x128xi32, #tpu.memory_space<vmem>>, vector<8x128xi32>
    tpu.vector_store %arg7[%swap3A_426, %swap3A_427], %max3A_425 {strides = array<i32>} : memref<8x128xi32, #tpu.memory_space<vmem>>, vector<8x128xi32>,
    return
  }
  func.func @transform_0(%arg0: i32) -> i32 {
    %c0_i32 = arith.constant 0 : i32
    %c0_i32_0 = arith.constant 0 : i32
    return %c0_i32 : i32
  }
  func.func @transform_1(%arg0: i32) -> i32 {
    %c0_i32 = arith.constant 0 : i32
    %c0_i32_0 = arith.constant 0 : i32
    return %c0_i32 : i32
  }
  func.func @transform_2(%arg0: i32) -> i32 {
    %c0_i32 = arith.constant 0 : i32
    %c0_i32_0 = arith.constant 0 : i32
    return %c0_i32 : i32
  }
  func.func @transform_3(%arg0: i32) -> (i32, i32) {
    %c0_i32 = arith.constant 0 : i32
    %c0_i32_0 = arith.constant 0 : i32
    return %arg0, %c0_i32 : i32, i32
  }
  func.func @transform_4(%arg0: i32) -> (i32, i32) {
    %c0_i32 = arith.constant 0 : i32
    %c0_i32_0 = arith.constant 0 : i32
    return %arg0, %c0_i32 : i32, i32
  }
  func.func @transform_5(%arg0: i32) -> (i32, i32) {
    %c0_i32 = arith.constant 0 : i32
    %c0_i32_0 = arith.constant 0 : i32
    return %c0_i32, %arg0 : i32, i32
  }
  func.func @transform_6(%arg0: i32) -> (i32, i32) {
    %c0_i32 = arith.constant 0 : i32
    %c0_i32_0 = arith.constant 0 : i32
    return %c0_i32, %arg0 : i32, i32
  }
}

</mosaic_0001>

<sc_bundles>
// kernel: gather_offload_async_start.1
scs
__scs_entry_jumppad:
0x0: {  	(pc) =	sbr.rel $0x88, $3  }
0x1: {  	(tag) =	ssettag $0x0;
	lr =	simm.s32 $0x1  }
0x2: {  	[smem:$0x3F9D] =	sst lr;
	_ =	strace $0xD0000000  }
0x3: {  	_ = 	snop  }
0x4: {  	_ = 	snop  }
0x5: {  	_ = 	snop  }
0x6: {  	_ = 	snop  }
0x7: {  	_ = 	snop  }
__scs_overlays_trampoline_lowered:
0x8: {  	[smem:$0x3FAC] =	sst s0  }
0x9: {  	[smem:$0x3FAD] =	sst s1  }
0xa: {  	[smem:$0x3FAE] =	sst s2  }
0xb: {  	[smem:$0x3FAF] =	sst s3  }
0xc: {  	[smem:$0x3FB0] =	sst s4  }
0xd: {  	[smem:$0x3FB1] =	sst s5  }
0xe: {  	[smem:$0x3FB2] =	sst s6  }
0xf: {  	[smem:$0x3FB3] =	sst s7  }
0x10: {  	[smem:$0x3FB4] =	sst s8  }
0x11: {  	[smem:$0x3FB5] =	sst s9;
	s0 =	simm.s32 @!p0 $0x0  }
0x12: {  	s1 =	sld [smem:$0x3F9B];
	s0 =	simm.s32 @p0 $0x1  }
0x13: {  	[smem:$0x3FB6] =	sst s0;
	s0 =	simm.s32 @!p1 $0x0  }
0x14: {  	s2 =	sld [smem:$0x3F9A];
	s0 =	simm.s32 @p1 $0x1  }
0x15: {  	[smem:$0x3FB7] =	sst s0;
	s0 =	simm.s32 @!p2 $0x0  }
0x16: {  	s3 =	sld [smem:$0x3FDB];
	s0 =	simm.s32 @p2 $0x1  }
0x17: {  	s4 =	simm.s32 $0x1BF5;
	[smem:$0x3FB9] =	sst s0  }
0x18: {  	s0 =	sld [smem:$0x3F9C];
	_ =	swait.ge [sflag:s4], $0x0  }
0x19: {  	s7 =	sld [smem:$0x3F9D]  }
0x1a: {  	s8 =	sadd.s32 $0xFFFFE003, lr  }
0x1b: {  	s9 =	sadd.s32 $0xFFFFFEF7, lr;
	s5 =	simm.s32 $0xFFFFFFFF;
	p2 =	slt.u32 s8, $0xFFFFF086  }
0x1c: {  	p1 =	slt.u32 s9, $0xF7A;
	s5 =	simm.s32 @!p2 $0x0  }
0x1d: {  	s5 =	simm.s32 @p1 $0x1;
	p0 =	seq.s32 s7, s2  }
0x1e: {  	s7 =	smul.u32 @!p0 $0xF7A, s2;
	p2 =	seq.s32 @!p0 s5, $0x0  }
0x1f: {  	s9 =	smul.u32 $0xF7A, s1;
	s8 =	simm.s32 @!p0 $0x1BF5;
	p2 =	por !p2, p0  }
0x20: {  	[sflag:s8] =	ssyncset.s32 @!p0 $0xFFFFF086;
	s6 =	sadd.s32 @!p0 s3, s7;
	s7 =	simm.s32 @!p0 $0x108  }
0x21: {  	s3 =	sadd.s32 s3, s9;
	s6 =	sadd.s32 @!p0 $0x88, s6;
	s7 =	simm.s32 @p2 $0x1082  }
0x22: {  	[simem:s7], [sflag:s8] =	dma.local @!p0 [hbm:s6], $0xF7A  }
0x23: {  	s9 =	sor.u32 $0xD0000000, s2;
	s6 =	simm.s32 $0x108;
	_ =	swait.ge @!p0 [sflag:s8], $0x0  }
0x24: {  	s3 =	sadd.s32 $0x88, s3;
	s6 =	simm.s32 @!p1 $0x1082;
	[sflag:s4] =	ssyncset.s32 $0xFFFFF086  }
0x25: {  	[simem:s6], [sflag:s4] =	dma.local [hbm:s3], $0xF7A  }
0x26: {  	[smem:$0x3F9D] =	sst s1;
	(tag) =	ssettag s2;
	_ =	strace s9  }
0x27: {  	s1 =	sld [smem:$0x3FAD]  }
0x28: {  	s2 =	sld [smem:$0x3FAE]  }
0x29: {  	s4 =	sld [smem:$0x3FB0]  }
0x2a: {  	p0 =	seq.s32 s5, $0x0;
	s5 =	sld [smem:$0x3FB1]  }
0x2b: {  	s6 =	sld [smem:$0x3FB2]  }
0x2c: {  	s7 =	sld [smem:$0x3FB3]  }
0x2d: {  	s3 =	simm.s32 $0x108;
	s8 =	sld [smem:$0x3FB4]  }
0x2e: {  	s3 =	simm.s32 @!p0 $0x1082;
	s9 =	sld [smem:$0x3FB5]  }
0x2f: {  	lr =	sadd.s32 s0, s3;
	s0 =	sld [smem:$0x3FAC]  }
0x30: {  	s3 =	sld [smem:$0x3FAF]  }
0x31: {  	[smem:$0x3FB8] =	sst s10  }
0x32: {  	s10 =	sld [smem:$0x3FB6];
	_ =	sdelay $0x3  }
0x33: {  	p0 =	seq.s32 s10, $0x1;
	s10 =	sld [smem:$0x3FB8];
	_ =	sdelay $0x3  }
0x34: {  	[smem:$0x3FB8] =	sst s10  }
0x35: {  	s10 =	sld [smem:$0x3FB7];
	_ =	sdelay $0x3  }
0x36: {  	p1 =	seq.s32 s10, $0x1;
	s10 =	sld [smem:$0x3FB8];
	_ =	sdelay $0x3  }
0x37: {  	[smem:$0x3FB8] =	sst s10  }
0x38: {  	s10 =	sld [smem:$0x3FB9]  }
0x39: {  	_ = 	snop;
	(pc) =	sbr.ind lr, $3  }
0x3a: {  	_ = 	snop  }
0x3b: {  	_ = 	snop  }
0x3c: {  	p2 =	seq.s32 s10, $0x1;
	s10 =	sld [smem:$0x3FB8]  }
0x3d: {  	_ =	shalt  }
0x3e: {  	_ =	shalt  }
0x3f: {  	_ =	shalt  }
0x40: {  	_ =	shalt  }
0x41: {  	_ =	shalt  }
0x42: {  	_ =	shalt  }
0x43: {  	_ =	shalt  }
0x44: {  	_ =	shalt  }
0x45: {  	_ =	shalt  }
0x46: {  	_ =	shalt  }
0x47: {  	_ =	shalt  }
0x48: {  	_ =	shalt  }
0x49: {  	_ =	shalt  }
0x4a: {  	_ =	shalt  }
0x4b: {  	_ =	shalt  }
0x4c: {  	_ =	shalt  }
0x4d: {  	_ =	shalt  }
0x4e: {  	_ =	shalt  }
0x4f: {  	_ =	shalt  }
0x50: {  	_ =	shalt  }
0x51: {  	_ =	shalt  }
0x52: {  	_ =	shalt  }
0x53: {  	_ =	shalt  }
0x54: {  	_ =	shalt  }
0x55: {  	_ =	shalt  }
0x56: {  	_ =	shalt  }
0x57: {  	_ =	shalt  }
0x58: {  	_ =	shalt  }
0x59: {  	_ =	shalt  }
0x5a: {  	_ =	shalt  }
0x5b: {  	_ =	shalt  }
0x5c: {  	_ =	shalt  }
0x5d: {  	_ =	shalt  }
0x5e: {  	_ =	shalt  }
0x5f: {  	_ =	shalt  }
0x60: {  	_ =	shalt  }
0x61: {  	_ =	shalt  }
0x62: {  	_ =	shalt  }
0x63: {  	_ =	shalt  }
0x64: {  	_ =	shalt  }
0x65: {  	_ =	shalt  }
0x66: {  	_ =	shalt  }
0x67: {  	_ =	shalt  }
0x68: {  	_ =	shalt  }
0x69: {  	_ =	shalt  }
0x6a: {  	_ =	shalt  }
0x6b: {  	_ =	shalt  }
0x6c: {  	_ =	shalt  }
0x6d: {  	_ =	shalt  }
0x6e: {  	_ =	shalt  }
0x6f: {  	_ =	shalt  }
0x70: {  	_ =	shalt  }
0x71: {  	_ =	shalt  }
0x72: {  	_ =	shalt  }
0x73: {  	_ =	shalt  }
0x74: {  	_ =	shalt  }
0x75: {  	_ =	shalt  }
0x76: {  	_ =	shalt  }
0x77: {  	_ =	shalt  }
0x78: {  	_ =	shalt  }
0x79: {  	_ =	shalt  }
0x7a: {  	_ =	shalt  }
0x7b: {  	_ =	shalt  }
0x7c: {  	_ =	shalt  }
0x7d: {  	_ =	shalt  }
0x7e: {  	_ =	shalt  }
0x7f: {  	_ =	shalt  }
0x80: {  	_ =	shalt  }
0x81: {  	_ =	shalt  }
0x82: {  	_ =	shalt  }
0x83: {  	_ =	shalt  }
0x84: {  	_ =	shalt  }
0x85: {  	_ =	shalt  }
0x86: {  	_ =	shalt  }
0x87: {  	_ =	shalt  }
.Lfunc_end0:
.L_simem_size_0:
called_computation.1_lowered:
.L_overlay_start_0:
0x88: {  	s2 =	sld [smem:$0x3FD9]  }
0x89: {  	s3 =	sld [smem:$0x3FFE];
	_ =	sdelay $0x1  }
0x8a: {  	s1 =	srdreg.scid  }
0x8b: {  	s0 =	sand.u32 $0x1, s1  }
0x8c: {  	s15 =	sshll.u32 s0, $0xA;
	s2 =	sadd.s32 s3, s2  }
0x8d: {  	s2 =	sadd.s32 s2, s15  }
0x8e: {  	[smem:$0x3FC4] =	sst s2  }
0x8f: {  	_ = 	snop  }
0x90: {  	s2 =	sld [smem:$0x3FD0];
	_ =	sdelay $0x2  }
0x91: {  	s16 =	simm.s32 $0xA;
	s4 =	simm.s32 $0x10  }
0x92: {  	[smem:s4], [sflag:s16] =	dma.local [hbm:s2], $0x1  }
0x93: {  	_ =	swait.eq [sflag:s16], $0x1  }
0x94: {  	[sflag:s16] =	ssyncset.done $0x0  }
0x95: {  	s5 =	sld [smem:$0x13];
	[sflag:s16] =	ssyncadd.s32 $0xFFFFFFFF  }
0x96: {  	s2 =	sadd.s32 $0x1, s2;
	s6 =	sld [smem:$0x16]  }
0x97: {  	[smem:s4], [sflag:s16] =	dma.local [hbm:s2], $0x1  }
0x98: {  	_ =	swait.eq [sflag:s16], $0x1  }
0x99: {  	[sflag:s16] =	ssyncset.done $0x0  }
0x9a: {  	[sflag:s16] =	ssyncadd.s32 $0xFFFFFFFF  }
0x9b: {  	s17 =	sld [smem:$0x10];
	(tm) =	ssettm $0x1  }
0x9c: {  	s18 =	sld [smem:$0x3FFB];
	_ =	sdelay $0x3  }
0x9d: {  	_ =	strace s18  }
0x9e: {  	s3 =	sld [smem:$0x3FFC];
	_ =	sdelay $0x3  }
0x9f: {  	_ =	strace s3  }
0xa0: {  	s3 =	sld [smem:$0x3FFD];
	_ =	sdelay $0x3  }
0xa1: {  	_ =	strace s3  }
0xa2: {  	_ =	strace $0x8FFFFFFF  }
0xa3: {  	s19 =	sld [smem:$0x3FDB];
	_ =	sdelay $0x1  }
0xa4: {  	s20 =	simm.s32 $_scs_section_size  }
0xa5: {  	s7 =	simm.s32 $_size__tile_overlayer_lowered;
	s8 =	simm.s32 $_tile_overlayer_lowered  }
0xa6: {  	s23 =	simm.s32 $0x1BFF;
	s22 =	sshll.u32 s8, $0x1;
	s3 =	sadd.s32 s20, s19  }
0xa7: {  	s9 =	simm.s32 $0x0;
	s21 =	sshll.u32 s7, $0x1;
	s7 =	sadd.s32 s22, s3  }
0xa8: {  	[timem:s9], [sflag:s23] =	dma.local [hbm:s7], s21  }
0xa9: {  	_ =	swait.ge [sflag:s23], s21  }
0xaa: {  	s4 =	ssub.s32 $0x0, s21;
	[sflag:s23] =	ssyncset.done $0x0  }
0xab: {  	[sflag:s23] =	ssyncadd.s32 s4;
	_ =	sdelay $0x1  }
0xac: {  	s24 =	simm.s32 $0x1B8B  }
0xad: {  	_ =	swait.ge [sflag:s24], $0x1  }
0xae: {  	[sflag:s24] =	ssyncset.done $0x0  }
0xaf: {  	s25 =	simm.s32 $0x1B8E;
	[sflag:s24] =	ssyncadd.s32 $0xFFFFFFFF  }
0xb0: {  	s26 =	simm.s32 $execute0_lowered;
	[smem:$0x3FD2] =	sst s25  }
0xb1: {  	s4 =	sshll.u32 s26, $0x1;
	_ =	strace $0x80000049;
	[dreg:$0x1] =	wrdreg $0xFFFFFFFF  }
0xb2: {  	s28 =	simm.s32 $_size_execute0_lowered;
	s3 =	sadd.s32 s3, s4;
	[dreg:$0x0] =	wrdreg $0x0  }
0xb3: {  	s4 =	sshll.u32 s28, $0x1;
	[dreg:$0x2] =	wrdreg s3  }
0xb4: {  	[dreg:$0x3] =	wrdreg s4  }
0xb5: {  	[dreg:$0x4] =	wrdreg $0xC0  }
0xb6: {  	_ =	task [dreg:s9], $0x5FFFF  }
0xb7: {  	[dreg:$0x1] =	wrdreg $0xFFFFFFFF  }
0xb8: {  	[dreg:$0x0] =	wrdreg $0x60  }
0xb9: {  	[dreg:$0x2] =	wrdreg s5  }
0xba: {  	[dreg:$0x3] =	wrdreg s6  }
0xbb: {  	[dreg:$0x4] =	wrdreg s17  }
0xbc: {  	[dreg:$0x5] =	wrdreg $0x9  }
0xbd: {  	_ =	task.clear_ibuf [dreg:s9], $0x6FFFF;
	_ =	strace $0x90000049  }
0xbe: {  	s29 =	simm.s32 $0x9;
	_ =	strace $0x8000004B  }
0xbf: {  	_ =	swait.ge [sflag:s29], $0x1  }
0xc0: {  	[sflag:s29] =	ssyncadd.s32 $0xFFFFFFFF  }
0xc1: {  	_ =	strace $0x9000004B  }
0xc2: {  	_ =	sfence  }
0xc3: {  	s30 =	sld [smem:$0x0];
	_ =	sdelay $0x2  }
0xc4: {  	s31 =	sshll.u32 s1, $0xD;
	s1 =	sshrl.u32 s1, $0x2  }
0xc5: {  	s3 =	sand.u32 $0x4000, s31;
	s1 =	sadd.s32 s1, s30  }
0xc6: {  	s0 =	sor.u32 s3, s0;
	s1 =	sshll.u32 s1, $0x11  }
0xc7: {  	s0 =	sor.u32 s1, s0  }
0xc8: {  	s0 =	sadd.s32 $0x8F2B, s0  }
0xc9: {  	[sflag:s0] =	ssyncadd.remote.s32 $0x1  }
0xca: {  	_ =	sfence.sel $0xFFFF  }
0xcb: {  	[dreg:$0x0] =	wrdreg $0xFFFFFFFF;
	(pc) =	sbr.abs _section_cstart, $3  }
0xcc: {  	[dreg:$0x1] =	wrdreg $0xFFFFFFFF  }
0xcd: {  	_ =	task.clear_ibuf [dreg:s9], $0x2FFFF;
	_ =	strace $0x9FFFFFFF  }
0xce: {  	(tm) =	ssettm $0x7FFFFFFF  }
0xcf: {  	_ =	shalt  }
tec
execute0_lowered:
.L_overlay_start_1:
0x0: {  	(tag) =	ssettag $0x1  }
0x1: {  	s1 =	srdreg.scid  }
0x2: {  	s2 =	rddreg [dreg:$0x0];
	s0 =	stileid.u32;
	s1 =	sshll.u32 s1, $0x5  }
0x3: {  	s3 =	rddreg [dreg:$0x1];
	s5 =	sshll.u32 s0, $0x6;
	s1 =	sand.u32 $0x20, s1  }
0x4: {  	s4 =	rddreg [dreg:$0x2];
	s7 =	simm.s32 $0x1;
	s5 =	sor.u32 s5, s1  }
0x5: {  	s30 =	simm.s32 $0x2;
	s31 =	simm.s32 $0x3;
	s6 =	ssub.s32 $0x800, s5  }
0x6: {  	s11 =	simm.s32 $0x0;
	s9 =	simm.s32 $0x0;
	s8 =	sand.u32 $0x3E0, s6  }
0x7: {  	s1 =	rddreg [dreg:$0x3];
	_ =	strace $0x8000004A;
	p0 =	sne.s32 s8, $0x0  }
0x8: {  	[sflag:s7] =	ssyncpa.u1 $0x0;
	s6 =	sshrl.u32 s6, $0xA;
	s7 =	simm.s32 @!p0 $0x0  }
0x9: {  	s10 =	smov.u32 s5;
	[sflag:s30] =	ssyncpa.u1 $0x0;
	s6 =	sadd.s32 s7, s6  }
0xa: {  	[sflag:s31] =	ssyncpa.u1 $0x0;
	s8 =	simm.s32 $0x0;
	s7 =	sadd.s32 $0x1, s6  }
.LBB2_1:
0xb: {  	p0 =	sge.u32 s9, s6  }
0xc: {  	s31 =	sadd.s32 $0xFFFFFFFF, s9;
	s12 =	sxor.u32 @!p0 $0xFFFFFFFF, s8;
	s13 =	sshrl.u32 @!p0 s10, $0x3  }
0xd: {  	s14 =	sand.u32 @!p0 $0x7, s10;
	s12 =	sand.u32 @!p0 $0x20, s12;
	s13 =	sadd.s32 @!p0 s3, s13  }
0xe: {  	[tilespmem:s12], [sflag:$0x2] =	stream.linear.gather @!p0 [hbm4b:s13+s14], $0x20, $0x38;
	[tilespmem:$0x80] =	vst v63  }
0xf: {  	p0 =	sge.u32 s31, s6  }
0x10: {  	s12 =	simm.s32 @!p0 $0x2  }
0x11: {  	_ =	swait.ge @!p0 [sflag:s12], $0x20  }
0x12: {  	[sflag:s12] =	ssyncset.done @!p0 $0x0  }
0x13: {  	[sflag:s12] =	ssyncadd.s32 @!p0 $0xFFFFFFE0;
	s12 =	sand.u32 @!p0 $0x20, s8  }
0x14: {  	(ifvalue) =	ssetifvalue @!p0 $0x7FFFFFFF;
	v0 =	vld.msk @!p0 [tilespmem:s12+$0x0 ss:$0x1], $0xffff;
	_ =	sdelay $0x4  }
0x15: {  	vm0 =	vgt.s32 @!p0 v0, $0x0  }
0x16: {  	v0 =	vnsel @!p0 vm0, $0x0, v0  }
0x17: {  	v0 =	vmin.u32 @!p0 v0, $0x7FF;
	_ =	sdelay $0x2  }
0x18: {  	s14 =	simm.s32 @!p0 $0x0  }
0x19: {  	s13 =	sor.u32 @!p0 $0x40, s12;
	(ifvalue) =	ssetifvalue @!p0 $0x7FFFFFFF;
	s15 =	sor.u32 @!p0 $0x10, s12;
	vm0 =	vmmov @!p0 $0xffff  }
0x1a: {  	[tilespmem:s13], [sflag:$0x1] =	stream.indirect_vreg.gather @!p0 [hbm4b:s2+s14], $0x1, v0, vm0, $0x4038;
	[tilespmem:$0x80] =	vst v63  }
0x1b: {  	v0 =	vld.msk @!p0 [tilespmem:s15+$0x0 ss:$0x1], $0xffff;
	_ =	sdelay $0x4  }
0x1c: {  	vm1 =	vgt.s32 @!p0 v0, $0x0  }
0x1d: {  	v0 =	vnsel @!p0 vm1, $0x0, v0  }
0x1e: {  	v0 =	vmin.u32 @!p0 v0, $0x7FF;
	_ =	sdelay $0x3  }
0x1f: {  	s12 =	sor.u32 @!p0 $0x50, s12;
	(ifvalue) =	ssetifvalue @!p0 $0x7FFFFFFF  }
0x20: {  	[tilespmem:s12], [sflag:$0x1] =	stream.indirect_vreg.gather @!p0 [hbm4b:s2+s14], $0x1, v0, vm0, $0x4038;
	[tilespmem:$0x80] =	vst v63  }
0x21: {  	s12 =	simm.s32 @!p0 $0x1  }
0x22: {  	_ =	swait.ge @!p0 [sflag:s12], $0x20  }
0x23: {  	s14 =	sshrl.u32 @!p0 s11, $0x3;
	[sflag:s12] =	ssyncset.done @!p0 $0x0  }
0x24: {  	s11 =	sand.u32 @!p0 $0x7, s11;
	[sflag:s12] =	ssyncadd.s32 @!p0 $0xFFFFFFE0;
	s12 =	sadd.s32 @!p0 s4, s14  }
0x25: {  	[hbm4b:s12+s11] =	stream.linear.scatter @!p0 [tilespmem:s13], [sflag:$0x3], $0x20, $0x38;
	[tilespmem:$0x80] =	vst v63  }
0x26: {  	s13 =	sadd.s32 $0x400, s10  }
0x27: {  	p1 =	sgt.s32 s13, $0x7FF  }
0x28: {  	s13 =	smov.u32 @p1 s5;
	p1 =	sne.s32 s9, s7  }
.Ltmp0:
0x29: {  	p0 =	slt.u32 s9, $0x2;
	(pc) =	sbr.rel @p1 .LBB2_1-.Ltmp0, $4  }
0x2a: {  	s12 =	simm.s32 @!p0 $0x3  }
0x2b: {  	_ =	swait.ge @!p0 [sflag:s12], $0x20  }
0x2c: {  	s8 =	sadd.s32 $0x20, s8;
	s11 =	smov.u32 s10;
	[sflag:s12] =	ssyncset.done @!p0 $0x0  }
0x2d: {  	s9 =	sadd.s32 $0x1, s9;
	s10 =	smov.u32 s13;
	[sflag:s12] =	ssyncadd.s32 @!p0 $0xFFFFFFE0  }
0x2e: {  	_ =	sfence.sel $0x180000  }
0x2f: {  	s2 =	simm.s32 $0x2;
	[bflag:$0x0] =	sbarrier.arrive $0xFFFF  }
0x30: {  	s30 =	simm.s32 $0x3;
	[sflag:s2] =	ssyncpa.u1 $0x1  }
0x31: {  	s31 =	simm.s32 $0x1;
	[sflag:s30] =	ssyncpa.u1 $0x1  }
0x32: {  	[sflag:s31] =	ssyncpa.u1 $0x1  }
0x33: {  	p0 =	sne.s32 s0, $0x0;
	_ =	strace $0x9000004A  }
0x34: {  	s0 =	sadd.s32 @!p0 $0x100000, s1;
	[bflag:$0x2] =	sbarrier.arrive $0xFFFF  }
0x35: {  	[sflag:s0] =	ssyncadd.tile.s32 @!p0 $0x1;
	_ =	shalt  }
.Lfunc_end2:
_tile_overlayer_lowered:
.L_overlay_start_2:
0x36: {  	(tag) =	ssettag $0x2  }
0x37: {  	s0 =	rddreg [dreg:$0x0];
	s2 =	stileid.u32  }
0x38: {  	s1 =	rddreg [dreg:$0x1];
	p0 =	sne.s32 s2, $0x0  }
0x39: {  	s3 =	rddreg [dreg:$0x2];
	[bflag:$0x3] =	sbarrier.arrive $0xFFFF;
	s2 =	simm.s32 @!p0 $0x1C01  }
0x3a: {  	[timem:s3], [sflag:s2] =	dma.local @!p0 [hbm:s0], s1  }
0x3b: {  	s0 =	simm.s32 @!p0 $0x1  }
0x3c: {  	_ =	swait.ge @!p0 [sflag:s0], s1  }
0x3d: {  	s1 =	ssub.s32 @!p0 $0x0, s1;
	[sflag:s0] =	ssyncset.done @!p0 $0x0  }
0x3e: {  	[sflag:s0] =	ssyncadd.s32 @!p0 s1  }
0x3f: {  	[bflag:$0x3] =	sbarrier.arrive $0xFFFF  }
0x40: {  	_ =	shalt  }

// kernel: gather_offload_async_start
scs
__scs_entry_jumppad:
0x0: {  	(pc) =	sbr.rel $0x88, $3  }
0x1: {  	(tag) =	ssettag $0x0;
	lr =	simm.s32 $0x1  }
0x2: {  	[smem:$0x3F9D] =	sst lr;
	_ =	strace $0xD0000000  }
0x3: {  	_ = 	snop  }
0x4: {  	_ = 	snop  }
0x5: {  	_ = 	snop  }
0x6: {  	_ = 	snop  }
0x7: {  	_ = 	snop  }
__scs_overlays_trampoline_lowered:
0x8: {  	[smem:$0x3FAC] =	sst s0  }
0x9: {  	[smem:$0x3FAD] =	sst s1  }
0xa: {  	[smem:$0x3FAE] =	sst s2  }
0xb: {  	[smem:$0x3FAF] =	sst s3  }
0xc: {  	[smem:$0x3FB0] =	sst s4  }
0xd: {  	[smem:$0x3FB1] =	sst s5  }
0xe: {  	[smem:$0x3FB2] =	sst s6  }
0xf: {  	[smem:$0x3FB3] =	sst s7  }
0x10: {  	[smem:$0x3FB4] =	sst s8  }
0x11: {  	[smem:$0x3FB5] =	sst s9;
	s0 =	simm.s32 @!p0 $0x0  }
0x12: {  	s1 =	sld [smem:$0x3F9B];
	s0 =	simm.s32 @p0 $0x1  }
0x13: {  	[smem:$0x3FB6] =	sst s0;
	s0 =	simm.s32 @!p1 $0x0  }
0x14: {  	s2 =	sld [smem:$0x3F9A];
	s0 =	simm.s32 @p1 $0x1  }
0x15: {  	[smem:$0x3FB7] =	sst s0;
	s0 =	simm.s32 @!p2 $0x0  }
0x16: {  	s3 =	sld [smem:$0x3FDB];
	s0 =	simm.s32 @p2 $0x1  }
0x17: {  	s4 =	simm.s32 $0x1BF5;
	[smem:$0x3FB9] =	sst s0  }
0x18: {  	s0 =	sld [smem:$0x3F9C];
	_ =	swait.ge [sflag:s4], $0x0  }
0x19: {  	s7 =	sld [smem:$0x3F9D]  }
0x1a: {  	s8 =	sadd.s32 $0xFFFFE003, lr  }
0x1b: {  	s9 =	sadd.s32 $0xFFFFFEF7, lr;
	s5 =	simm.s32 $0xFFFFFFFF;
	p2 =	slt.u32 s8, $0xFFFFF086  }
0x1c: {  	p1 =	slt.u32 s9, $0xF7A;
	s5 =	simm.s32 @!p2 $0x0  }
0x1d: {  	s5 =	simm.s32 @p1 $0x1;
	p0 =	seq.s32 s7, s2  }
0x1e: {  	s7 =	smul.u32 @!p0 $0xF7A, s2;
	p2 =	seq.s32 @!p0 s5, $0x0  }
0x1f: {  	s9 =	smul.u32 $0xF7A, s1;
	s8 =	simm.s32 @!p0 $0x1BF5;
	p2 =	por !p2, p0  }
0x20: {  	[sflag:s8] =	ssyncset.s32 @!p0 $0xFFFFF086;
	s6 =	sadd.s32 @!p0 s3, s7;
	s7 =	simm.s32 @!p0 $0x108  }
0x21: {  	s3 =	sadd.s32 s3, s9;
	s6 =	sadd.s32 @!p0 $0x88, s6;
	s7 =	simm.s32 @p2 $0x1082  }
0x22: {  	[simem:s7], [sflag:s8] =	dma.local @!p0 [hbm:s6], $0xF7A  }
0x23: {  	s9 =	sor.u32 $0xD0000000, s2;
	s6 =	simm.s32 $0x108;
	_ =	swait.ge @!p0 [sflag:s8], $0x0  }
0x24: {  	s3 =	sadd.s32 $0x88, s3;
	s6 =	simm.s32 @!p1 $0x1082;
	[sflag:s4] =	ssyncset.s32 $0xFFFFF086  }
0x25: {  	[simem:s6], [sflag:s4] =	dma.local [hbm:s3], $0xF7A  }
0x26: {  	[smem:$0x3F9D] =	sst s1;
	(tag) =	ssettag s2;
	_ =	strace s9  }
0x27: {  	s1 =	sld [smem:$0x3FAD]  }
0x28: {  	s2 =	sld [smem:$0x3FAE]  }
0x29: {  	s4 =	sld [smem:$0x3FB0]  }
0x2a: {  	p0 =	seq.s32 s5, $0x0;
	s5 =	sld [smem:$0x3FB1]  }
0x2b: {  	s6 =	sld [smem:$0x3FB2]  }
0x2c: {  	s7 =	sld [smem:$0x3FB3]  }
0x2d: {  	s3 =	simm.s32 $0x108;
	s8 =	sld [smem:$0x3FB4]  }
0x2e: {  	s3 =	simm.s32 @!p0 $0x1082;
	s9 =	sld [smem:$0x3FB5]  }
0x2f: {  	lr =	sadd.s32 s0, s3;
	s0 =	sld [smem:$0x3FAC]  }
0x30: {  	s3 =	sld [smem:$0x3FAF]  }
0x31: {  	[smem:$0x3FB8] =	sst s10  }
0x32: {  	s10 =	sld [smem:$0x3FB6];
	_ =	sdelay $0x3  }
0x33: {  	p0 =	seq.s32 s10, $0x1;
	s10 =	sld [smem:$0x3FB8];
	_ =	sdelay $0x3  }
0x34: {  	[smem:$0x3FB8] =	sst s10  }
0x35: {  	s10 =	sld [smem:$0x3FB7];
	_ =	sdelay $0x3  }
0x36: {  	p1 =	seq.s32 s10, $0x1;
	s10 =	sld [smem:$0x3FB8];
	_ =	sdelay $0x3  }
0x37: {  	[smem:$0x3FB8] =	sst s10  }
0x38: {  	s10 =	sld [smem:$0x3FB9]  }
0x39: {  	_ = 	snop;
	(pc) =	sbr.ind lr, $3  }
0x3a: {  	_ = 	snop  }
0x3b: {  	_ = 	snop  }
0x3c: {  	p2 =	seq.s32 s10, $0x1;
	s10 =	sld [smem:$0x3FB8]  }
0x3d: {  	_ =	shalt  }
0x3e: {  	_ =	shalt  }
0x3f: {  	_ =	shalt  }
0x40: {  	_ =	shalt  }
0x41: {  	_ =	shalt  }
0x42: {  	_ =	shalt  }
0x43: {  	_ =	shalt  }
0x44: {  	_ =	shalt  }
0x45: {  	_ =	shalt  }
0x46: {  	_ =	shalt  }
0x47: {  	_ =	shalt  }
0x48: {  	_ =	shalt  }
0x49: {  	_ =	shalt  }
0x4a: {  	_ =	shalt  }
0x4b: {  	_ =	shalt  }
0x4c: {  	_ =	shalt  }
0x4d: {  	_ =	shalt  }
0x4e: {  	_ =	shalt  }
0x4f: {  	_ =	shalt  }
0x50: {  	_ =	shalt  }
0x51: {  	_ =	shalt  }
0x52: {  	_ =	shalt  }
0x53: {  	_ =	shalt  }
0x54: {  	_ =	shalt  }
0x55: {  	_ =	shalt  }
0x56: {  	_ =	shalt  }
0x57: {  	_ =	shalt  }
0x58: {  	_ =	shalt  }
0x59: {  	_ =	shalt  }
0x5a: {  	_ =	shalt  }
0x5b: {  	_ =	shalt  }
0x5c: {  	_ =	shalt  }
0x5d: {  	_ =	shalt  }
0x5e: {  	_ =	shalt  }
0x5f: {  	_ =	shalt  }
0x60: {  	_ =	shalt  }
0x61: {  	_ =	shalt  }
0x62: {  	_ =	shalt  }
0x63: {  	_ =	shalt  }
0x64: {  	_ =	shalt  }
0x65: {  	_ =	shalt  }
0x66: {  	_ =	shalt  }
0x67: {  	_ =	shalt  }
0x68: {  	_ =	shalt  }
0x69: {  	_ =	shalt  }
0x6a: {  	_ =	shalt  }
0x6b: {  	_ =	shalt  }
0x6c: {  	_ =	shalt  }
0x6d: {  	_ =	shalt  }
0x6e: {  	_ =	shalt  }
0x6f: {  	_ =	shalt  }
0x70: {  	_ =	shalt  }
0x71: {  	_ =	shalt  }
0x72: {  	_ =	shalt  }
0x73: {  	_ =	shalt  }
0x74: {  	_ =	shalt  }
0x75: {  	_ =	shalt  }
0x76: {  	_ =	shalt  }
0x77: {  	_ =	shalt  }
0x78: {  	_ =	shalt  }
0x79: {  	_ =	shalt  }
0x7a: {  	_ =	shalt  }
0x7b: {  	_ =	shalt  }
0x7c: {  	_ =	shalt  }
0x7d: {  	_ =	shalt  }
0x7e: {  	_ =	shalt  }
0x7f: {  	_ =	shalt  }
0x80: {  	_ =	shalt  }
0x81: {  	_ =	shalt  }
0x82: {  	_ =	shalt  }
0x83: {  	_ =	shalt  }
0x84: {  	_ =	shalt  }
0x85: {  	_ =	shalt  }
0x86: {  	_ =	shalt  }
0x87: {  	_ =	shalt  }
.Lfunc_end0:
.L_simem_size_0:
called_computation_lowered:
.L_overlay_start_0:
0x88: {  	s2 =	sld [smem:$0x3FD9]  }
0x89: {  	s3 =	sld [smem:$0x3FFE];
	_ =	sdelay $0x1  }
0x8a: {  	s1 =	srdreg.scid  }
0x8b: {  	s0 =	sand.u32 $0x1, s1  }
0x8c: {  	s15 =	sshll.u32 s0, $0xA;
	s2 =	sadd.s32 s3, s2  }
0x8d: {  	s2 =	sadd.s32 s2, s15  }
0x8e: {  	[smem:$0x3FC4] =	sst s2  }
0x8f: {  	_ = 	snop  }
0x90: {  	s2 =	sld [smem:$0x3FD0];
	_ =	sdelay $0x2  }
0x91: {  	s16 =	simm.s32 $0xA;
	s4 =	simm.s32 $0x10  }
0x92: {  	[smem:s4], [sflag:s16] =	dma.local [hbm:s2], $0x1  }
0x93: {  	_ =	swait.eq [sflag:s16], $0x1  }
0x94: {  	[sflag:s16] =	ssyncset.done $0x0  }
0x95: {  	s5 =	sld [smem:$0x11];
	[sflag:s16] =	ssyncadd.s32 $0xFFFFFFFF  }
0x96: {  	s2 =	sadd.s32 $0x1, s2;
	s6 =	sld [smem:$0x16]  }
0x97: {  	[smem:s4], [sflag:s16] =	dma.local [hbm:s2], $0x1  }
0x98: {  	_ =	swait.eq [sflag:s16], $0x1  }
0x99: {  	[sflag:s16] =	ssyncset.done $0x0  }
0x9a: {  	[sflag:s16] =	ssyncadd.s32 $0xFFFFFFFF  }
0x9b: {  	s17 =	sld [smem:$0x10];
	(tm) =	ssettm $0x1  }
0x9c: {  	s18 =	sld [smem:$0x3FFB];
	_ =	sdelay $0x3  }
0x9d: {  	_ =	strace s18  }
0x9e: {  	s3 =	sld [smem:$0x3FFC];
	_ =	sdelay $0x3  }
0x9f: {  	_ =	strace s3  }
0xa0: {  	s3 =	sld [smem:$0x3FFD];
	_ =	sdelay $0x3  }
0xa1: {  	_ =	strace s3  }
0xa2: {  	_ =	strace $0x8FFFFFFF  }
0xa3: {  	s19 =	sld [smem:$0x3FDB];
	_ =	sdelay $0x1  }
0xa4: {  	s20 =	simm.s32 $_scs_section_size  }
0xa5: {  	s7 =	simm.s32 $_size__tile_overlayer_lowered;
	s8 =	simm.s32 $_tile_overlayer_lowered  }
0xa6: {  	s23 =	simm.s32 $0x1BFF;
	s22 =	sshll.u32 s8, $0x1;
	s3 =	sadd.s32 s20, s19  }
0xa7: {  	s9 =	simm.s32 $0x0;
	s21 =	sshll.u32 s7, $0x1;
	s7 =	sadd.s32 s22, s3  }
0xa8: {  	[timem:s9], [sflag:s23] =	dma.local [hbm:s7], s21  }
0xa9: {  	_ =	swait.ge [sflag:s23], s21  }
0xaa: {  	s4 =	ssub.s32 $0x0, s21;
	[sflag:s23] =	ssyncset.done $0x0  }
0xab: {  	[sflag:s23] =	ssyncadd.s32 s4;
	_ =	sdelay $0x1  }
0xac: {  	s24 =	simm.s32 $0x1B8B  }
0xad: {  	_ =	swait.ge [sflag:s24], $0x1  }
0xae: {  	[sflag:s24] =	ssyncset.done $0x0  }
0xaf: {  	s25 =	simm.s32 $0x1B8E;
	[sflag:s24] =	ssyncadd.s32 $0xFFFFFFFF  }
0xb0: {  	s26 =	simm.s32 $execute0_lowered;
	[smem:$0x3FD2] =	sst s25  }
0xb1: {  	s4 =	sshll.u32 s26, $0x1;
	_ =	strace $0x80000046;
	[dreg:$0x1] =	wrdreg $0xFFFFFFFF  }
0xb2: {  	s28 =	simm.s32 $_size_execute0_lowered;
	s3 =	sadd.s32 s3, s4;
	[dreg:$0x0] =	wrdreg $0x0  }
0xb3: {  	s4 =	sshll.u32 s28, $0x1;
	[dreg:$0x2] =	wrdreg s3  }
0xb4: {  	[dreg:$0x3] =	wrdreg s4  }
0xb5: {  	[dreg:$0x4] =	wrdreg $0xC0  }
0xb6: {  	_ =	task [dreg:s9], $0x5FFFF  }
0xb7: {  	[dreg:$0x1] =	wrdreg $0xFFFFFFFF  }
0xb8: {  	[dreg:$0x0] =	wrdreg $0x60  }
0xb9: {  	[dreg:$0x2] =	wrdreg s17  }
0xba: {  	[dreg:$0x3] =	wrdreg s6  }
0xbb: {  	[dreg:$0x4] =	wrdreg s5  }
0xbc: {  	[dreg:$0x5] =	wrdreg $0x9  }
0xbd: {  	_ =	task.clear_ibuf [dreg:s9], $0x6FFFF;
	_ =	strace $0x90000046  }
0xbe: {  	s29 =	simm.s32 $0x9;
	_ =	strace $0x80000048  }
0xbf: {  	_ =	swait.ge [sflag:s29], $0x1  }
0xc0: {  	[sflag:s29] =	ssyncadd.s32 $0xFFFFFFFF  }
0xc1: {  	_ =	strace $0x90000048  }
0xc2: {  	_ =	sfence  }
0xc3: {  	s30 =	sld [smem:$0x0];
	_ =	sdelay $0x2  }
0xc4: {  	s31 =	sshll.u32 s1, $0xD;
	s1 =	sshrl.u32 s1, $0x2  }
0xc5: {  	s3 =	sand.u32 $0x4000, s31;
	s1 =	sadd.s32 s1, s30  }
0xc6: {  	s0 =	sor.u32 s3, s0;
	s1 =	sshll.u32 s1, $0x11  }
0xc7: {  	s0 =	sor.u32 s1, s0  }
0xc8: {  	s0 =	sadd.s32 $0x8F2B, s0  }
0xc9: {  	[sflag:s0] =	ssyncadd.remote.s32 $0x1  }
0xca: {  	_ =	sfence.sel $0xFFFF  }
0xcb: {  	[dreg:$0x0] =	wrdreg $0xFFFFFFFF;
	(pc) =	sbr.abs _section_cstart, $3  }
0xcc: {  	[dreg:$0x1] =	wrdreg $0xFFFFFFFF  }
0xcd: {  	_ =	task.clear_ibuf [dreg:s9], $0x2FFFF;
	_ =	strace $0x9FFFFFFF  }
0xce: {  	(tm) =	ssettm $0x7FFFFFFF  }
0xcf: {  	_ =	shalt  }
tec
execute0_lowered:
.L_overlay_start_1:
0x0: {  	(tag) =	ssettag $0x1  }
0x1: {  	s1 =	srdreg.scid  }
0x2: {  	s2 =	rddreg [dreg:$0x0];
	s0 =	stileid.u32;
	s1 =	sshll.u32 s1, $0x5  }
0x3: {  	s3 =	rddreg [dreg:$0x1];
	s5 =	sshll.u32 s0, $0x6;
	s1 =	sand.u32 $0x20, s1  }
0x4: {  	s4 =	rddreg [dreg:$0x2];
	s7 =	simm.s32 $0x1;
	s5 =	sor.u32 s5, s1  }
0x5: {  	s30 =	simm.s32 $0x2;
	s31 =	simm.s32 $0x3;
	s6 =	ssub.s32 $0x800, s5  }
0x6: {  	s11 =	simm.s32 $0x0;
	s9 =	simm.s32 $0x0;
	s8 =	sand.u32 $0x3E0, s6  }
0x7: {  	s1 =	rddreg [dreg:$0x3];
	_ =	strace $0x80000047;
	p0 =	sne.s32 s8, $0x0  }
0x8: {  	[sflag:s7] =	ssyncpa.u1 $0x0;
	s6 =	sshrl.u32 s6, $0xA;
	s7 =	simm.s32 @!p0 $0x0  }
0x9: {  	s10 =	smov.u32 s5;
	[sflag:s30] =	ssyncpa.u1 $0x0;
	s6 =	sadd.s32 s7, s6  }
0xa: {  	[sflag:s31] =	ssyncpa.u1 $0x0;
	s8 =	simm.s32 $0x0;
	s7 =	sadd.s32 $0x1, s6  }
.LBB2_1:
0xb: {  	p0 =	sge.u32 s9, s6  }
0xc: {  	s31 =	sadd.s32 $0xFFFFFFFF, s9;
	s12 =	sxor.u32 @!p0 $0xFFFFFFFF, s8;
	s13 =	sshrl.u32 @!p0 s10, $0x3  }
0xd: {  	s14 =	sand.u32 @!p0 $0x7, s10;
	s12 =	sand.u32 @!p0 $0x20, s12;
	s13 =	sadd.s32 @!p0 s3, s13  }
0xe: {  	[tilespmem:s12], [sflag:$0x2] =	stream.linear.gather @!p0 [hbm4b:s13+s14], $0x20, $0x38;
	[tilespmem:$0x80] =	vst v63  }
0xf: {  	p0 =	sge.u32 s31, s6  }
0x10: {  	s12 =	simm.s32 @!p0 $0x2  }
0x11: {  	_ =	swait.ge @!p0 [sflag:s12], $0x20  }
0x12: {  	[sflag:s12] =	ssyncset.done @!p0 $0x0  }
0x13: {  	[sflag:s12] =	ssyncadd.s32 @!p0 $0xFFFFFFE0;
	s12 =	sand.u32 @!p0 $0x20, s8  }
0x14: {  	(ifvalue) =	ssetifvalue @!p0 $0x7FFFFFFF;
	v0 =	vld.msk @!p0 [tilespmem:s12+$0x0 ss:$0x1], $0xffff;
	_ =	sdelay $0x4  }
0x15: {  	vm0 =	vgt.s32 @!p0 v0, $0x0  }
0x16: {  	v0 =	vnsel @!p0 vm0, $0x0, v0  }
0x17: {  	v0 =	vmin.u32 @!p0 v0, $0x7FF;
	_ =	sdelay $0x2  }
0x18: {  	s14 =	simm.s32 @!p0 $0x0  }
0x19: {  	s13 =	sor.u32 @!p0 $0x40, s12;
	(ifvalue) =	ssetifvalue @!p0 $0x7FFFFFFF;
	s15 =	sor.u32 @!p0 $0x10, s12;
	vm0 =	vmmov @!p0 $0xffff  }
0x1a: {  	[tilespmem:s13], [sflag:$0x1] =	stream.indirect_vreg.gather @!p0 [hbm4b:s2+s14], $0x1, v0, vm0, $0x4038;
	[tilespmem:$0x80] =	vst v63  }
0x1b: {  	v0 =	vld.msk @!p0 [tilespmem:s15+$0x0 ss:$0x1], $0xffff;
	_ =	sdelay $0x4  }
0x1c: {  	vm1 =	vgt.s32 @!p0 v0, $0x0  }
0x1d: {  	v0 =	vnsel @!p0 vm1, $0x0, v0  }
0x1e: {  	v0 =	vmin.u32 @!p0 v0, $0x7FF;
	_ =	sdelay $0x3  }
0x1f: {  	s12 =	sor.u32 @!p0 $0x50, s12;
	(ifvalue) =	ssetifvalue @!p0 $0x7FFFFFFF  }
0x20: {  	[tilespmem:s12], [sflag:$0x1] =	stream.indirect_vreg.gather @!p0 [hbm4b:s2+s14], $0x1, v0, vm0, $0x4038;
	[tilespmem:$0x80] =	vst v63  }
0x21: {  	s12 =	simm.s32 @!p0 $0x1  }
0x22: {  	_ =	swait.ge @!p0 [sflag:s12], $0x20  }
0x23: {  	s14 =	sshrl.u32 @!p0 s11, $0x3;
	[sflag:s12] =	ssyncset.done @!p0 $0x0  }
0x24: {  	s11 =	sand.u32 @!p0 $0x7, s11;
	[sflag:s12] =	ssyncadd.s32 @!p0 $0xFFFFFFE0;
	s12 =	sadd.s32 @!p0 s4, s14  }
0x25: {  	[hbm4b:s12+s11] =	stream.linear.scatter @!p0 [tilespmem:s13], [sflag:$0x3], $0x20, $0x38;
	[tilespmem:$0x80] =	vst v63  }
0x26: {  	s13 =	sadd.s32 $0x400, s10  }
0x27: {  	p1 =	sgt.s32 s13, $0x7FF  }
0x28: {  	s13 =	smov.u32 @p1 s5;
	p1 =	sne.s32 s9, s7  }
.Ltmp0:
0x29: {  	p0 =	slt.u32 s9, $0x2;
	(pc) =	sbr.rel @p1 .LBB2_1-.Ltmp0, $4  }
0x2a: {  	s12 =	simm.s32 @!p0 $0x3  }
0x2b: {  	_ =	swait.ge @!p0 [sflag:s12], $0x20  }
0x2c: {  	s8 =	sadd.s32 $0x20, s8;
	s11 =	smov.u32 s10;
	[sflag:s12] =	ssyncset.done @!p0 $0x0  }
0x2d: {  	s9 =	sadd.s32 $0x1, s9;
	s10 =	smov.u32 s13;
	[sflag:s12] =	ssyncadd.s32 @!p0 $0xFFFFFFE0  }
0x2e: {  	_ =	sfence.sel $0x180000  }
0x2f: {  	s2 =	simm.s32 $0x2;
	[bflag:$0x0] =	sbarrier.arrive $0xFFFF  }
0x30: {  	s30 =	simm.s32 $0x3;
	[sflag:s2] =	ssyncpa.u1 $0x1  }
0x31: {  	s31 =	simm.s32 $0x1;
	[sflag:s30] =	ssyncpa.u1 $0x1  }
0x32: {  	[sflag:s31] =	ssyncpa.u1 $0x1  }
0x33: {  	p0 =	sne.s32 s0, $0x0;
	_ =	strace $0x90000047  }
0x34: {  	s0 =	sadd.s32 @!p0 $0x100000, s1;
	[bflag:$0x2] =	sbarrier.arrive $0xFFFF  }
0x35: {  	[sflag:s0] =	ssyncadd.tile.s32 @!p0 $0x1;
	_ =	shalt  }
.Lfunc_end2:
_tile_overlayer_lowered:
.L_overlay_start_2:
0x36: {  	(tag) =	ssettag $0x2  }
0x37: {  	s0 =	rddreg [dreg:$0x0];
	s2 =	stileid.u32  }
0x38: {  	s1 =	rddreg [dreg:$0x1];
	p0 =	sne.s32 s2, $0x0  }
0x39: {  	s3 =	rddreg [dreg:$0x2];
	[bflag:$0x3] =	sbarrier.arrive $0xFFFF;
	s2 =	simm.s32 @!p0 $0x1C01  }
0x3a: {  	[timem:s3], [sflag:s2] =	dma.local @!p0 [hbm:s0], s1  }
0x3b: {  	s0 =	simm.s32 @!p0 $0x1  }
0x3c: {  	_ =	swait.ge @!p0 [sflag:s0], s1  }
0x3d: {  	s1 =	ssub.s32 @!p0 $0x0, s1;
	[sflag:s0] =	ssyncset.done @!p0 $0x0  }
0x3e: {  	[sflag:s0] =	ssyncadd.s32 @!p0 s1  }
0x3f: {  	[bflag:$0x3] =	sbarrier.arrive $0xFFFF  }
0x40: {  	_ =	shalt  }

// kernel: kernel.4.cloned.1.call-start
scs
__scs_entry_jumppad:
0x0: {  	(pc) =	sbr.rel $0x88, $3  }
0x1: {  	(tag) =	ssettag $0x0;
	lr =	simm.s32 $0x1  }
0x2: {  	[smem:$0x3F9D] =	sst lr;
	_ =	strace $0xD0000000  }
0x3: {  	_ = 	snop  }
0x4: {  	_ = 	snop  }
0x5: {  	_ = 	snop  }
0x6: {  	_ = 	snop  }
0x7: {  	_ = 	snop  }
__scs_overlays_trampoline_lowered:
0x8: {  	[smem:$0x3FAC] =	sst s0  }
0x9: {  	[smem:$0x3FAD] =	sst s1  }
0xa: {  	[smem:$0x3FAE] =	sst s2  }
0xb: {  	[smem:$0x3FAF] =	sst s3  }
0xc: {  	[smem:$0x3FB0] =	sst s4  }
0xd: {  	[smem:$0x3FB1] =	sst s5  }
0xe: {  	[smem:$0x3FB2] =	sst s6  }
0xf: {  	[smem:$0x3FB3] =	sst s7  }
0x10: {  	[smem:$0x3FB4] =	sst s8  }
0x11: {  	[smem:$0x3FB5] =	sst s9;
	s0 =	simm.s32 @!p0 $0x0  }
0x12: {  	s1 =	sld [smem:$0x3F9B];
	s0 =	simm.s32 @p0 $0x1  }
0x13: {  	[smem:$0x3FB6] =	sst s0;
	s0 =	simm.s32 @!p1 $0x0  }
0x14: {  	s2 =	sld [smem:$0x3F9A];
	s0 =	simm.s32 @p1 $0x1  }
0x15: {  	[smem:$0x3FB7] =	sst s0;
	s0 =	simm.s32 @!p2 $0x0  }
0x16: {  	s3 =	sld [smem:$0x3FDB];
	s0 =	simm.s32 @p2 $0x1  }
0x17: {  	s4 =	simm.s32 $0x1BF5;
	[smem:$0x3FB9] =	sst s0  }
0x18: {  	s0 =	sld [smem:$0x3F9C];
	_ =	swait.ge [sflag:s4], $0x0  }
0x19: {  	s7 =	sld [smem:$0x3F9D]  }
0x1a: {  	s8 =	sadd.s32 $0xFFFFE003, lr  }
0x1b: {  	s9 =	sadd.s32 $0xFFFFFEF7, lr;
	s5 =	simm.s32 $0xFFFFFFFF;
	p2 =	slt.u32 s8, $0xFFFFF086  }
0x1c: {  	p1 =	slt.u32 s9, $0xF7A;
	s5 =	simm.s32 @!p2 $0x0  }
0x1d: {  	s5 =	simm.s32 @p1 $0x1;
	p0 =	seq.s32 s7, s2  }
0x1e: {  	s7 =	smul.u32 @!p0 $0xF7A, s2;
	p2 =	seq.s32 @!p0 s5, $0x0  }
0x1f: {  	s9 =	smul.u32 $0xF7A, s1;
	s8 =	simm.s32 @!p0 $0x1BF5;
	p2 =	por !p2, p0  }
0x20: {  	[sflag:s8] =	ssyncset.s32 @!p0 $0xFFFFF086;
	s6 =	sadd.s32 @!p0 s3, s7;
	s7 =	simm.s32 @!p0 $0x108  }
0x21: {  	s3 =	sadd.s32 s3, s9;
	s6 =	sadd.s32 @!p0 $0x88, s6;
	s7 =	simm.s32 @p2 $0x1082  }
0x22: {  	[simem:s7], [sflag:s8] =	dma.local @!p0 [hbm:s6], $0xF7A  }
0x23: {  	s9 =	sor.u32 $0xD0000000, s2;
	s6 =	simm.s32 $0x108;
	_ =	swait.ge @!p0 [sflag:s8], $0x0  }
0x24: {  	s3 =	sadd.s32 $0x88, s3;
	s6 =	simm.s32 @!p1 $0x1082;
	[sflag:s4] =	ssyncset.s32 $0xFFFFF086  }
0x25: {  	[simem:s6], [sflag:s4] =	dma.local [hbm:s3], $0xF7A  }
0x26: {  	[smem:$0x3F9D] =	sst s1;
	(tag) =	ssettag s2;
	_ =	strace s9  }
0x27: {  	s1 =	sld [smem:$0x3FAD]  }
0x28: {  	s2 =	sld [smem:$0x3FAE]  }
0x29: {  	s4 =	sld [smem:$0x3FB0]  }
0x2a: {  	p0 =	seq.s32 s5, $0x0;
	s5 =	sld [smem:$0x3FB1]  }
0x2b: {  	s6 =	sld [smem:$0x3FB2]  }
0x2c: {  	s7 =	sld [smem:$0x3FB3]  }
0x2d: {  	s3 =	simm.s32 $0x108;
	s8 =	sld [smem:$0x3FB4]  }
0x2e: {  	s3 =	simm.s32 @!p0 $0x1082;
	s9 =	sld [smem:$0x3FB5]  }
0x2f: {  	lr =	sadd.s32 s0, s3;
	s0 =	sld [smem:$0x3FAC]  }
0x30: {  	s3 =	sld [smem:$0x3FAF]  }
0x31: {  	[smem:$0x3FB8] =	sst s10  }
0x32: {  	s10 =	sld [smem:$0x3FB6];
	_ =	sdelay $0x3  }
0x33: {  	p0 =	seq.s32 s10, $0x1;
	s10 =	sld [smem:$0x3FB8];
	_ =	sdelay $0x3  }
0x34: {  	[smem:$0x3FB8] =	sst s10  }
0x35: {  	s10 =	sld [smem:$0x3FB7];
	_ =	sdelay $0x3  }
0x36: {  	p1 =	seq.s32 s10, $0x1;
	s10 =	sld [smem:$0x3FB8];
	_ =	sdelay $0x3  }
0x37: {  	[smem:$0x3FB8] =	sst s10  }
0x38: {  	s10 =	sld [smem:$0x3FB9]  }
0x39: {  	_ = 	snop;
	(pc) =	sbr.ind lr, $3  }
0x3a: {  	_ = 	snop  }
0x3b: {  	_ = 	snop  }
0x3c: {  	p2 =	seq.s32 s10, $0x1;
	s10 =	sld [smem:$0x3FB8]  }
0x3d: {  	_ =	shalt  }
0x3e: {  	_ =	shalt  }
0x3f: {  	_ =	shalt  }
0x40: {  	_ =	shalt  }
0x41: {  	_ =	shalt  }
0x42: {  	_ =	shalt  }
0x43: {  	_ =	shalt  }
0x44: {  	_ =	shalt  }
0x45: {  	_ =	shalt  }
0x46: {  	_ =	shalt  }
0x47: {  	_ =	shalt  }
0x48: {  	_ =	shalt  }
0x49: {  	_ =	shalt  }
0x4a: {  	_ =	shalt  }
0x4b: {  	_ =	shalt  }
0x4c: {  	_ =	shalt  }
0x4d: {  	_ =	shalt  }
0x4e: {  	_ =	shalt  }
0x4f: {  	_ =	shalt  }
0x50: {  	_ =	shalt  }
0x51: {  	_ =	shalt  }
0x52: {  	_ =	shalt  }
0x53: {  	_ =	shalt  }
0x54: {  	_ =	shalt  }
0x55: {  	_ =	shalt  }
0x56: {  	_ =	shalt  }
0x57: {  	_ =	shalt  }
0x58: {  	_ =	shalt  }
0x59: {  	_ =	shalt  }
0x5a: {  	_ =	shalt  }
0x5b: {  	_ =	shalt  }
0x5c: {  	_ =	shalt  }
0x5d: {  	_ =	shalt  }
0x5e: {  	_ =	shalt  }
0x5f: {  	_ =	shalt  }
0x60: {  	_ =	shalt  }
0x61: {  	_ =	shalt  }
0x62: {  	_ =	shalt  }
0x63: {  	_ =	shalt  }
0x64: {  	_ =	shalt  }
0x65: {  	_ =	shalt  }
0x66: {  	_ =	shalt  }
0x67: {  	_ =	shalt  }
0x68: {  	_ =	shalt  }
0x69: {  	_ =	shalt  }
0x6a: {  	_ =	shalt  }
0x6b: {  	_ =	shalt  }
0x6c: {  	_ =	shalt  }
0x6d: {  	_ =	shalt  }
0x6e: {  	_ =	shalt  }
0x6f: {  	_ =	shalt  }
0x70: {  	_ =	shalt  }
0x71: {  	_ =	shalt  }
0x72: {  	_ =	shalt  }
0x73: {  	_ =	shalt  }
0x74: {  	_ =	shalt  }
0x75: {  	_ =	shalt  }
0x76: {  	_ =	shalt  }
0x77: {  	_ =	shalt  }
0x78: {  	_ =	shalt  }
0x79: {  	_ =	shalt  }
0x7a: {  	_ =	shalt  }
0x7b: {  	_ =	shalt  }
0x7c: {  	_ =	shalt  }
0x7d: {  	_ =	shalt  }
0x7e: {  	_ =	shalt  }
0x7f: {  	_ =	shalt  }
0x80: {  	_ =	shalt  }
0x81: {  	_ =	shalt  }
0x82: {  	_ =	shalt  }
0x83: {  	_ =	shalt  }
0x84: {  	_ =	shalt  }
0x85: {  	_ =	shalt  }
0x86: {  	_ =	shalt  }
0x87: {  	_ =	shalt  }
.Lfunc_end0:
.L_simem_size_0:
called_computation.2_lowered:
.L_overlay_start_0:
0x88: {  	s2 =	sld [smem:$0x3FD9]  }
0x89: {  	s3 =	sld [smem:$0x3FFE];
	_ =	sdelay $0x1  }
0x8a: {  	s1 =	srdreg.scid  }
0x8b: {  	s0 =	sand.u32 $0x1, s1  }
0x8c: {  	s14 =	sshll.u32 s0, $0xA;
	s2 =	sadd.s32 s3, s2  }
0x8d: {  	s2 =	sadd.s32 s2, s14  }
0x8e: {  	[smem:$0x3FC4] =	sst s2  }
0x8f: {  	_ = 	snop  }
0x90: {  	s2 =	sld [smem:$0x3FD0];
	_ =	sdelay $0x1  }
0x91: {  	s15 =	sld [smem:$0x3FC9]  }
0x92: {  	s5 =	simm.s32 $0xA;
	s6 =	simm.s32 $0x10;
	s4 =	sld [smem:$0x3FC8]  }
0x93: {  	[smem:s6], [sflag:s5] =	dma.local [hbm:s2], $0x1  }
0x94: {  	_ =	swait.eq [sflag:s5], $0x1  }
0x95: {  	[sflag:s5] =	ssyncset.done $0x0  }
0x96: {  	s7 =	sld [smem:$0x16];
	[sflag:s5] =	ssyncadd.s32 $0xFFFFFFFF  }
0x97: {  	s2 =	sadd.s32 $0x1, s2;
	s8 =	sld [smem:$0x17]  }
0x98: {  	[smem:s6], [sflag:s5] =	dma.local [hbm:s2], $0x1  }
0x99: {  	_ =	swait.eq [sflag:s5], $0x1  }
0x9a: {  	[sflag:s5] =	ssyncset.done $0x0  }
0x9b: {  	s16 =	sld [smem:$0x10];
	[sflag:s5] =	ssyncadd.s32 $0xFFFFFFFF  }
0x9c: {  	s17 =	sld [smem:$0x11];
	(tm) =	ssettm $0x1  }
0x9d: {  	s18 =	sld [smem:$0x3FFB];
	_ =	sdelay $0x3  }
0x9e: {  	_ =	strace s18  }
0x9f: {  	s6 =	sld [smem:$0x3FFC];
	_ =	sdelay $0x3  }
0xa0: {  	_ =	strace s6  }
0xa1: {  	s6 =	sld [smem:$0x3FFD];
	_ =	sdelay $0x3  }
0xa2: {  	_ =	strace s6  }
0xa3: {  	_ =	strace $0x8FFFFFFF  }
0xa4: {  	s19 =	sld [smem:$0x3FDB];
	_ =	sdelay $0x1  }
0xa5: {  	s9 =	simm.s32 $_scs_section_size  }
0xa6: {  	s10 =	simm.s32 $_size__tile_overlayer_lowered;
	s11 =	simm.s32 $_tile_overlayer_lowered  }
0xa7: {  	s22 =	simm.s32 $0x1BFF;
	s21 =	sshll.u32 s11, $0x1;
	s6 =	sadd.s32 s9, s19  }
0xa8: {  	s12 =	simm.s32 $0x0;
	s20 =	sshll.u32 s10, $0x1;
	s10 =	sadd.s32 s21, s6  }
0xa9: {  	[timem:s12], [sflag:s22] =	dma.local [hbm:s10], s20  }
0xaa: {  	_ =	swait.ge [sflag:s22], s20  }
0xab: {  	s9 =	ssub.s32 $0x0, s20;
	[sflag:s22] =	ssyncset.done $0x0  }
0xac: {  	[sflag:s22] =	ssyncadd.s32 s9;
	_ =	sdelay $0x1  }
0xad: {  	s23 =	simm.s32 $0x1B8B  }
0xae: {  	_ =	swait.ge [sflag:s23], $0x1  }
0xaf: {  	[sflag:s23] =	ssyncset.done $0x0  }
0xb0: {  	s25 =	simm.s32 $0x1B8E;
	s24 =	sld [smem:$0x3FFE];
	[sflag:s23] =	ssyncadd.s32 $0xFFFFFFFF  }
0xb1: {  	s26 =	simm.s32 $execute0_lowered;
	[smem:$0x3FD2] =	sst s25  }
0xb2: {  	s10 =	sshll.u32 s26, $0x1;
	_ =	strace $0x8000004C;
	[dreg:$0x1] =	wrdreg $0xFFFFFFFF  }
0xb3: {  	s28 =	simm.s32 $_size_execute0_lowered;
	s6 =	sadd.s32 s6, s10;
	[dreg:$0x0] =	wrdreg $0x0  }
0xb4: {  	s10 =	sshll.u32 s28, $0x1;
	[dreg:$0x2] =	wrdreg s6  }
0xb5: {  	[dreg:$0x3] =	wrdreg s10  }
0xb6: {  	[dreg:$0x4] =	wrdreg $0xC0  }
0xb7: {  	_ =	task [dreg:s12], $0x5FFFF  }
0xb8: {  	[dreg:$0x1] =	wrdreg $0xFFFFFFFF  }
0xb9: {  	[dreg:$0x0] =	wrdreg $0x60  }
0xba: {  	[dreg:$0x2] =	wrdreg s15  }
0xbb: {  	[dreg:$0x3] =	wrdreg s4  }
0xbc: {  	[dreg:$0x4] =	wrdreg s24  }
0xbd: {  	[dreg:$0x5] =	wrdreg s16  }
0xbe: {  	[dreg:$0x6] =	wrdreg s7  }
0xbf: {  	[dreg:$0x7] =	wrdreg s17  }
0xc0: {  	[dreg:$0x8] =	wrdreg s8  }
0xc1: {  	[dreg:$0x9] =	wrdreg $0x9  }
0xc2: {  	_ =	task.clear_ibuf [dreg:s12], $0xAFFFF;
	_ =	strace $0x9000004C  }
0xc3: {  	s29 =	simm.s32 $0x9;
	_ =	strace $0x8000004E  }
0xc4: {  	_ =	swait.ge [sflag:s29], $0x1  }
0xc5: {  	[sflag:s29] =	ssyncadd.s32 $0xFFFFFFFF  }
0xc6: {  	_ =	strace $0x9000004E  }
0xc7: {  	_ =	sfence  }
0xc8: {  	s30 =	sld [smem:$0x0];
	_ =	sdelay $0x2  }
0xc9: {  	s31 =	sshll.u32 s1, $0xD;
	s1 =	sshrl.u32 s1, $0x2  }
0xca: {  	s3 =	sand.u32 $0x4000, s31;
	s1 =	sadd.s32 s1, s30  }
0xcb: {  	s0 =	sor.u32 s3, s0;
	s1 =	sshll.u32 s1, $0x11  }
0xcc: {  	s0 =	sor.u32 s1, s0  }
0xcd: {  	s0 =	sadd.s32 $0x8F2B, s0  }
0xce: {  	[sflag:s0] =	ssyncadd.remote.s32 $0x1  }
0xcf: {  	_ =	sfence.sel $0xFFFF  }
0xd0: {  	[dreg:$0x0] =	wrdreg $0xFFFFFFFF;
	(pc) =	sbr.abs _section_cstart, $3  }
0xd1: {  	[dreg:$0x1] =	wrdreg $0xFFFFFFFF  }
0xd2: {  	_ =	task.clear_ibuf [dreg:s12], $0x2FFFF;
	_ =	strace $0x9FFFFFFF  }
0xd3: {  	(tm) =	ssettm $0x7FFFFFFF  }
tec
execute0_lowered:
.L_overlay_start_1:
0x0: {  	(tag) =	ssettag $0x1  }
0x1: {  	s0 =	rddreg [dreg:$0x0]  }
0x2: {  	s1 =	rddreg [dreg:$0x1]  }
0x3: {  	s5 =	rddreg [dreg:$0x2]  }
0x4: {  	s6 =	rddreg [dreg:$0x3]  }
0x5: {  	s7 =	rddreg [dreg:$0x4]  }
0x6: {  	s8 =	rddreg [dreg:$0x5]  }
0x7: {  	s9 =	rddreg [dreg:$0x6]  }
0x8: {  	s3 =	srdreg.scid;
	s4 =	stileid.u32;
	s2 =	simm.s32 $0x0  }
0x9: {  	s16 =	simm.s32 $0x2;
	s28 =	simm.s32 $0x480;
	s30 =	simm.s32 $0x500  }
0xa: {  	s29 =	simm.s32 $0x0;
	s10 =	sand.u32 $0x1, s3;
	s17 =	sshll.u32 s4, $0x1  }
0xb: {  	[smem:$0x7FF] =	sst s2;
	s3 =	sadd.s32 $0x1200, s5;
	s4 =	sadd.s32 $0x3200, s5  }
0xc: {  	s11 =	sor.u32 s10, s17;
	_ =	strace $0x8000004D;
	s10 =	ssub.s32 $0x2, s10  }
0xd: {  	s17 =	simm.s32 $0x80;
	s12 =	sshll.u32 s11, $0x5;
	s14 =	sshll.u32 s11, $0x7  }
0xe: {  	s15 =	sshrl.u32 s10, $0x1;
	s11 =	sshll.u32 s11, $0x2;
	s13 =	sadd.s32 s12, s5  }
0xf: {  	s5 =	sadd.s32 s14, s5;
	s10 =	ssub.s32 s10, s15;
	s0 =	sadd.s32 s0, s11  }
0x10: {  	s18 =	sadd.s32 s6, s12;
	s19 =	sadd.s32 s7, s12;
	[dreg:$0x8] =	wrdreg s0  }
0x11: {  	s20 =	sadd.s32 s8, s14;
	s21 =	sadd.s32 s9, s14;
	[dreg:$0x9] =	wrdreg s18  }
0x12: {  	s22 =	sadd.s32 s1, s11;
	s11 =	simm.s32 $0x200;
	[dreg:$0xa] =	wrdreg s19  }
0x13: {  	s7 =	simm.s32 $0x680;
	s9 =	simm.s32 $0x700;
	[dreg:$0xb] =	wrdreg s20  }
0x14: {  	s12 =	simm.s32 $0xC80;
	s14 =	simm.s32 $0xE00;
	[dreg:$0xc] =	wrdreg s21  }
0x15: {  	s15 =	simm.s32 $0xE80;
	[dreg:$0xd] =	wrdreg s22;
	s23 =	sadd.s32 $0x7200, s13  }
0x16: {  	s24 =	sadd.s32 $0x7600, s13;
	s25 =	sadd.s32 $0x5200, s5;
	s26 =	sadd.s32 $0x6200, s5  }
0x17: {  	s31 =	smax.u32 s10, $0x1;
	s18 =	simm.s32 $0x100;
	[dreg:$0xe] =	wrdreg s23  }
0x18: {  	s20 =	simm.s32 $0x1;
	s21 =	simm.s32 $0x280;
	[dreg:$0xf] =	wrdreg s24  }
0x19: {  	s0 =	simm.s32 $0x580;
	s5 =	simm.s32 $0x600;
	[dreg:$0x10] =	wrdreg s25  }
0x1a: {  	s19 =	simm.s32 $0xB80;
	s13 =	simm.s32 $0xD00;
	[dreg:$0x11] =	wrdreg s26  }
0x1b: {  	s22 =	simm.s32 $0xD80;
	[dreg:$0x12] =	wrdreg s31;
	s23 =	simm.s32 $0x380  }
0x1c: {  	s24 =	simm.s32 $0x780;
	s25 =	simm.s32 $0x400;
	s26 =	simm.s32 $0xF00  }
.LBB2_1:
0x1d: {  	s1 =	rddreg [dreg:$0x8]  }
0x1e: {  	[tilespmem:s2], [sflag:$0x2] =	stream.linear.gather [hbm4b:s1+s2], $0x20, $0x38;
	[tilespmem:$0xF80] =	vst v63  }
0x1f: {  	_ =	swait.ge [sflag:s16], $0x20  }
0x20: {  	[sflag:s16] =	ssyncset.done $0x0  }
0x21: {  	[sflag:s16] =	ssyncadd.s32 $0xFFFFFFE0  }
0x22: {  	v0 =	vld [tilespmem:$0x0]  }
0x23: {  	v1 =	vld [tilespmem:$0x10]  }
0x24: {  	v2 =	vld [tilespmem:$0x0]  }
0x25: {  	v3 =	vld [tilespmem:$0x10]  }
0x26: {  	v4 =	vld [tilespmem:$0x0]  }
0x27: {  	v5 =	vld [tilespmem:$0x10]  }
0x28: {  	[tilespmem:$0x80] =	vst v0;
	v0 =	vld [tilespmem:$0x0]  }
0x29: {  	[tilespmem:$0x90] =	vst v1;
	v1 =	vadd.s32 $0x2000, v2;
	v2 =	vld [tilespmem:$0x10]  }
0x2a: {  	[tilespmem:$0xA0] =	vst v1;
	v1 =	vadd.s32 $0x2000, v3;
	v3 =	vld [tilespmem:$0x0]  }
0x2b: {  	v57 =	vld [tilespmem:$0x10];
	[tilespmem:$0xB0] =	vst v1;
	v1 =	vadd.s32 $0x4000, v4  }
0x2c: {  	v58 =	vld [tilespmem:$0x0];
	[tilespmem:$0xC0] =	vst v1;
	v1 =	vadd.s32 $0x4000, v5  }
0x2d: {  	[tilespmem:$0xD0] =	vst v1;
	v1 =	vld [tilespmem:$0x10];
	v0 =	vadd.s32 $0x6000, v0  }
0x2e: {  	[tilespmem:$0xE0] =	vst v0;
	v0 =	vadd.s32 $0x6000, v2;
	v2 =	vld [tilespmem:$0x0]  }
0x2f: {  	[tilespmem:$0xF0] =	vst v0;
	v0 =	vadd.s32 $0x8000, v3;
	v3 =	vld [tilespmem:$0x10]  }
0x30: {  	v59 =	vld [tilespmem:$0x0];
	[tilespmem:$0x100] =	vst v0;
	v0 =	vadd.s32 $0x8000, v57  }
0x31: {  	v60 =	vld [tilespmem:$0x10];
	[tilespmem:$0x110] =	vst v0;
	v0 =	vadd.s32 $0xA000, v58  }
0x32: {  	[tilespmem:$0x120] =	vst v0;
	v0 =	vadd.s32 $0xA000, v1  }
0x33: {  	[tilespmem:$0x130] =	vst v0;
	v0 =	vadd.s32 $0xC000, v2  }
0x34: {  	[tilespmem:$0x140] =	vst v0;
	v0 =	vadd.s32 $0xC000, v3  }
0x35: {  	[tilespmem:$0x150] =	vst v0;
	v0 =	vadd.s32 $0xE000, v59  }
0x36: {  	[tilespmem:$0x160] =	vst v0;
	v0 =	vadd.s32 $0xE000, v60  }
0x37: {  	s31 =	simm.s32 $0x180;
	[tilespmem:$0x170] =	vst v0  }
0x38: {  	[tilespmem:s31], [sflag:$0x1] =	stream.indirect.gather [hbm4b:s3+s17], $0x1, s17, s17, $0xb8;
	[tilespmem:$0xF80] =	vst v63  }
0x39: {  	_ = 	snop  }
0x3a: {  	[tilespmem:s11], [sflag:$0x1] =	stream.indirect.gather [hbm4b:s3+s17], $0x1, s18, s17, $0xb8;
	[tilespmem:$0xF80] =	vst v63  }
0x3b: {  	_ =	swait.ge [sflag:s20], $0x80  }
0x3c: {  	[sflag:s20] =	ssyncset.done $0x0  }
0x3d: {  	[sflag:s20] =	ssyncadd.s32 $0xFFFFFF80  }
0x3e: {  	_ =	swait.ge [sflag:s20], $0x80  }
0x3f: {  	[sflag:s20] =	ssyncset.done $0x0  }
0x40: {  	[sflag:s20] =	ssyncadd.s32 $0xFFFFFF80  }
0x41: {  	[tilespmem:s21], [sflag:$0x1] =	stream.indirect.gather [hbm4b:s4+s17], $0x1, s17, s17, $0xb8;
	[tilespmem:$0xF80] =	vst v63  }
0x42: {  	s6 =	simm.s32 $0x300  }
0x43: {  	[tilespmem:s6], [sflag:$0x1] =	stream.indirect.gather [hbm4b:s4+s17], $0x1, s18, s17, $0xb8;
	[tilespmem:$0xF80] =	vst v63  }
0x44: {  	_ =	swait.ge [sflag:s20], $0x80  }
0x45: {  	[sflag:s20] =	ssyncset.done $0x0  }
0x46: {  	[sflag:s20] =	ssyncadd.s32 $0xFFFFFF80  }
0x47: {  	_ =	swait.ge [sflag:s20], $0x80  }
0x48: {  	[sflag:s20] =	ssyncset.done $0x0  }
0x49: {  	s8 =	rddreg [dreg:$0x9];
	[sflag:s20] =	ssyncadd.s32 $0xFFFFFF80  }
0x4a: {  	[hbm4b:s8+s2] =	stream.linear.scatter [tilespmem:s31], [sflag:$0x2], $0x100, $0x38;
	[tilespmem:$0xF80] =	vst v63  }
0x4b: {  	_ =	swait.ge [sflag:s16], $0x100  }
0x4c: {  	[sflag:s16] =	ssyncset.done $0x0  }
0x4d: {  	s10 =	rddreg [dreg:$0xa];
	[sflag:s16] =	ssyncadd.s32 $0xFFFFFF00  }
0x4e: {  	[hbm4b:s10+s2] =	stream.linear.scatter [tilespmem:s21], [sflag:$0x2], $0x100, $0x38;
	[tilespmem:$0xF80] =	vst v63  }
0x4f: {  	_ =	swait.ge [sflag:s16], $0x100  }
0x50: {  	[sflag:s16] =	ssyncset.done $0x0  }
0x51: {  	[sflag:s16] =	ssyncadd.s32 $0xFFFFFF00  }
0x52: {  	v0 =	vld [tilespmem:$0x180]  }
0x53: {  	v1 =	vld [tilespmem:$0x190]  }
0x54: {  	v2 =	vld [tilespmem:$0x1A0]  }
0x55: {  	v3 =	vld [tilespmem:$0x1B0]  }
0x56: {  	v61 =	vld [tilespmem:$0x1C0]  }
0x57: {  	[tilespmem:$0x380] =	vst v0;
	v0 =	vld [tilespmem:$0x1D0]  }
0x58: {  	v62 =	vld [tilespmem:$0x210];
	[tilespmem:$0x390] =	vst v1  }
0x59: {  	v1 =	vld [tilespmem:$0x1E0];
	[tilespmem:$0x3A0] =	vst v2  }
0x5a: {  	v2 =	vld [tilespmem:$0x1F0];
	[tilespmem:$0x3B0] =	vst v3  }
0x5b: {  	v3 =	vld [tilespmem:$0x200];
	[tilespmem:$0x3C0] =	vst v61  }
0x5c: {  	[tilespmem:$0x3D0] =	vst v0;
	v0 =	vld [tilespmem:$0x220]  }
0x5d: {  	v63 =	vld [tilespmem:$0x260];
	[tilespmem:$0x410] =	vst v62  }
0x5e: {  	[tilespmem:$0x3E0] =	vst v1;
	v1 =	vld [tilespmem:$0x230]  }
0x5f: {  	[tilespmem:$0x3F0] =	vst v2;
	v2 =	vld [tilespmem:$0x240]  }
0x60: {  	[tilespmem:$0x400] =	vst v3;
	v3 =	vld [tilespmem:$0x250]  }
0x61: {  	[tilespmem:$0x420] =	vst v0;
	v0 =	vld [tilespmem:$0x270]  }
0x62: {  	[tilespmem:$0x460] =	vst v63  }
0x63: {  	[tilespmem:$0x430] =	vst v1  }
0x64: {  	[tilespmem:$0x440] =	vst v2  }
0x65: {  	[tilespmem:$0x450] =	vst v3  }
0x66: {  	[tilespmem:$0x470] =	vst v0  }
0x67: {  	s1 =	simm.s32 $0x0;
	s6 =	simm.s32 $0x10;
	s8 =	simm.s32 $0x180;
	v0 =	vld [tilespmem:s31+$0x0]  }
.LBB2_2:
0x68: {  	p0 =	sne.s32 s6, $0xF0;
	_ =	sdelay $0x1  }
.Ltmp0:
0x69: {  	(pc) =	sbr.rel @p0 .LBB2_2-.Ltmp0, $4  }
0x6a: {  	_ = 	snop  }
0x6b: {  	s10 =	sand.u32 $0xF0, s1;
	s1 =	smov.u32 s6;
	v0 =	vadd.s32 $0x2000, v0  }
0x6c: {  	s8 =	sadd.s32 $0x10, s8;
	[tilespmem:s10+$0x480] =	vst v0  }
0x6d: {  	s6 =	sadd.s32 $0x10, s6;
	v0 =	vld [tilespmem:s8+$0x0]  }
0x6e: {  	_ =	sdelay $0x3  }
0x6f: {  	s1 =	sand.u32 $0xF0, s1;
	v0 =	vadd.s32 $0x2000, v0  }
0x70: {  	[tilespmem:s1+$0x480] =	vst v0  }
0x71: {  	s8 =	simm.s32 $0x10;
	s6 =	simm.s32 $0x0;
	s1 =	simm.s32 $0x0;
	v0 =	vld [tilespmem:s31+$0x0]  }
.LBB2_4:
0x72: {  	p0 =	sne.s32 s8, $0xF0;
	_ =	sdelay $0x1  }
.Ltmp1:
0x73: {  	(pc) =	sbr.rel @p0 .LBB2_4-.Ltmp1, $4  }
0x74: {  	_ = 	snop  }
0x75: {  	s10 =	sand.u32 $0xF0, s6;
	s6 =	smov.u32 s8;
	v0 =	vadd.s32 $0x4000, v0  }
0x76: {  	s31 =	sadd.s32 $0x10, s31;
	[tilespmem:s10+$0x580] =	vst v0  }
0x77: {  	s8 =	sadd.s32 $0x10, s8;
	v0 =	vld [tilespmem:s31+$0x0]  }
0x78: {  	_ =	sdelay $0x3  }
0x79: {  	s6 =	sand.u32 $0xF0, s6;
	v0 =	vadd.s32 $0x4000, v0  }
0x7a: {  	[tilespmem:s6+$0x580] =	vst v0;
	s6 =	simm.s32 $0x180  }
0x7b: {  	s8 =	simm.s32 $0x10;
	v0 =	vld [tilespmem:s6+$0x0]  }
.LBB2_6:
0x7c: {  	p0 =	sne.s32 s8, $0xF0;
	_ =	sdelay $0x1  }
.Ltmp2:
0x7d: {  	(pc) =	sbr.rel @p0 .LBB2_6-.Ltmp2, $4  }
0x7e: {  	_ = 	snop  }
0x7f: {  	s10 =	sand.u32 $0xF0, s1;
	s1 =	smov.u32 s8;
	v0 =	vadd.s32 $0x6000, v0  }
0x80: {  	s6 =	sadd.s32 $0x10, s6;
	[tilespmem:s10+$0x680] =	vst v0  }
0x81: {  	s8 =	sadd.s32 $0x10, s8;
	v0 =	vld [tilespmem:s6+$0x0]  }
0x82: {  	_ =	sdelay $0x3  }
0x83: {  	s1 =	sand.u32 $0xF0, s1;
	v0 =	vadd.s32 $0x6000, v0  }
0x84: {  	[tilespmem:s1+$0x680] =	vst v0  }
0x85: {  	[tilespmem:s24], [sflag:$0x1] =	stream.indirect.gather [hbm4b:s3+s17], $0x1, s23, s17, $0xb8;
	[tilespmem:$0xF80] =	vst v63  }
0x86: {  	s6 =	simm.s32 $0x800  }
0x87: {  	[tilespmem:s6], [sflag:$0x1] =	stream.indirect.gather [hbm4b:s3+s17], $0x1, s25, s17, $0xb8;
	[tilespmem:$0xF80] =	vst v63  }
0x88: {  	s8 =	simm.s32 $0x880  }
0x89: {  	[tilespmem:s8], [sflag:$0x1] =	stream.indirect.gather [hbm4b:s3+s17], $0x1, s28, s17, $0xb8;
	[tilespmem:$0xF80] =	vst v63  }
0x8a: {  	s10 =	simm.s32 $0x900  }
0x8b: {  	[tilespmem:s10], [sflag:$0x1] =	stream.indirect.gather [hbm4b:s3+s17], $0x1, s30, s17, $0xb8;
	[tilespmem:$0xF80] =	vst v63  }
0x8c: {  	s6 =	simm.s32 $0x980  }
0x8d: {  	[tilespmem:s6], [sflag:$0x1] =	stream.indirect.gather [hbm4b:s3+s17], $0x1, s0, s17, $0xb8;
	[tilespmem:$0xF80] =	vst v63  }
0x8e: {  	s8 =	simm.s32 $0xA00  }
0x8f: {  	[tilespmem:s8], [sflag:$0x1] =	stream.indirect.gather [hbm4b:s3+s17], $0x1, s5, s17, $0xb8;
	[tilespmem:$0xF80] =	vst v63  }
0x90: {  	s10 =	simm.s32 $0xA80  }
0x91: {  	[tilespmem:s10], [sflag:$0x1] =	stream.indirect.gather [hbm4b:s3+s17], $0x1, s7, s17, $0xb8;
	[tilespmem:$0xF80] =	vst v63  }
0x92: {  	s6 =	simm.s32 $0xB00  }
0x93: {  	[tilespmem:s6], [sflag:$0x1] =	stream.indirect.gather [hbm4b:s3+s17], $0x1, s9, s17, $0xb8;
	[tilespmem:$0xF80] =	vst v63  }
0x94: {  	_ =	swait.ge [sflag:s20], $0x80  }
0x95: {  	[sflag:s20] =	ssyncset.done $0x0  }
0x96: {  	[sflag:s20] =	ssyncadd.s32 $0xFFFFFF80  }
0x97: {  	_ =	swait.ge [sflag:s20], $0x80  }
0x98: {  	[sflag:s20] =	ssyncset.done $0x0  }
0x99: {  	[sflag:s20] =	ssyncadd.s32 $0xFFFFFF80  }
0x9a: {  	_ =	swait.ge [sflag:s20], $0x80  }
0x9b: {  	[sflag:s20] =	ssyncset.done $0x0  }
0x9c: {  	[sflag:s20] =	ssyncadd.s32 $0xFFFFFF80  }
0x9d: {  	_ =	swait.ge [sflag:s20], $0x80  }
0x9e: {  	[sflag:s20] =	ssyncset.done $0x0  }
0x9f: {  	[sflag:s20] =	ssyncadd.s32 $0xFFFFFF80  }
0xa0: {  	_ =	swait.ge [sflag:s20], $0x80  }
0xa1: {  	[sflag:s20] =	ssyncset.done $0x0  }
0xa2: {  	[sflag:s20] =	ssyncadd.s32 $0xFFFFFF80  }
0xa3: {  	_ =	swait.ge [sflag:s20], $0x80  }
0xa4: {  	[sflag:s20] =	ssyncset.done $0x0  }
0xa5: {  	[sflag:s20] =	ssyncadd.s32 $0xFFFFFF80  }
0xa6: {  	_ =	swait.ge [sflag:s20], $0x80  }
0xa7: {  	[sflag:s20] =	ssyncset.done $0x0  }
0xa8: {  	[sflag:s20] =	ssyncadd.s32 $0xFFFFFF80  }
0xa9: {  	_ =	swait.ge [sflag:s20], $0x80  }
0xaa: {  	[sflag:s20] =	ssyncset.done $0x0  }
0xab: {  	[sflag:s20] =	ssyncadd.s32 $0xFFFFFF80  }
0xac: {  	[tilespmem:s19], [sflag:$0x1] =	stream.indirect.gather [hbm4b:s4+s17], $0x1, s23, s17, $0xb8;
	[tilespmem:$0xF80] =	vst v63  }
0xad: {  	s8 =	simm.s32 $0xC00  }
0xae: {  	[tilespmem:s8], [sflag:$0x1] =	stream.indirect.gather [hbm4b:s4+s17], $0x1, s25, s17, $0xb8;
	[tilespmem:$0xF80] =	vst v63  }
0xaf: {  	_ = 	snop  }
0xb0: {  	[tilespmem:s12], [sflag:$0x1] =	stream.indirect.gather [hbm4b:s4+s17], $0x1, s28, s17, $0xb8;
	[tilespmem:$0xF80] =	vst v63  }
0xb1: {  	_ = 	snop  }
0xb2: {  	[tilespmem:s13], [sflag:$0x1] =	stream.indirect.gather [hbm4b:s4+s17], $0x1, s30, s17, $0xb8;
	[tilespmem:$0xF80] =	vst v63  }
0xb3: {  	_ = 	snop  }
0xb4: {  	[tilespmem:s22], [sflag:$0x1] =	stream.indirect.gather [hbm4b:s4+s17], $0x1, s0, s17, $0xb8;
	[tilespmem:$0xF80] =	vst v63  }
0xb5: {  	_ = 	snop  }
0xb6: {  	[tilespmem:s14], [sflag:$0x1] =	stream.indirect.gather [hbm4b:s4+s17], $0x1, s5, s17, $0xb8;
	[tilespmem:$0xF80] =	vst v63  }
0xb7: {  	_ = 	snop  }
0xb8: {  	[tilespmem:s15], [sflag:$0x1] =	stream.indirect.gather [hbm4b:s4+s17], $0x1, s7, s17, $0xb8;
	[tilespmem:$0xF80] =	vst v63  }
0xb9: {  	_ = 	snop  }
0xba: {  	[tilespmem:s26], [sflag:$0x1] =	stream.indirect.gather [hbm4b:s4+s17], $0x1, s9, s17, $0xb8;
	[tilespmem:$0xF80] =	vst v63  }
0xbb: {  	_ =	swait.ge [sflag:s20], $0x80  }
0xbc: {  	[sflag:s20] =	ssyncset.done $0x0  }
0xbd: {  	[sflag:s20] =	ssyncadd.s32 $0xFFFFFF80  }
0xbe: {  	_ =	swait.ge [sflag:s20], $0x80  }
0xbf: {  	[sflag:s20] =	ssyncset.done $0x0  }
0xc0: {  	[sflag:s20] =	ssyncadd.s32 $0xFFFFFF80  }
0xc1: {  	_ =	swait.ge [sflag:s20], $0x80  }
0xc2: {  	[sflag:s20] =	ssyncset.done $0x0  }
0xc3: {  	[sflag:s20] =	ssyncadd.s32 $0xFFFFFF80  }
0xc4: {  	_ =	swait.ge [sflag:s20], $0x80  }
0xc5: {  	[sflag:s20] =	ssyncset.done $0x0  }
0xc6: {  	[sflag:s20] =	ssyncadd.s32 $0xFFFFFF80  }
0xc7: {  	_ =	swait.ge [sflag:s20], $0x80  }
0xc8: {  	[sflag:s20] =	ssyncset.done $0x0  }
0xc9: {  	[sflag:s20] =	ssyncadd.s32 $0xFFFFFF80  }
0xca: {  	_ =	swait.ge [sflag:s20], $0x80  }
0xcb: {  	[sflag:s20] =	ssyncset.done $0x0  }
0xcc: {  	[sflag:s20] =	ssyncadd.s32 $0xFFFFFF80  }
0xcd: {  	_ =	swait.ge [sflag:s20], $0x80  }
0xce: {  	[sflag:s20] =	ssyncset.done $0x0  }
0xcf: {  	[sflag:s20] =	ssyncadd.s32 $0xFFFFFF80  }
0xd0: {  	_ =	swait.ge [sflag:s20], $0x80  }
0xd1: {  	[sflag:s20] =	ssyncset.done $0x0  }
0xd2: {  	s31 =	simm.s32 $0x0;
	s10 =	rddreg [dreg:$0xb];
	[sflag:s20] =	ssyncadd.s32 $0xFFFFFF80  }
0xd3: {  	[hbm4b:s10+s31] =	stream.linear.scatter [tilespmem:s24], [sflag:$0x2], $0x400, $0x38;
	[tilespmem:$0xF80] =	vst v63  }
0xd4: {  	_ =	swait.ge [sflag:s16], $0x400  }
0xd5: {  	[sflag:s16] =	ssyncset.done $0x0  }
0xd6: {  	s6 =	rddreg [dreg:$0xc];
	[sflag:s16] =	ssyncadd.s32 $0xFFFFFC00  }
0xd7: {  	[hbm4b:s6+s31] =	stream.linear.scatter [tilespmem:s19], [sflag:$0x2], $0x400, $0x38;
	[tilespmem:$0xF80] =	vst v63  }
0xd8: {  	_ =	swait.ge [sflag:s16], $0x400  }
0xd9: {  	[sflag:s16] =	ssyncset.done $0x0  }
0xda: {  	s8 =	rddreg [dreg:$0xd];
	[sflag:s16] =	ssyncadd.s32 $0xFFFFFC00  }
0xdb: {  	[tilespmem:s31], [sflag:$0x2] =	stream.linear.gather [hbm4b:s8+s31], $0x20, $0x38;
	[tilespmem:$0xF80] =	vst v63  }
0xdc: {  	_ =	swait.ge [sflag:s16], $0x20  }
0xdd: {  	[sflag:s16] =	ssyncset.done $0x0  }
0xde: {  	[sflag:s16] =	ssyncadd.s32 $0xFFFFFFE0  }
0xdf: {  	v0 =	vld [tilespmem:$0x0]  }
0xe0: {  	v1 =	vld [tilespmem:$0x10]  }
0xe1: {  	v2 =	vld [tilespmem:$0x0]  }
0xe2: {  	v3 =	vld [tilespmem:$0x10]  }
0xe3: {  	v4 =	vld [tilespmem:$0x0]  }
0xe4: {  	v5 =	vld [tilespmem:$0x10]  }
0xe5: {  	[tilespmem:$0x80] =	vst v0;
	v0 =	vld [tilespmem:$0x0]  }
0xe6: {  	[tilespmem:$0x90] =	vst v1;
	v1 =	vadd.s32 $0x2000, v2;
	v2 =	vld [tilespmem:$0x10]  }
0xe7: {  	[tilespmem:$0xA0] =	vst v1;
	v1 =	vadd.s32 $0x2000, v3;
	v3 =	vld [tilespmem:$0x0]  }
0xe8: {  	v57 =	vld [tilespmem:$0x10];
	[tilespmem:$0xB0] =	vst v1;
	v1 =	vadd.s32 $0x4000, v4  }
0xe9: {  	v58 =	vld [tilespmem:$0x0];
	[tilespmem:$0xC0] =	vst v1;
	v1 =	vadd.s32 $0x4000, v5  }
0xea: {  	[tilespmem:$0xD0] =	vst v1;
	v1 =	vld [tilespmem:$0x10];
	v0 =	vadd.s32 $0x6000, v0  }
0xeb: {  	[tilespmem:$0xE0] =	vst v0;
	v0 =	vadd.s32 $0x6000, v2;
	v2 =	vld [tilespmem:$0x0]  }
0xec: {  	[tilespmem:$0xF0] =	vst v0;
	v0 =	vadd.s32 $0x8000, v3;
	v3 =	vld [tilespmem:$0x10]  }
0xed: {  	v59 =	vld [tilespmem:$0x0];
	[tilespmem:$0x100] =	vst v0;
	v0 =	vadd.s32 $0x8000, v57  }
0xee: {  	v60 =	vld [tilespmem:$0x10];
	[tilespmem:$0x110] =	vst v0;
	v0 =	vadd.s32 $0xA000, v58  }
0xef: {  	[tilespmem:$0x120] =	vst v0;
	v0 =	vadd.s32 $0xA000, v1  }
0xf0: {  	[tilespmem:$0x130] =	vst v0;
	v0 =	vadd.s32 $0xC000, v2  }
0xf1: {  	[tilespmem:$0x140] =	vst v0;
	v0 =	vadd.s32 $0xC000, v3  }
0xf2: {  	[tilespmem:$0x150] =	vst v0;
	v0 =	vadd.s32 $0xE000, v59  }
0xf3: {  	[tilespmem:$0x160] =	vst v0;
	v0 =	vadd.s32 $0xE000, v60  }
0xf4: {  	s1 =	simm.s32 $0x180;
	[tilespmem:$0x170] =	vst v0  }
0xf5: {  	[tilespmem:s1], [sflag:$0x1] =	stream.indirect.gather [hbm4b:s3+s17], $0x1, s17, s17, $0xb8;
	[tilespmem:$0xF80] =	vst v63  }
0xf6: {  	_ = 	snop  }
0xf7: {  	[tilespmem:s11], [sflag:$0x1] =	stream.indirect.gather [hbm4b:s3+s17], $0x1, s18, s17, $0xb8;
	[tilespmem:$0xF80] =	vst v63  }
0xf8: {  	_ =	swait.ge [sflag:s20], $0x80  }
0xf9: {  	[sflag:s20] =	ssyncset.done $0x0  }
0xfa: {  	[sflag:s20] =	ssyncadd.s32 $0xFFFFFF80  }
0xfb: {  	_ =	swait.ge [sflag:s20], $0x80  }
0xfc: {  	[sflag:s20] =	ssyncset.done $0x0  }
0xfd: {  	[sflag:s20] =	ssyncadd.s32 $0xFFFFFF80  }
0xfe: {  	[tilespmem:s21], [sflag:$0x1] =	stream.indirect.gather [hbm4b:s4+s17], $0x1, s17, s17, $0xb8;
	[tilespmem:$0xF80] =	vst v63  }
0xff: {  	s6 =	simm.s32 $0x300  }
0x100: {  	[tilespmem:s6], [sflag:$0x1] =	stream.indirect.gather [hbm4b:s4+s17], $0x1, s18, s17, $0xb8;
	[tilespmem:$0xF80] =	vst v63  }
0x101: {  	_ =	swait.ge [sflag:s20], $0x80  }
0x102: {  	[sflag:s20] =	ssyncset.done $0x0  }
0x103: {  	[sflag:s20] =	ssyncadd.s32 $0xFFFFFF80  }
0x104: {  	_ =	swait.ge [sflag:s20], $0x80  }
0x105: {  	[sflag:s20] =	ssyncset.done $0x0  }
0x106: {  	s10 =	rddreg [dreg:$0xe];
	[sflag:s20] =	ssyncadd.s32 $0xFFFFFF80  }
0x107: {  	[hbm4b:s10+s31] =	stream.linear.scatter [tilespmem:s1], [sflag:$0x2], $0x100, $0x38;
	[tilespmem:$0xF80] =	vst v63  }
0x108: {  	_ =	swait.ge [sflag:s16], $0x100  }
0x109: {  	[sflag:s16] =	ssyncset.done $0x0  }
0x10a: {  	s11 =	rddreg [dreg:$0xf];
	[sflag:s16] =	ssyncadd.s32 $0xFFFFFF00  }
0x10b: {  	[hbm4b:s11+s31] =	stream.linear.scatter [tilespmem:s21], [sflag:$0x2], $0x100, $0x38;
	[tilespmem:$0xF80] =	vst v63  }
0x10c: {  	_ =	swait.ge [sflag:s16], $0x100  }
0x10d: {  	[sflag:s16] =	ssyncset.done $0x0  }
0x10e: {  	[sflag:s16] =	ssyncadd.s32 $0xFFFFFF00  }
0x10f: {  	v0 =	vld [tilespmem:$0x180]  }
0x110: {  	v1 =	vld [tilespmem:$0x190]  }
0x111: {  	v2 =	vld [tilespmem:$0x1A0]  }
0x112: {  	v3 =	vld [tilespmem:$0x1B0]  }
0x113: {  	v61 =	vld [tilespmem:$0x1C0]  }
0x114: {  	[tilespmem:$0x380] =	vst v0;
	v0 =	vld [tilespmem:$0x1D0]  }
0x115: {  	v62 =	vld [tilespmem:$0x210];
	[tilespmem:$0x390] =	vst v1  }
0x116: {  	v1 =	vld [tilespmem:$0x1E0];
	[tilespmem:$0x3A0] =	vst v2  }
0x117: {  	v2 =	vld [tilespmem:$0x1F0];
	[tilespmem:$0x3B0] =	vst v3  }
0x118: {  	v3 =	vld [tilespmem:$0x200];
	[tilespmem:$0x3C0] =	vst v61  }
0x119: {  	[tilespmem:$0x3D0] =	vst v0;
	v0 =	vld [tilespmem:$0x220]  }
0x11a: {  	v63 =	vld [tilespmem:$0x260];
	[tilespmem:$0x410] =	vst v62  }
0x11b: {  	[tilespmem:$0x3E0] =	vst v1;
	v1 =	vld [tilespmem:$0x230]  }
0x11c: {  	[tilespmem:$0x3F0] =	vst v2;
	v2 =	vld [tilespmem:$0x240]  }
0x11d: {  	[tilespmem:$0x400] =	vst v3;
	v3 =	vld [tilespmem:$0x250]  }
0x11e: {  	[tilespmem:$0x420] =	vst v0;
	v0 =	vld [tilespmem:$0x270]  }
0x11f: {  	[tilespmem:$0x460] =	vst v63  }
0x120: {  	[tilespmem:$0x430] =	vst v1  }
0x121: {  	[tilespmem:$0x440] =	vst v2  }
0x122: {  	[tilespmem:$0x450] =	vst v3  }
0x123: {  	[tilespmem:$0x470] =	vst v0  }
0x124: {  	s8 =	simm.s32 $0x10;
	s6 =	simm.s32 $0x0;
	s10 =	simm.s32 $0x180;
	v0 =	vld [tilespmem:s1+$0x0]  }
.LBB2_8:
0x125: {  	p0 =	sne.s32 s8, $0xF0;
	_ =	sdelay $0x1  }
.Ltmp3:
0x126: {  	(pc) =	sbr.rel @p0 .LBB2_8-.Ltmp3, $4  }
0x127: {  	_ = 	snop  }
0x128: {  	s11 =	sand.u32 $0xF0, s6;
	s6 =	smov.u32 s8;
	v0 =	vadd.s32 $0x2000, v0  }
0x129: {  	s10 =	sadd.s32 $0x10, s10;
	[tilespmem:s11+$0x480] =	vst v0  }
0x12a: {  	s8 =	sadd.s32 $0x10, s8;
	v0 =	vld [tilespmem:s10+$0x0]  }
0x12b: {  	_ =	sdelay $0x3  }
0x12c: {  	s6 =	sand.u32 $0xF0, s6;
	v0 =	vadd.s32 $0x2000, v0  }
0x12d: {  	[tilespmem:s6+$0x480] =	vst v0  }
0x12e: {  	s6 =	simm.s32 $0x10;
	v0 =	vld [tilespmem:s1+$0x0]  }
.LBB2_10:
0x12f: {  	p0 =	sne.s32 s6, $0xF0;
	_ =	sdelay $0x1  }
.Ltmp4:
0x130: {  	(pc) =	sbr.rel @p0 .LBB2_10-.Ltmp4, $4  }
0x131: {  	_ = 	snop  }
0x132: {  	s8 =	sand.u32 $0xF0, s31;
	s31 =	smov.u32 s6;
	v0 =	vadd.s32 $0x4000, v0  }
0x133: {  	s1 =	sadd.s32 $0x10, s1;
	[tilespmem:s8+$0x580] =	vst v0  }
0x134: {  	s6 =	sadd.s32 $0x10, s6;
	v0 =	vld [tilespmem:s1+$0x0]  }
0x135: {  	_ =	sdelay $0x3  }
0x136: {  	s1 =	sand.u32 $0xF0, s31;
	v0 =	vadd.s32 $0x4000, v0  }
0x137: {  	s31 =	simm.s32 $0x180;
	[tilespmem:s1+$0x580] =	vst v0  }
0x138: {  	s6 =	simm.s32 $0x10;
	s1 =	simm.s32 $0x0;
	v0 =	vld [tilespmem:s31+$0x0]  }
.LBB2_12:
0x139: {  	p0 =	sne.s32 s6, $0xF0;
	_ =	sdelay $0x1  }
.Ltmp5:
0x13a: {  	(pc) =	sbr.rel @p0 .LBB2_12-.Ltmp5, $4  }
0x13b: {  	_ = 	snop  }
0x13c: {  	s8 =	sand.u32 $0xF0, s1;
	s1 =	smov.u32 s6;
	v0 =	vadd.s32 $0x6000, v0  }
0x13d: {  	s31 =	sadd.s32 $0x10, s31;
	[tilespmem:s8+$0x680] =	vst v0  }
0x13e: {  	s6 =	sadd.s32 $0x10, s6;
	v0 =	vld [tilespmem:s31+$0x0]  }
0x13f: {  	_ =	sdelay $0x3  }
0x140: {  	s1 =	sand.u32 $0xF0, s1;
	v0 =	vadd.s32 $0x6000, v0  }
0x141: {  	[tilespmem:s1+$0x680] =	vst v0  }
0x142: {  	[tilespmem:s24], [sflag:$0x1] =	stream.indirect.gather [hbm4b:s3+s17], $0x1, s23, s17, $0xb8;
	[tilespmem:$0xF80] =	vst v63  }
0x143: {  	s31 =	simm.s32 $0x800  }
0x144: {  	[tilespmem:s31], [sflag:$0x1] =	stream.indirect.gather [hbm4b:s3+s17], $0x1, s25, s17, $0xb8;
	[tilespmem:$0xF80] =	vst v63  }
0x145: {  	s6 =	simm.s32 $0x880  }
0x146: {  	[tilespmem:s6], [sflag:$0x1] =	stream.indirect.gather [hbm4b:s3+s17], $0x1, s28, s17, $0xb8;
	[tilespmem:$0xF80] =	vst v63  }
0x147: {  	s8 =	simm.s32 $0x900  }
0x148: {  	[tilespmem:s8], [sflag:$0x1] =	stream.indirect.gather [hbm4b:s3+s17], $0x1, s30, s17, $0xb8;
	[tilespmem:$0xF80] =	vst v63  }
0x149: {  	s10 =	simm.s32 $0x980  }
0x14a: {  	[tilespmem:s10], [sflag:$0x1] =	stream.indirect.gather [hbm4b:s3+s17], $0x1, s0, s17, $0xb8;
	[tilespmem:$0xF80] =	vst v63  }
0x14b: {  	s11 =	simm.s32 $0xA00  }
0x14c: {  	[tilespmem:s11], [sflag:$0x1] =	stream.indirect.gather [hbm4b:s3+s17], $0x1, s5, s17, $0xb8;
	[tilespmem:$0xF80] =	vst v63  }
0x14d: {  	s31 =	simm.s32 $0xA80  }
0x14e: {  	[tilespmem:s31], [sflag:$0x1] =	stream.indirect.gather [hbm4b:s3+s17], $0x1, s7, s17, $0xb8;
	[tilespmem:$0xF80] =	vst v63  }
0x14f: {  	s6 =	simm.s32 $0xB00  }
0x150: {  	[tilespmem:s6], [sflag:$0x1] =	stream.indirect.gather [hbm4b:s3+s17], $0x1, s9, s17, $0xb8;
	[tilespmem:$0xF80] =	vst v63  }
0x151: {  	_ =	swait.ge [sflag:s20], $0x80  }
0x152: {  	[sflag:s20] =	ssyncset.done $0x0  }
0x153: {  	[sflag:s20] =	ssyncadd.s32 $0xFFFFFF80  }
0x154: {  	_ =	swait.ge [sflag:s20], $0x80  }
0x155: {  	[sflag:s20] =	ssyncset.done $0x0  }
0x156: {  	[sflag:s20] =	ssyncadd.s32 $0xFFFFFF80  }
0x157: {  	_ =	swait.ge [sflag:s20], $0x80  }
0x158: {  	[sflag:s20] =	ssyncset.done $0x0  }
0x159: {  	[sflag:s20] =	ssyncadd.s32 $0xFFFFFF80  }
0x15a: {  	_ =	swait.ge [sflag:s20], $0x80  }
0x15b: {  	[sflag:s20] =	ssyncset.done $0x0  }
0x15c: {  	[sflag:s20] =	ssyncadd.s32 $0xFFFFFF80  }
0x15d: {  	_ =	swait.ge [sflag:s20], $0x80  }
0x15e: {  	[sflag:s20] =	ssyncset.done $0x0  }
0x15f: {  	[sflag:s20] =	ssyncadd.s32 $0xFFFFFF80  }
0x160: {  	_ =	swait.ge [sflag:s20], $0x80  }
0x161: {  	[sflag:s20] =	ssyncset.done $0x0  }
0x162: {  	[sflag:s20] =	ssyncadd.s32 $0xFFFFFF80  }
0x163: {  	_ =	swait.ge [sflag:s20], $0x80  }
0x164: {  	[sflag:s20] =	ssyncset.done $0x0  }
0x165: {  	[sflag:s20] =	ssyncadd.s32 $0xFFFFFF80  }
0x166: {  	_ =	swait.ge [sflag:s20], $0x80  }
0x167: {  	[sflag:s20] =	ssyncset.done $0x0  }
0x168: {  	[sflag:s20] =	ssyncadd.s32 $0xFFFFFF80  }
0x169: {  	[tilespmem:s19], [sflag:$0x1] =	stream.indirect.gather [hbm4b:s4+s17], $0x1, s23, s17, $0xb8;
	[tilespmem:$0xF80] =	vst v63  }
0x16a: {  	s8 =	simm.s32 $0xC00  }
0x16b: {  	[tilespmem:s8], [sflag:$0x1] =	stream.indirect.gather [hbm4b:s4+s17], $0x1, s25, s17, $0xb8;
	[tilespmem:$0xF80] =	vst v63  }
0x16c: {  	_ = 	snop  }
0x16d: {  	[tilespmem:s12], [sflag:$0x1] =	stream.indirect.gather [hbm4b:s4+s17], $0x1, s28, s17, $0xb8;
	[tilespmem:$0xF80] =	vst v63  }
0x16e: {  	_ = 	snop  }
0x16f: {  	[tilespmem:s13], [sflag:$0x1] =	stream.indirect.gather [hbm4b:s4+s17], $0x1, s30, s17, $0xb8;
	[tilespmem:$0xF80] =	vst v63  }
0x170: {  	_ = 	snop  }
0x171: {  	[tilespmem:s22], [sflag:$0x1] =	stream.indirect.gather [hbm4b:s4+s17], $0x1, s0, s17, $0xb8;
	[tilespmem:$0xF80] =	vst v63  }
0x172: {  	_ = 	snop  }
0x173: {  	[tilespmem:s14], [sflag:$0x1] =	stream.indirect.gather [hbm4b:s4+s17], $0x1, s5, s17, $0xb8;
	[tilespmem:$0xF80] =	vst v63  }
0x174: {  	_ = 	snop  }
0x175: {  	[tilespmem:s15], [sflag:$0x1] =	stream.indirect.gather [hbm4b:s4+s17], $0x1, s7, s17, $0xb8;
	[tilespmem:$0xF80] =	vst v63  }
0x176: {  	_ = 	snop  }
0x177: {  	[tilespmem:s26], [sflag:$0x1] =	stream.indirect.gather [hbm4b:s4+s17], $0x1, s9, s17, $0xb8;
	[tilespmem:$0xF80] =	vst v63  }
0x178: {  	_ =	swait.ge [sflag:s20], $0x80  }
0x179: {  	[sflag:s20] =	ssyncset.done $0x0  }
0x17a: {  	[sflag:s20] =	ssyncadd.s32 $0xFFFFFF80  }
0x17b: {  	_ =	swait.ge [sflag:s20], $0x80  }
0x17c: {  	[sflag:s20] =	ssyncset.done $0x0  }
0x17d: {  	[sflag:s20] =	ssyncadd.s32 $0xFFFFFF80  }
0x17e: {  	_ =	swait.ge [sflag:s20], $0x80  }
0x17f: {  	[sflag:s20] =	ssyncset.done $0x0  }
0x180: {  	[sflag:s20] =	ssyncadd.s32 $0xFFFFFF80  }
0x181: {  	_ =	swait.ge [sflag:s20], $0x80  }
0x182: {  	[sflag:s20] =	ssyncset.done $0x0  }
0x183: {  	[sflag:s20] =	ssyncadd.s32 $0xFFFFFF80  }
0x184: {  	_ =	swait.ge [sflag:s20], $0x80  }
0x185: {  	[sflag:s20] =	ssyncset.done $0x0  }
0x186: {  	[sflag:s20] =	ssyncadd.s32 $0xFFFFFF80  }
0x187: {  	_ =	swait.ge [sflag:s20], $0x80  }
0x188: {  	[sflag:s20] =	ssyncset.done $0x0  }
0x189: {  	[sflag:s20] =	ssyncadd.s32 $0xFFFFFF80  }
0x18a: {  	_ =	swait.ge [sflag:s20], $0x80  }
0x18b: {  	[sflag:s20] =	ssyncset.done $0x0  }
0x18c: {  	[sflag:s20] =	ssyncadd.s32 $0xFFFFFF80  }
0x18d: {  	_ =	swait.ge [sflag:s20], $0x80  }
0x18e: {  	[sflag:s20] =	ssyncset.done $0x0  }
0x18f: {  	s10 =	rddreg [dreg:$0x10];
	[sflag:s20] =	ssyncadd.s32 $0xFFFFFF80  }
0x190: {  	[hbm4b:s10+s2] =	stream.linear.scatter [tilespmem:s24], [sflag:$0x2], $0x400, $0x38;
	[tilespmem:$0xF80] =	vst v63  }
0x191: {  	_ =	swait.ge [sflag:s16], $0x400  }
0x192: {  	[sflag:s16] =	ssyncset.done $0x0  }
0x193: {  	s11 =	rddreg [dreg:$0x11];
	[sflag:s16] =	ssyncadd.s32 $0xFFFFFC00  }
0x194: {  	[hbm4b:s11+s2] =	stream.linear.scatter [tilespmem:s19], [sflag:$0x2], $0x400, $0x38;
	[tilespmem:$0xF80] =	vst v63  }
0x195: {  	_ =	swait.ge [sflag:s16], $0x400  }
0x196: {  	s29 =	sadd.s32 $0x1, s29;
	s31 =	rddreg [dreg:$0x12]  }
0x197: {  	p0 =	sne.s32 s29, s31  }
.Ltmp6:
0x198: {  	_ = 	snop;
	(pc) =	sbr.rel @p0 .LBB2_1-.Ltmp6, $3  }
0x199: {  	_ =	sdelay $0x1  }
0x19a: {  	[sflag:s16] =	ssyncset.done $0x0  }
0x19b: {  	s11 =	simm.s32 $0x200;
	[sflag:s16] =	ssyncadd.s32 $0xFFFFFC00  }
0x19c: {  	_ =	sfence.sel $0x180000  }
0x19d: {  	[bflag:$0x0] =	sbarrier.arrive $0xFFFF  }
0x19e: {  	_ =	strace $0x9000004D  }
0x19f: {  	s0 =	stileid.u32;
	[bflag:$0x2] =	sbarrier.arrive $0xFFFF  }
0x1a0: {  	p0 =	sne.s32 s0, $0x0;
	s0 =	rddreg [dreg:$0x7]  }
0x1a1: {  	s0 =	sadd.s32 @!p0 $0x100000, s0  }
0x1a2: {  	[sflag:s0] =	ssyncadd.tile.s32 @!p0 $0x1;
	_ =	shalt  }
.Lfunc_end2:
_tile_overlayer_lowered:
.L_overlay_start_2:
0x1a3: {  	(tag) =	ssettag $0x2  }
0x1a4: {  	s0 =	rddreg [dreg:$0x0];
	s2 =	stileid.u32  }
0x1a5: {  	s1 =	rddreg [dreg:$0x1];
	p0 =	sne.s32 s2, $0x0  }
0x1a6: {  	s3 =	rddreg [dreg:$0x2];
	[bflag:$0x3] =	sbarrier.arrive $0xFFFF;
	s2 =	simm.s32 @!p0 $0x1C02  }
0x1a7: {  	[timem:s3], [sflag:s2] =	dma.local @!p0 [hbm:s0], s1  }
0x1a8: {  	s0 =	simm.s32 @!p0 $0x2  }
0x1a9: {  	_ =	swait.ge @!p0 [sflag:s0], s1  }
0x1aa: {  	s1 =	ssub.s32 @!p0 $0x0, s1;
	[sflag:s0] =	ssyncset.done @!p0 $0x0  }
0x1ab: {  	[sflag:s0] =	ssyncadd.s32 @!p0 s1  }
0x1ac: {  	[bflag:$0x3] =	sbarrier.arrive $0xFFFF  }
0x1ad: {  	_ =	shalt  }

</sc_bundles>
